<compile_context>
chip_gen: v7x
topology: tpu7x:2x2x1
jax: 0.10.2.dev20260603
libtpu: 0.0.44.dev20260713+nightly
codegen_flags: <defaults>
</compile_context>

<pallas_src>
import functools

import numpy as np

import jax
import jax.numpy as jnp
from jax import lax
from jax.experimental import pallas as pl
from jax.experimental.pallas import tpu as pltpu
from jax.experimental.pallas import tpu_sc as plsc

N = 10000
NP = 10240
DF = 128
DC = 64
NCLS = 40
E = 320000
B = 128
NTILES = 16
NCORES = 2
EPAD = 327680
NBATCH = EPAD // B // (NTILES * NCORES)
RBATCH = E // B
PADB = EPAD // B - RBATCH
LASTR = RBATCH - (NTILES * NCORES - 1) * NBATCH
RPT = NP // NTILES

_MESH = plsc.VectorSubcoreMesh(
    core_axis_name="c", subcore_axis_name="s",
    num_cores=NCORES, num_subcores=NTILES)
_SC_PARAMS = pltpu.CompilerParams(use_tc_tiling_on_sc=False)


def _make_agg(d):

    @functools.partial(
        pl.kernel,
        out_type=(jax.ShapeDtypeStruct((NP, d), jnp.float32),
                  jax.ShapeDtypeStruct((NP, d), jnp.float32)),
        mesh=_MESH,
        scratch_types=[
            pltpu.VMEM((NBATCH * B,), jnp.int32),
            pltpu.VMEM((NBATCH * B,), jnp.int32),
            pltpu.VMEM((B, d), jnp.float32),
            pltpu.VMEM((B, d), jnp.float32),
            pltpu.VMEM((B, d), jnp.float32),
            pltpu.VMEM((B, d), jnp.float32),
            pltpu.VMEM_SHARED((NP, d), jnp.float32),
            pltpu.SemaphoreType.DMA,
            pltpu.SemaphoreType.DMA,
            pltpu.SemaphoreType.DMA,
            pltpu.SemaphoreType.DMA,
            pltpu.SemaphoreType.DMA,
            pltpu.SemaphoreType.DMA,
            pltpu.SemaphoreType.DMA,
            pltpu.SemaphoreType.DMA,
        ],
        compiler_params=_SC_PARAMS,
    )
    def agg(g_hbm, eflat_hbm, padc_hbm, zero_hbm, out_a, out_b,
            srcs_v, dsts_v, r0, r1, r2, r3, acc_sh,
            sg0, sg1, sg2, sg3, ss0, ss1, ss2, ss3):
        rows = (r0, r1, r2, r3)
        sg = (sg0, sg1, sg2, sg3)
        ss = (ss0, ss1, ss2, ss3)
        c = lax.axis_index("c")
        s = lax.axis_index("s")
        row0 = s * RPT

        pltpu.sync_copy(zero_hbm.at[pl.ds(row0, RPT)],
                        acc_sh.at[pl.ds(row0, RPT)])

        t = c * NTILES + s
        eb = t * NBATCH * B

        @pl.when(t < NTILES * NCORES - 1)
        def _():
            pltpu.sync_copy(eflat_hbm.at[pl.ds(eb, NBATCH * B)], srcs_v)
            pltpu.sync_copy(eflat_hbm.at[pl.ds(E + eb, NBATCH * B)], dsts_v)

        @pl.when(t == NTILES * NCORES - 1)
        def _():
            pltpu.sync_copy(eflat_hbm.at[pl.ds(eb, LASTR * B)],
                            srcs_v.at[pl.ds(0, LASTR * B)])
            pltpu.sync_copy(padc_hbm.at[pl.ds(0, PADB * B)],
                            srcs_v.at[pl.ds(LASTR * B, PADB * B)])
            pltpu.sync_copy(eflat_hbm.at[pl.ds(E + eb, LASTR * B)],
                            dsts_v.at[pl.ds(0, LASTR * B)])
            pltpu.sync_copy(padc_hbm.at[pl.ds(0, PADB * B)],
                            dsts_v.at[pl.ds(LASTR * B, PADB * B)])

        plsc.subcore_barrier()

        def gather(i, p):
            return pltpu.async_copy(
                g_hbm.at[srcs_v.at[pl.ds(i * B, B)]], rows[p], sg[p])

        def gather_wait(i, p):
            pltpu.make_async_copy(
                g_hbm.at[srcs_v.at[pl.ds(i * B, B)]], rows[p], sg[p]).wait()

        def scatter(i, p):
            return pltpu.async_copy(
                rows[p], acc_sh.at[dsts_v.at[pl.ds(i * B, B)]],
                ss[p], add=True)

        def scatter_wait(i, p):
            pltpu.make_async_copy(
                rows[p], acc_sh.at[dsts_v.at[pl.ds(i * B, B)]],
                ss[p]).wait()

        def body(j, carry):
            for p in range(4):
                i = 4 * j + p

                @pl.when(j > 0)
                def _(i=i, p=p):
                    scatter_wait(i - 4, p)

                gather(i, p)
            for p in range(4):
                i = 4 * j + p
                gather_wait(i, p)
                scatter(i, p)
            return carry

        lax.fori_loop(0, NBATCH // 4, body, 0)
        for p in range(4):
            scatter_wait(NBATCH - 4 + p, p)
        plsc.subcore_barrier()

        @pl.when(c == 0)
        def _():
            pltpu.sync_copy(acc_sh.at[pl.ds(row0, RPT)],
                            out_a.at[pl.ds(row0, RPT)])

        @pl.when(c == 1)
        def _():
            pltpu.sync_copy(acc_sh.at[pl.ds(row0, RPT)],
                            out_b.at[pl.ds(row0, RPT)])

    return agg


@functools.partial(
    pl.kernel,
    out_type=(jax.ShapeDtypeStruct((NP, 8), jnp.float32),
              jax.ShapeDtypeStruct((NP, 8), jnp.float32)),
    mesh=_MESH,
    scratch_types=[
        pltpu.VMEM((NBATCH * B,), jnp.int32),
        pltpu.VMEM((B, 8), jnp.float32),
        pltpu.VMEM_SHARED((NP, 8), jnp.float32),
        pltpu.SemaphoreType.DMA,
    ],
    compiler_params=_SC_PARAMS,
)
def _deg(ones_hbm, eflat_hbm, padc_hbm, zero_hbm, out_a, out_b,
         dsts_v, ones_v, acc_sh, sem):
    c = lax.axis_index("c")
    s = lax.axis_index("s")
    row0 = s * RPT
    W = 8

    pltpu.sync_copy(zero_hbm.at[pl.ds(row0, RPT)],
                    acc_sh.at[pl.ds(row0, RPT)])
    pltpu.sync_copy(ones_hbm, ones_v)

    t = c * NTILES + s
    eb = t * NBATCH * B

    @pl.when(t < NTILES * NCORES - 1)
    def _():
        pltpu.sync_copy(eflat_hbm.at[pl.ds(E + eb, NBATCH * B)], dsts_v)

    @pl.when(t == NTILES * NCORES - 1)
    def _():
        pltpu.sync_copy(eflat_hbm.at[pl.ds(E + eb, LASTR * B)],
                        dsts_v.at[pl.ds(0, LASTR * B)])
        pltpu.sync_copy(padc_hbm.at[pl.ds(0, PADB * B)],
                        dsts_v.at[pl.ds(LASTR * B, PADB * B)])

    plsc.subcore_barrier()

    def body(i, carry):
        pltpu.async_copy(ones_v, acc_sh.at[dsts_v.at[pl.ds(i * B, B)]],
                         sem, add=True)

        @pl.when(i >= W)
        def _():
            pltpu.make_async_copy(
                ones_v, acc_sh.at[dsts_v.at[pl.ds((i - W) * B, B)]],
                sem).wait()
        return carry

    lax.fori_loop(0, NBATCH, body, 0)

    def drain(i, carry):
        pltpu.make_async_copy(
            ones_v, acc_sh.at[dsts_v.at[pl.ds((NBATCH - W + i) * B, B)]],
            sem).wait()
        return carry

    lax.fori_loop(0, W, drain, 0)
    plsc.subcore_barrier()

    @pl.when(c == 0)
    def _():
        pltpu.sync_copy(acc_sh.at[pl.ds(row0, RPT)],
                        out_a.at[pl.ds(row0, RPT)])

    @pl.when(c == 1)
    def _():
        pltpu.sync_copy(acc_sh.at[pl.ds(row0, RPT)],
                        out_b.at[pl.ds(row0, RPT)])


_agg64 = _make_agg(DC)

_NBATCH2 = EPAD // B // NTILES
_LASTR2 = RBATCH - (NTILES - 1) * _NBATCH2


@functools.partial(
    pl.kernel,
    out_type=(jax.ShapeDtypeStruct((NP, 64), jnp.float32),
              jax.ShapeDtypeStruct((NP, 64), jnp.float32)),
    mesh=_MESH,
    scratch_types=[
        pltpu.VMEM((_NBATCH2 * B,), jnp.int32),
        pltpu.VMEM((_NBATCH2 * B,), jnp.int32),
        pltpu.VMEM((B, 64), jnp.float32),
        pltpu.VMEM((B, 64), jnp.float32),
        pltpu.VMEM((B, 64), jnp.float32),
        pltpu.VMEM((B, 64), jnp.float32),
        pltpu.VMEM_SHARED((NP, 64), jnp.float32),
        pltpu.SemaphoreType.DMA,
        pltpu.SemaphoreType.DMA,
        pltpu.SemaphoreType.DMA,
        pltpu.SemaphoreType.DMA,
        pltpu.SemaphoreType.DMA,
        pltpu.SemaphoreType.DMA,
        pltpu.SemaphoreType.DMA,
        pltpu.SemaphoreType.DMA,
    ],
    compiler_params=_SC_PARAMS,
)
def _agg_l0(glo_hbm, ghi_hbm, eflat_hbm, padc_hbm, zero_hbm, out_lo, out_hi,
            srcs_v, dsts_v, r0, r1, r2, r3, acc_sh, sg0, sg1, sg2, sg3,
            ss0, ss1, ss2, ss3):
    c = lax.axis_index("c")
    s = lax.axis_index("s")
    rows = (r0, r1, r2, r3)
    sg = (sg0, sg1, sg2, sg3)
    ss = (ss0, ss1, ss2, ss3)
    row0 = s * RPT
    eb = s * _NBATCH2 * B

    def run(gref, outref):
        pltpu.sync_copy(zero_hbm.at[pl.ds(row0, RPT)],
                        acc_sh.at[pl.ds(row0, RPT)])

        @pl.when(s < NTILES - 1)
        def _():
            pltpu.sync_copy(eflat_hbm.at[pl.ds(eb, _NBATCH2 * B)], srcs_v)
            pltpu.sync_copy(eflat_hbm.at[pl.ds(E + eb, _NBATCH2 * B)],
                            dsts_v)

        @pl.when(s == NTILES - 1)
        def _():
            pltpu.sync_copy(eflat_hbm.at[pl.ds(eb, _LASTR2 * B)],
                            srcs_v.at[pl.ds(0, _LASTR2 * B)])
            pltpu.sync_copy(padc_hbm.at[pl.ds(0, PADB * B)],
                            srcs_v.at[pl.ds(_LASTR2 * B, PADB * B)])
            pltpu.sync_copy(eflat_hbm.at[pl.ds(E + eb, _LASTR2 * B)],
                            dsts_v.at[pl.ds(0, _LASTR2 * B)])
            pltpu.sync_copy(padc_hbm.at[pl.ds(0, PADB * B)],
                            dsts_v.at[pl.ds(_LASTR2 * B, PADB * B)])

        plsc.subcore_barrier()

        def body(j, carry):
            for p in range(4):
                i = 4 * j + p

                @pl.when(j > 0)
                def _(i=i, p=p):
                    pltpu.make_async_copy(
                        rows[p],
                        acc_sh.at[dsts_v.at[pl.ds((i - 4) * B, B)]],
                        ss[p]).wait()

                pltpu.async_copy(
                    gref.at[srcs_v.at[pl.ds(i * B, B)]], rows[p], sg[p])
            for p in range(4):
                i = 4 * j + p
                pltpu.make_async_copy(
                    gref.at[srcs_v.at[pl.ds(i * B, B)]], rows[p],
                    sg[p]).wait()
                pltpu.async_copy(
                    rows[p], acc_sh.at[dsts_v.at[pl.ds(i * B, B)]],
                    ss[p], add=True)
            return carry

        lax.fori_loop(0, _NBATCH2 // 4, body, 0)
        for p in range(4):
            pltpu.make_async_copy(
                rows[p],
                acc_sh.at[dsts_v.at[pl.ds((_NBATCH2 - 4 + p) * B, B)]],
                ss[p]).wait()
        plsc.subcore_barrier()
        pltpu.sync_copy(acc_sh.at[pl.ds(row0, RPT)],
                        outref.at[pl.ds(row0, RPT)])

    @pl.when(c == 0)
    def _():
        run(glo_hbm, out_lo)

    @pl.when(c == 1)
    def _():
        run(ghi_hbm, out_hi)


_RBLK = 1024
_GRID = NP // _RBLK


def _tc1_body(ha_ref, hb_ref, x_ref, glo_ref, ghi_ref, dinv_ref):
    i = pl.program_id(0)
    rows = lax.broadcasted_iota(jnp.int32, (_RBLK, 1), 0) + i * _RBLK
    deg = ha_ref[:, 0:1] + hb_ref[:, 0:1] + 1.0
    dinv = jnp.where(rows < N, lax.rsqrt(deg), 0.0)
    dinv_ref[...] = dinv
    g = x_ref[...] * dinv
    glo_ref[...] = g[:, :64]
    ghi_ref[...] = g[:, 64:]


def _tc1(ha, hb, x_pad):
    return pl.pallas_call(
        _tc1_body,
        grid=(_GRID,),
        in_specs=[
            pl.BlockSpec((_RBLK, 8), lambda i: (i, 0)),
            pl.BlockSpec((_RBLK, 8), lambda i: (i, 0)),
            pl.BlockSpec((_RBLK, DF), lambda i: (i, 0)),
        ],
        out_specs=[
            pl.BlockSpec((_RBLK, 64), lambda i: (i, 0)),
            pl.BlockSpec((_RBLK, 64), lambda i: (i, 0)),
            pl.BlockSpec((_RBLK, 1), lambda i: (i, 0)),
        ],
        out_shape=[
            jax.ShapeDtypeStruct((NP, 64), jnp.float32),
            jax.ShapeDtypeStruct((NP, 64), jnp.float32),
            jax.ShapeDtypeStruct((NP, 1), jnp.float32),
        ],
    )(ha, hb, x_pad)


def _tc2_body(a_ref, b_ref, glo_ref, ghi_ref, dinv_ref, w0_ref, b0_ref,
              w1_ref, q_ref):
    dinv = dinv_ref[...]
    a0 = (jnp.concatenate([a_ref[...], b_ref[...]], axis=1)
          + jnp.concatenate([glo_ref[...], ghi_ref[...]], axis=1)) * dinv
    h = jnp.dot(a0, w0_ref[...], preferred_element_type=jnp.float32)
    h = jnp.maximum(h + b0_ref[...], 0.0)
    q = jnp.dot(h, w1_ref[...], preferred_element_type=jnp.float32)
    q_ref[...] = q * dinv


def _tc2(acc_a, acc_b, glo, ghi, dinv, W0, b0r, W1p):
    return pl.pallas_call(
        _tc2_body,
        grid=(_GRID,),
        in_specs=[
            pl.BlockSpec((_RBLK, 64), lambda i: (i, 0)),
            pl.BlockSpec((_RBLK, 64), lambda i: (i, 0)),
            pl.BlockSpec((_RBLK, 64), lambda i: (i, 0)),
            pl.BlockSpec((_RBLK, 64), lambda i: (i, 0)),
            pl.BlockSpec((_RBLK, 1), lambda i: (i, 0)),
            pl.BlockSpec((DF, DF), lambda i: (0, 0)),
            pl.BlockSpec((1, DF), lambda i: (0, 0)),
            pl.BlockSpec((DF, DC), lambda i: (0, 0)),
        ],
        out_specs=pl.BlockSpec((_RBLK, DC), lambda i: (i, 0)),
        out_shape=jax.ShapeDtypeStruct((NP, DC), jnp.float32),
    )(acc_a, acc_b, glo, ghi, dinv, W0, b0r, W1p)


def _tc3_body(a_ref, b_ref, q_ref, dinv_ref, b1_ref, out_ref):
    z = ((a_ref[...] + b_ref[...] + q_ref[...]) * dinv_ref[...]
         + b1_ref[...])
    col = lax.broadcasted_iota(jnp.int32, (_RBLK, DC), 1)
    valid = col < NCLS
    zm = jnp.where(valid, z, -jnp.inf)
    m = jnp.max(zm, axis=1, keepdims=True)
    lse = jnp.log(jnp.sum(jnp.where(valid, jnp.exp(z - m), 0.0),
                          axis=1, keepdims=True))
    out_ref[...] = (z - m - lse)[:, :NCLS]


def _tc3(acc_a, acc_b, q1, dinv, b1r):
    return pl.pallas_call(
        _tc3_body,
        grid=(_GRID,),
        in_specs=[
            pl.BlockSpec((_RBLK, DC), lambda i: (i, 0)),
            pl.BlockSpec((_RBLK, DC), lambda i: (i, 0)),
            pl.BlockSpec((_RBLK, DC), lambda i: (i, 0)),
            pl.BlockSpec((_RBLK, 1), lambda i: (i, 0)),
            pl.BlockSpec((1, DC), lambda i: (0, 0)),
        ],
        out_specs=pl.BlockSpec((_RBLK, NCLS), lambda i: (i, 0)),
        out_shape=jax.ShapeDtypeStruct((NP, NCLS), jnp.float32),
    )(acc_a, acc_b, q1, dinv, b1r)


_PADC = np.int32(N) + (np.arange(PADB * B) % (NP - N)).astype(np.int32)


def kernel(x, edge_index, W0, b0, W1, b1):
    eflat = edge_index.reshape(2 * E)
    padc = jnp.asarray(_PADC)
    x_pad = jnp.zeros((NP, DF), jnp.float32).at[:N].set(x)
    ones16 = jnp.ones((B, 8), jnp.float32)
    z16 = jnp.zeros((NP, 8), jnp.float32)
    z64 = jnp.zeros((NP, DC), jnp.float32)
    W1p = jnp.zeros((DF, DC), jnp.float32).at[:, :NCLS].set(W1)
    b1r = jnp.zeros((1, DC), jnp.float32).at[0, :NCLS].set(b1)

    ha, hb = _deg(ones16, eflat, padc, z16)
    glo, ghi, dinv = _tc1(ha, hb, x_pad)
    s0lo, s0hi = _agg_l0(glo, ghi, eflat, padc, z64)
    q1 = _tc2(s0lo, s0hi, glo, ghi, dinv, W0, b0.reshape(1, DF), W1p)
    a1a, a1b = _agg64(q1, eflat, padc, z64)
    out_full = _tc3(a1a, a1b, q1, dinv, b1r)
    return out_full[:N]

# --- scband reference (transcript-rebuilt; emitter-appended) ---
"""Pipeline reference for scband-br-gcn2-3-88467736363031 (READ-ONLY COPY).

The authoritative reference and input builder live on the scoring server;
editing this copy changes nothing except your own understanding.
"""

import jax, jax.numpy as jnp
import numpy as np

N_NODES = 10000
D_FEAT = 128
HIDDEN = 128
N_CLASSES = 40
N_EDGES = 320000


def setup_inputs(seed: int = 0) -> dict:
    key = jax.random.key(seed)
    k1, k2, k3, k4 = jax.random.split(key, 4)
    x = jax.random.normal(k1, (N_NODES, D_FEAT), dtype=jnp.float32)
    edge_index = jax.random.randint(k2, (2, N_EDGES), 0, N_NODES, dtype=jnp.int32)
    W0 = jax.random.normal(k3, (D_FEAT, HIDDEN), dtype=jnp.float32) * (1.0 / np.sqrt(D_FEAT))
    b0 = jnp.zeros((HIDDEN,), dtype=jnp.float32)
    W1 = jax.random.normal(k4, (HIDDEN, N_CLASSES), dtype=jnp.float32) * (1.0 / np.sqrt(HIDDEN))
    b1 = jnp.zeros((N_CLASSES,), dtype=jnp.float32)
    return {"x": x, "edge_index": edge_index, "W0": W0, "b0": b0, "W1": W1, "b1": b1}


def _gcn_conv(x, edge_index, W, b):
    # PyG GCNConv: add self-loops, symmetric normalization, scatter-add aggregation
    n = x.shape[0]
    h = x @ W
    loop = jnp.arange(n, dtype=edge_index.dtype)
    src = jnp.concatenate([edge_index[0], loop])
    dst = jnp.concatenate([edge_index[1], loop])
    deg = jnp.zeros((n,), dtype=h.dtype).at[dst].add(1.0)
    dinv = jnp.where(deg > 0, deg ** -0.5, 0.0)
    norm = dinv[src] * dinv[dst]
    msgs = h[src] * norm[:, None]
    out = jnp.zeros((n, h.shape[1]), dtype=h.dtype).at[dst].add(msgs)
    return out + b


def reference(x, edge_index, W0, b0, W1, b1):
    # Layer 0: GCNConv(128 -> 128). br_multiplies contain 0, so bc_data_pp_2 branch is skipped.
    h = _gcn_conv(x, edge_index, W0, b0)
    # Between layers: relu + dropout (dropout is identity in eval mode)
    h = jax.nn.relu(h)
    # Layer 1: GCNConv(128 -> num_classes)
    h = _gcn_conv(h, edge_index, W1, b1)
    return jax.nn.log_softmax(h, axis=1)

if __name__ == "__main__":
    import jax
    _d = setup_inputs()
    print(jax.jit(kernel)(*tuple(_d.values())))

</pallas_src>

<mosaic_0001>
#map = affine_map<(d0, d1) -> (0, 0)>
#map1 = affine_map<(d0, d1) -> (0)>
module attributes {stable_mosaic.version = 14 : i64} {
  func.func @_deg(%arg0: i32, %arg1: i32, %arg2: memref<128x8xf32, #tpu.memory_space<hbm>>, %arg3: memref<640000xi32, #tpu.memory_space<hbm>>, %arg4: memref<7680xi32, #tpu.memory_space<hbm>>, %arg5: memref<10240x8xf32, #tpu.memory_space<hbm>>, %arg6: memref<10240x8xf32, #tpu.memory_space<hbm>>, %arg7: memref<10240x8xf32, #tpu.memory_space<hbm>>, %arg8: memref<10240xi32, #tpu.memory_space<vmem>>, %arg9: memref<128x8xf32, #tpu.memory_space<vmem>>, %arg10: memref<10240x8xf32, #tpu.memory_space<vmem_shared>>, %arg11: memref<!tpu.dma_semaphore, #tpu.memory_space<semaphore_mem>>) attributes {dimension_semantics = [#tpu.dimension_semantics<core_parallel>, #tpu.dimension_semantics<subcore_parallel>], iteration_bounds = array<i64: 2, 16>, scalar_prefetch = 0 : i64, scratch_operands = 4 : i64, tpu.core_type = #tpu.core_type<sc_vector_subcore>, window_params = [{transform_indices = #map}, {transform_indices = #map1}, {transform_indices = #map1}, {transform_indices = #map}, {transform_indices = #map}, {transform_indices = #map}]} {
    %mul3A = arith.constant 640 : i32
    %mul3A_0 = arith.muli %arg1, %mul3A : i32
    "tpu.region"() ({
      %run_scoped3A = tpu.sem_alloc : memref<!tpu.dma_semaphore, #tpu.memory_space<semaphore_mem>>
      %dma_start3A = arith.constant 0 : i32
      %dma_start3A_35 = tpu.memref_slice %arg10[%mul3A_0, %dma_start3A] : memref<10240x8xf32, #tpu.memory_space<vmem_shared>> -> memref<640x8xf32, #tpu.memory_space<vmem_shared>>
      %dma_start3A_36 = arith.constant 0 : i32
      %dma_start3A_37 = tpu.memref_slice %arg5[%mul3A_0, %dma_start3A_36] : memref<10240x8xf32, #tpu.memory_space<hbm>> -> memref<640x8xf32, #tpu.memory_space<hbm>>
      tpu.enqueue_dma source(%dma_start3A_37 : memref<640x8xf32, #tpu.memory_space<hbm>>) target(%dma_start3A_35 : memref<640x8xf32, #tpu.memory_space<vmem_shared>>) target_semaphore(%run_scoped3A : memref<!tpu.dma_semaphore, #tpu.memory_space<semaphore_mem>>)
      %dma_wait3A = arith.constant 0 : i32
      %dma_wait3A_38 = tpu.memref_slice %arg10[%mul3A_0, %dma_wait3A] : memref<10240x8xf32, #tpu.memory_space<vmem_shared>> -> memref<640x8xf32, #tpu.memory_space<vmem_shared>>
      %dma_wait3A_39 = arith.constant 0 : i32
      %dma_wait3A_40 = tpu.memref_slice %arg5[%mul3A_0, %dma_wait3A_39] : memref<10240x8xf32, #tpu.memory_space<hbm>> -> memref<640x8xf32, #tpu.memory_space<hbm>>
      tpu.wait_dma2 semaphore(%run_scoped3A : memref<!tpu.dma_semaphore, #tpu.memory_space<semaphore_mem>>) src(%dma_wait3A_40 : memref<640x8xf32, #tpu.memory_space<hbm>>) dst(%dma_wait3A_38 : memref<640x8xf32, #tpu.memory_space<vmem_shared>>)
      tpu.yield
    }) : () -> ()
    "tpu.region"() ({
      %run_scoped3A = tpu.sem_alloc : memref<!tpu.dma_semaphore, #tpu.memory_space<semaphore_mem>>
      tpu.enqueue_dma source(%arg2 : memref<128x8xf32, #tpu.memory_space<hbm>>) target(%arg9 : memref<128x8xf32, #tpu.memory_space<vmem>>) target_semaphore(%run_scoped3A : memref<!tpu.dma_semaphore, #tpu.memory_space<semaphore_mem>>)
      tpu.wait_dma2 semaphore(%run_scoped3A : memref<!tpu.dma_semaphore, #tpu.memory_space<semaphore_mem>>) src(%arg2 : memref<128x8xf32, #tpu.memory_space<hbm>>) dst(%arg9 : memref<128x8xf32, #tpu.memory_space<vmem>>)
      tpu.yield
    }) : () -> ()
    %mul3A_1 = arith.constant 16 : i32
    %mul3A_2 = arith.muli %arg0, %mul3A_1 : i32
    %add3A = arith.addi %mul3A_2, %arg1 : i32
    %mul3A_3 = arith.constant 80 : i32
    %mul3A_4 = arith.muli %add3A, %mul3A_3 : i32
    %mul3A_5 = arith.constant 128 : i32
    %mul3A_6 = arith.muli %mul3A_4, %mul3A_5 : i32
    %lt3A = arith.constant 31 : i32
    %lt3A_7 = arith.cmpi slt, %add3A, %lt3A : i32
    %convert_element_type3A = arith.extui %lt3A_7 : i1 to i32
    %cond3A = arith.constant 0 : i32
    %cond3A_8 = arith.cmpi ne, %convert_element_type3A, %cond3A : i32
    scf.if %cond3A_8 {
      %add3A_35 = arith.constant 320000 : i32
      %add3A_36 = arith.addi %add3A_35, %mul3A_6 : i32
      "tpu.region"() ({
        %run_scoped3A = tpu.sem_alloc : memref<!tpu.dma_semaphore, #tpu.memory_space<semaphore_mem>>
        %dma_start3A = tpu.memref_slice %arg3[%add3A_36] : memref<640000xi32, #tpu.memory_space<hbm>> -> memref<10240xi32, #tpu.memory_space<hbm>>
        %dma_start3A_37 = tpu.memref_slice %arg3[%add3A_36] : memref<640000xi32, #tpu.memory_space<hbm>> -> memref<10240xi32, #tpu.memory_space<hbm>>
        tpu.enqueue_dma source(%dma_start3A_37 : memref<10240xi32, #tpu.memory_space<hbm>>) target(%arg8 : memref<10240xi32, #tpu.memory_space<vmem>>) target_semaphore(%run_scoped3A : memref<!tpu.dma_semaphore, #tpu.memory_space<semaphore_mem>>)
        %dma_wait3A = tpu.memref_slice %arg3[%add3A_36] : memref<640000xi32, #tpu.memory_space<hbm>> -> memref<10240xi32, #tpu.memory_space<hbm>>
        %dma_wait3A_38 = tpu.memref_slice %arg3[%add3A_36] : memref<640000xi32, #tpu.memory_space<hbm>> -> memref<10240xi32, #tpu.memory_space<hbm>>
        tpu.wait_dma2 semaphore(%run_scoped3A : memref<!tpu.dma_semaphore, #tpu.memory_space<semaphore_mem>>) src(%dma_wait3A_38 : memref<10240xi32, #tpu.memory_space<hbm>>) dst(%arg8 : memref<10240xi32, #tpu.memory_space<vmem>>)
        tpu.yield
      }) : () -> ()
    } else {
    }
    %eq3A = arith.constant 31 : i32
    %eq3A_9 = arith.cmpi eq, %add3A, %eq3A : i32
    %convert_element_type3A_10 = arith.extui %eq3A_9 : i1 to i32
    %cond3A_11 = arith.constant 0 : i32
    %cond3A_12 = arith.cmpi ne, %convert_element_type3A_10, %cond3A_11 : i32
    scf.if %cond3A_12 {
      %add3A_35 = arith.constant 320000 : i32
      %add3A_36 = arith.addi %add3A_35, %mul3A_6 : i32
      "tpu.region"() ({
        %run_scoped3A = tpu.sem_alloc : memref<!tpu.dma_semaphore, #tpu.memory_space<semaphore_mem>>
        %dma_start3A = arith.constant 0 : i32
        %dma_start3A_37 = tpu.memref_slice %arg8[%dma_start3A] : memref<10240xi32, #tpu.memory_space<vmem>> -> memref<2560xi32, #tpu.memory_space<vmem>>
        %dma_start3A_38 = tpu.memref_slice %arg3[%add3A_36] : memref<640000xi32, #tpu.memory_space<hbm>> -> memref<2560xi32, #tpu.memory_space<hbm>>
        %dma_start3A_39 = arith.constant 0 : i32
        %dma_start3A_40 = tpu.memref_slice %arg8[%dma_start3A_39] : memref<10240xi32, #tpu.memory_space<vmem>> -> memref<2560xi32, #tpu.memory_space<vmem>>
        %dma_start3A_41 = tpu.memref_slice %arg3[%add3A_36] : memref<640000xi32, #tpu.memory_space<hbm>> -> memref<2560xi32, #tpu.memory_space<hbm>>
        tpu.enqueue_dma source(%dma_start3A_41 : memref<2560xi32, #tpu.memory_space<hbm>>) target(%dma_start3A_40 : memref<2560xi32, #tpu.memory_space<vmem>>) target_semaphore(%run_scoped3A : memref<!tpu.dma_semaphore, #tpu.memory_space<semaphore_mem>>)
        %dma_wait3A = arith.constant 0 : i32
        %dma_wait3A_42 = tpu.memref_slice %arg8[%dma_wait3A] : memref<10240xi32, #tpu.memory_space<vmem>> -> memref<2560xi32, #tpu.memory_space<vmem>>
        %dma_wait3A_43 = tpu.memref_slice %arg3[%add3A_36] : memref<640000xi32, #tpu.memory_space<hbm>> -> memref<2560xi32, #tpu.memory_space<hbm>>
        %dma_wait3A_44 = arith.constant 0 : i32
        %dma_wait3A_45 = tpu.memref_slice %arg8[%dma_wait3A_44] : memref<10240xi32, #tpu.memory_space<vmem>> -> memref<2560xi32, #tpu.memory_space<vmem>>
        %dma_wait3A_46 = tpu.memref_slice %arg3[%add3A_36] : memref<640000xi32, #tpu.memory_space<hbm>> -> memref<2560xi32, #tpu.memory_space<hbm>>
        tpu.wait_dma2 semaphore(%run_scoped3A : memref<!tpu.dma_semaphore, #tpu.memory_space<semaphore_mem>>) src(%dma_wait3A_46 : memref<2560xi32, #tpu.memory_space<hbm>>) dst(%dma_wait3A_45 : memref<2560xi32, #tpu.memory_space<vmem>>)
        tpu.yield
      }) : () -> ()
      "tpu.region"() ({
        %run_scoped3A = tpu.sem_alloc : memref<!tpu.dma_semaphore, #tpu.memory_space<semaphore_mem>>
        %dma_start3A = arith.constant 2560 : i32
        %dma_start3A_37 = tpu.memref_slice %arg8[%dma_start3A] : memref<10240xi32, #tpu.memory_space<vmem>> -> memref<7680xi32, #tpu.memory_space<vmem>>
        %dma_start3A_38 = arith.constant 0 : i32
        %dma_start3A_39 = tpu.memref_slice %arg4[%dma_start3A_38] : memref<7680xi32, #tpu.memory_space<hbm>> -> memref<7680xi32, #tpu.memory_space<hbm>>
        %dma_start3A_40 = arith.constant 2560 : i32
        %dma_start3A_41 = tpu.memref_slice %arg8[%dma_start3A_40] : memref<10240xi32, #tpu.memory_space<vmem>> -> memref<7680xi32, #tpu.memory_space<vmem>>
        %dma_start3A_42 = arith.constant 0 : i32
        %dma_start3A_43 = tpu.memref_slice %arg4[%dma_start3A_42] : memref<7680xi32, #tpu.memory_space<hbm>> -> memref<7680xi32, #tpu.memory_space<hbm>>
        tpu.enqueue_dma source(%dma_start3A_43 : memref<7680xi32, #tpu.memory_space<hbm>>) target(%dma_start3A_41 : memref<7680xi32, #tpu.memory_space<vmem>>) target_semaphore(%run_scoped3A : memref<!tpu.dma_semaphore, #tpu.memory_space<semaphore_mem>>)
        %dma_wait3A = arith.constant 2560 : i32
        %dma_wait3A_44 = tpu.memref_slice %arg8[%dma_wait3A] : memref<10240xi32, #tpu.memory_space<vmem>> -> memref<7680xi32, #tpu.memory_space<vmem>>
        %dma_wait3A_45 = arith.constant 0 : i32
        %dma_wait3A_46 = tpu.memref_slice %arg4[%dma_wait3A_45] : memref<7680xi32, #tpu.memory_space<hbm>> -> memref<7680xi32, #tpu.memory_space<hbm>>
        %dma_wait3A_47 = arith.constant 2560 : i32
        %dma_wait3A_48 = tpu.memref_slice %arg8[%dma_wait3A_47] : memref<10240xi32, #tpu.memory_space<vmem>> -> memref<7680xi32, #tpu.memory_space<vmem>>
        %dma_wait3A_49 = arith.constant 0 : i32
        %dma_wait3A_50 = tpu.memref_slice %arg4[%dma_wait3A_49] : memref<7680xi32, #tpu.memory_space<hbm>> -> memref<7680xi32, #tpu.memory_space<hbm>>
        tpu.wait_dma2 semaphore(%run_scoped3A : memref<!tpu.dma_semaphore, #tpu.memory_space<semaphore_mem>>) src(%dma_wait3A_50 : memref<7680xi32, #tpu.memory_space<hbm>>) dst(%dma_wait3A_48 : memref<7680xi32, #tpu.memory_space<vmem>>)
        tpu.yield
      }) : () -> ()
    } else {
    }
    %barrier3A = arith.constant 0 : index
    tpu.barrier barrier_id(%barrier3A)
    %scan3A = arith.constant 0 : i32
    %scan3A_13 = arith.constant 0 : i32
    %scan3A_14 = arith.constant 80 : i32
    %scan3A_15 = arith.addi %scan3A_13, %scan3A_14 : i32
    %scan3A_16 = arith.constant 1 : i32
    scf.for %scan3A_35 = %scan3A_13 to %scan3A_15 step %scan3A_16  : i32 {
      %mul3A_36 = arith.constant 128 : i32
      %mul3A_37 = arith.muli %scan3A_35, %mul3A_36 : i32
      %dma_start3A = tpu.memref_slice %arg8[%mul3A_37] : memref<10240xi32, #tpu.memory_space<vmem>> -> memref<128xi32, #tpu.memory_space<vmem>>
      %dma_start3A_38 = arith.constant 0 : i32
      %dma_start3A_39 = arith.constant 0 : i32
      %dma_start3A_40 = tpu.memref_slice %arg10[%dma_start3A_38, %dma_start3A_39] : memref<10240x8xf32, #tpu.memory_space<vmem_shared>> -> memref<10240x8xf32, #tpu.memory_space<vmem_shared>>
      tpu.enqueue_indirect_dma source(%arg9 : memref<128x8xf32, #tpu.memory_space<vmem>>) target(%dma_start3A_40 : memref<10240x8xf32, #tpu.memory_space<vmem_shared>>) offsets(%dma_start3A : memref<128xi32, #tpu.memory_space<vmem>>) semaphore(%arg11 : memref<!tpu.dma_semaphore, #tpu.memory_space<semaphore_mem>>) {add = true}
      %ge3A = arith.constant 8 : i32
      %ge3A_41 = arith.cmpi sge, %scan3A_35, %ge3A : i32
      %convert_element_type3A_42 = arith.extui %ge3A_41 : i1 to i32
      %cond3A_43 = arith.constant 0 : i32
      %cond3A_44 = arith.cmpi ne, %convert_element_type3A_42, %cond3A_43 : i32
      scf.if %cond3A_44 {
        %sub3A = arith.constant 8 : i32
        %sub3A_45 = arith.subi %scan3A_35, %sub3A : i32
        %mul3A_46 = arith.constant 128 : i32
        %mul3A_47 = arith.muli %sub3A_45, %mul3A_46 : i32
        %dma_wait3A = tpu.memref_slice %arg8[%mul3A_47] : memref<10240xi32, #tpu.memory_space<vmem>> -> memref<128xi32, #tpu.memory_space<vmem>>
        %dma_wait3A_48 = arith.constant 0 : i32
        %dma_wait3A_49 = arith.constant 0 : i32
        %dma_wait3A_50 = tpu.memref_slice %arg10[%dma_wait3A_48, %dma_wait3A_49] : memref<10240x8xf32, #tpu.memory_space<vmem_shared>> -> memref<10240x8xf32, #tpu.memory_space<vmem_shared>>
        tpu.wait_indirect_dma semaphore(%arg11 : memref<!tpu.dma_semaphore, #tpu.memory_space<semaphore_mem>>) src(%arg9 : memref<128x8xf32, #tpu.memory_space<vmem>>) dst(%dma_wait3A_50 : memref<10240x8xf32, #tpu.memory_space<vmem_shared>>)
      } else {
      }
    }
    %scan3A_17 = arith.constant 80 : i32
    %scan3A_18 = arith.constant 0 : i32
    %scan3A_19 = arith.constant 0 : i32
    %scan3A_20 = arith.constant 8 : i32
    %scan3A_21 = arith.addi %scan3A_19, %scan3A_20 : i32
    %scan3A_22 = arith.constant 1 : i32
    scf.for %scan3A_35 = %scan3A_19 to %scan3A_21 step %scan3A_22  : i32 {
      %add3A_36 = arith.constant 72 : i32
      %add3A_37 = arith.addi %add3A_36, %scan3A_35 : i32
      %mul3A_38 = arith.constant 128 : i32
      %mul3A_39 = arith.muli %add3A_37, %mul3A_38 : i32
      %dma_wait3A = tpu.memref_slice %arg8[%mul3A_39] : memref<10240xi32, #tpu.memory_space<vmem>> -> memref<128xi32, #tpu.memory_space<vmem>>
      %dma_wait3A_40 = arith.constant 0 : i32
      %dma_wait3A_41 = arith.constant 0 : i32
      %dma_wait3A_42 = tpu.memref_slice %arg10[%dma_wait3A_40, %dma_wait3A_41] : memref<10240x8xf32, #tpu.memory_space<vmem_shared>> -> memref<10240x8xf32, #tpu.memory_space<vmem_shared>>
      tpu.wait_indirect_dma semaphore(%arg11 : memref<!tpu.dma_semaphore, #tpu.memory_space<semaphore_mem>>) src(%arg9 : memref<128x8xf32, #tpu.memory_space<vmem>>) dst(%dma_wait3A_42 : memref<10240x8xf32, #tpu.memory_space<vmem_shared>>)
    }
    %scan3A_23 = arith.constant 8 : i32
    %barrier3A_24 = arith.constant 0 : index
    tpu.barrier barrier_id(%barrier3A_24)
    %eq3A_25 = arith.constant 0 : i32
    %eq3A_26 = arith.cmpi eq, %arg0, %eq3A_25 : i32
    %convert_element_type3A_27 = arith.extui %eq3A_26 : i1 to i32
    %cond3A_28 = arith.constant 0 : i32
    %cond3A_29 = arith.cmpi ne, %convert_element_type3A_27, %cond3A_28 : i32
    scf.if %cond3A_29 {
      "tpu.region"() ({
        %run_scoped3A = tpu.sem_alloc : memref<!tpu.dma_semaphore, #tpu.memory_space<semaphore_mem>>
        %dma_start3A = arith.constant 0 : i32
        %dma_start3A_35 = tpu.memref_slice %arg6[%mul3A_0, %dma_start3A] : memref<10240x8xf32, #tpu.memory_space<hbm>> -> memref<640x8xf32, #tpu.memory_space<hbm>>
        %dma_start3A_36 = arith.constant 0 : i32
        %dma_start3A_37 = tpu.memref_slice %arg10[%mul3A_0, %dma_start3A_36] : memref<10240x8xf32, #tpu.memory_space<vmem_shared>> -> memref<640x8xf32, #tpu.memory_space<vmem_shared>>
        tpu.enqueue_dma source(%dma_start3A_37 : memref<640x8xf32, #tpu.memory_space<vmem_shared>>) target(%dma_start3A_35 : memref<640x8xf32, #tpu.memory_space<hbm>>) target_semaphore(%run_scoped3A : memref<!tpu.dma_semaphore, #tpu.memory_space<semaphore_mem>>)
        %dma_wait3A = arith.constant 0 : i32
        %dma_wait3A_38 = tpu.memref_slice %arg6[%mul3A_0, %dma_wait3A] : memref<10240x8xf32, #tpu.memory_space<hbm>> -> memref<640x8xf32, #tpu.memory_space<hbm>>
        %dma_wait3A_39 = arith.constant 0 : i32
        %dma_wait3A_40 = tpu.memref_slice %arg10[%mul3A_0, %dma_wait3A_39] : memref<10240x8xf32, #tpu.memory_space<vmem_shared>> -> memref<640x8xf32, #tpu.memory_space<vmem_shared>>
        tpu.wait_dma2 semaphore(%run_scoped3A : memref<!tpu.dma_semaphore, #tpu.memory_space<semaphore_mem>>) src(%dma_wait3A_40 : memref<640x8xf32, #tpu.memory_space<vmem_shared>>) dst(%dma_wait3A_38 : memref<640x8xf32, #tpu.memory_space<hbm>>)
        tpu.yield
      }) : () -> ()
    } else {
    }
    %eq3A_30 = arith.constant 1 : i32
    %eq3A_31 = arith.cmpi eq, %arg0, %eq3A_30 : i32
    %convert_element_type3A_32 = arith.extui %eq3A_31 : i1 to i32
    %cond3A_33 = arith.constant 0 : i32
    %cond3A_34 = arith.cmpi ne, %convert_element_type3A_32, %cond3A_33 : i32
    scf.if %cond3A_34 {
      "tpu.region"() ({
        %run_scoped3A = tpu.sem_alloc : memref<!tpu.dma_semaphore, #tpu.memory_space<semaphore_mem>>
        %dma_start3A = arith.constant 0 : i32
        %dma_start3A_35 = tpu.memref_slice %arg7[%mul3A_0, %dma_start3A] : memref<10240x8xf32, #tpu.memory_space<hbm>> -> memref<640x8xf32, #tpu.memory_space<hbm>>
        %dma_start3A_36 = arith.constant 0 : i32
        %dma_start3A_37 = tpu.memref_slice %arg10[%mul3A_0, %dma_start3A_36] : memref<10240x8xf32, #tpu.memory_space<vmem_shared>> -> memref<640x8xf32, #tpu.memory_space<vmem_shared>>
        tpu.enqueue_dma source(%dma_start3A_37 : memref<640x8xf32, #tpu.memory_space<vmem_shared>>) target(%dma_start3A_35 : memref<640x8xf32, #tpu.memory_space<hbm>>) target_semaphore(%run_scoped3A : memref<!tpu.dma_semaphore, #tpu.memory_space<semaphore_mem>>)
        %dma_wait3A = arith.constant 0 : i32
        %dma_wait3A_38 = tpu.memref_slice %arg7[%mul3A_0, %dma_wait3A] : memref<10240x8xf32, #tpu.memory_space<hbm>> -> memref<640x8xf32, #tpu.memory_space<hbm>>
        %dma_wait3A_39 = arith.constant 0 : i32
        %dma_wait3A_40 = tpu.memref_slice %arg10[%mul3A_0, %dma_wait3A_39] : memref<10240x8xf32, #tpu.memory_space<vmem_shared>> -> memref<640x8xf32, #tpu.memory_space<vmem_shared>>
        tpu.wait_dma2 semaphore(%run_scoped3A : memref<!tpu.dma_semaphore, #tpu.memory_space<semaphore_mem>>) src(%dma_wait3A_40 : memref<640x8xf32, #tpu.memory_space<vmem_shared>>) dst(%dma_wait3A_38 : memref<640x8xf32, #tpu.memory_space<hbm>>)
        tpu.yield
      }) : () -> ()
    } else {
    }
    return
  }
}

#map = affine_map<(d0, d1) -> (0, 0)>
#map1 = affine_map<(d0, d1) -> (0)>
module attributes {stable_mosaic.version = 14 : i64} {
  func.func @agg(%arg0: i32, %arg1: i32, %arg2: memref<10240x64xf32, #tpu.memory_space<hbm>>, %arg3: memref<640000xi32, #tpu.memory_space<hbm>>, %arg4: memref<7680xi32, #tpu.memory_space<hbm>>, %arg5: memref<10240x64xf32, #tpu.memory_space<hbm>>, %arg6: memref<10240x64xf32, #tpu.memory_space<hbm>>, %arg7: memref<10240x64xf32, #tpu.memory_space<hbm>>, %arg8: memref<10240xi32, #tpu.memory_space<vmem>>, %arg9: memref<10240xi32, #tpu.memory_space<vmem>>, %arg10: memref<128x64xf32, #tpu.memory_space<vmem>>, %arg11: memref<128x64xf32, #tpu.memory_space<vmem>>, %arg12: memref<128x64xf32, #tpu.memory_space<vmem>>, %arg13: memref<128x64xf32, #tpu.memory_space<vmem>>, %arg14: memref<10240x64xf32, #tpu.memory_space<vmem_shared>>, %arg15: memref<!tpu.dma_semaphore, #tpu.memory_space<semaphore_mem>>, %arg16: memref<!tpu.dma_semaphore, #tpu.memory_space<semaphore_mem>>, %arg17: memref<!tpu.dma_semaphore, #tpu.memory_space<semaphore_mem>>, %arg18: memref<!tpu.dma_semaphore, #tpu.memory_space<semaphore_mem>>, %arg19: memref<!tpu.dma_semaphore, #tpu.memory_space<semaphore_mem>>, %arg20: memref<!tpu.dma_semaphore, #tpu.memory_space<semaphore_mem>>, %arg21: memref<!tpu.dma_semaphore, #tpu.memory_space<semaphore_mem>>, %arg22: memref<!tpu.dma_semaphore, #tpu.memory_space<semaphore_mem>>) attributes {dimension_semantics = [#tpu.dimension_semantics<core_parallel>, #tpu.dimension_semantics<subcore_parallel>], iteration_bounds = array<i64: 2, 16>, scalar_prefetch = 0 : i64, scratch_operands = 15 : i64, tpu.core_type = #tpu.core_type<sc_vector_subcore>, window_params = [{transform_indices = #map}, {transform_indices = #map1}, {transform_indices = #map1}, {transform_indices = #map}, {transform_indices = #map}, {transform_indices = #map}]} {
    %mul3A = arith.constant 640 : i32
    %mul3A_0 = arith.muli %arg1, %mul3A : i32
    "tpu.region"() ({
      %run_scoped3A = tpu.sem_alloc : memref<!tpu.dma_semaphore, #tpu.memory_space<semaphore_mem>>
      %dma_start3A = arith.constant 0 : i32
      %dma_start3A_48 = tpu.memref_slice %arg14[%mul3A_0, %dma_start3A] : memref<10240x64xf32, #tpu.memory_space<vmem_shared>> -> memref<640x64xf32, #tpu.memory_space<vmem_shared>>
      %dma_start3A_49 = arith.constant 0 : i32
      %dma_start3A_50 = tpu.memref_slice %arg5[%mul3A_0, %dma_start3A_49] : memref<10240x64xf32, #tpu.memory_space<hbm>> -> memref<640x64xf32, #tpu.memory_space<hbm>>
      tpu.enqueue_dma source(%dma_start3A_50 : memref<640x64xf32, #tpu.memory_space<hbm>>) target(%dma_start3A_48 : memref<640x64xf32, #tpu.memory_space<vmem_shared>>) target_semaphore(%run_scoped3A : memref<!tpu.dma_semaphore, #tpu.memory_space<semaphore_mem>>)
      %dma_wait3A_51 = arith.constant 0 : i32
      %dma_wait3A_52 = tpu.memref_slice %arg14[%mul3A_0, %dma_wait3A_51] : memref<10240x64xf32, #tpu.memory_space<vmem_shared>> -> memref<640x64xf32, #tpu.memory_space<vmem_shared>>
      %dma_wait3A_53 = arith.constant 0 : i32
      %dma_wait3A_54 = tpu.memref_slice %arg5[%mul3A_0, %dma_wait3A_53] : memref<10240x64xf32, #tpu.memory_space<hbm>> -> memref<640x64xf32, #tpu.memory_space<hbm>>
      tpu.wait_dma2 semaphore(%run_scoped3A : memref<!tpu.dma_semaphore, #tpu.memory_space<semaphore_mem>>) src(%dma_wait3A_54 : memref<640x64xf32, #tpu.memory_space<hbm>>) dst(%dma_wait3A_52 : memref<640x64xf32, #tpu.memory_space<vmem_shared>>)
      tpu.yield
    }) : () -> ()
    %mul3A_1 = arith.constant 16 : i32
    %mul3A_2 = arith.muli %arg0, %mul3A_1 : i32
    %add3A = arith.addi %mul3A_2, %arg1 : i32
    %mul3A_3 = arith.constant 80 : i32
    %mul3A_4 = arith.muli %add3A, %mul3A_3 : i32
    %mul3A_5 = arith.constant 128 : i32
    %mul3A_6 = arith.muli %mul3A_4, %mul3A_5 : i32
    %lt3A = arith.constant 31 : i32
    %lt3A_7 = arith.cmpi slt, %add3A, %lt3A : i32
    %convert_element_type3A = arith.extui %lt3A_7 : i1 to i32
    %cond3A = arith.constant 0 : i32
    %cond3A_8 = arith.cmpi ne, %convert_element_type3A, %cond3A : i32
    scf.if %cond3A_8 {
      "tpu.region"() ({
        %run_scoped3A = tpu.sem_alloc : memref<!tpu.dma_semaphore, #tpu.memory_space<semaphore_mem>>
        %dma_start3A = tpu.memref_slice %arg3[%mul3A_6] : memref<640000xi32, #tpu.memory_space<hbm>> -> memref<10240xi32, #tpu.memory_space<hbm>>
        %dma_start3A_50 = tpu.memref_slice %arg3[%mul3A_6] : memref<640000xi32, #tpu.memory_space<hbm>> -> memref<10240xi32, #tpu.memory_space<hbm>>
        tpu.enqueue_dma source(%dma_start3A_50 : memref<10240xi32, #tpu.memory_space<hbm>>) target(%arg8 : memref<10240xi32, #tpu.memory_space<vmem>>) target_semaphore(%run_scoped3A : memref<!tpu.dma_semaphore, #tpu.memory_space<semaphore_mem>>)
        %dma_wait3A_51 = tpu.memref_slice %arg3[%mul3A_6] : memref<640000xi32, #tpu.memory_space<hbm>> -> memref<10240xi32, #tpu.memory_space<hbm>>
        %dma_wait3A_52 = tpu.memref_slice %arg3[%mul3A_6] : memref<640000xi32, #tpu.memory_space<hbm>> -> memref<10240xi32, #tpu.memory_space<hbm>>
        tpu.wait_dma2 semaphore(%run_scoped3A : memref<!tpu.dma_semaphore, #tpu.memory_space<semaphore_mem>>) src(%dma_wait3A_52 : memref<10240xi32, #tpu.memory_space<hbm>>) dst(%arg8 : memref<10240xi32, #tpu.memory_space<vmem>>)
        tpu.yield
      }) : () -> ()
      %add3A_48 = arith.constant 320000 : i32
      %add3A_49 = arith.addi %add3A_48, %mul3A_6 : i32
      "tpu.region"() ({
        %run_scoped3A = tpu.sem_alloc : memref<!tpu.dma_semaphore, #tpu.memory_space<semaphore_mem>>
        %dma_start3A = tpu.memref_slice %arg3[%add3A_49] : memref<640000xi32, #tpu.memory_space<hbm>> -> memref<10240xi32, #tpu.memory_space<hbm>>
        %dma_start3A_50 = tpu.memref_slice %arg3[%add3A_49] : memref<640000xi32, #tpu.memory_space<hbm>> -> memref<10240xi32, #tpu.memory_space<hbm>>
        tpu.enqueue_dma source(%dma_start3A_50 : memref<10240xi32, #tpu.memory_space<hbm>>) target(%arg9 : memref<10240xi32, #tpu.memory_space<vmem>>) target_semaphore(%run_scoped3A : memref<!tpu.dma_semaphore, #tpu.memory_space<semaphore_mem>>)
        %dma_wait3A_51 = tpu.memref_slice %arg3[%add3A_49] : memref<640000xi32, #tpu.memory_space<hbm>> -> memref<10240xi32, #tpu.memory_space<hbm>>
        %dma_wait3A_52 = tpu.memref_slice %arg3[%add3A_49] : memref<640000xi32, #tpu.memory_space<hbm>> -> memref<10240xi32, #tpu.memory_space<hbm>>
        tpu.wait_dma2 semaphore(%run_scoped3A : memref<!tpu.dma_semaphore, #tpu.memory_space<semaphore_mem>>) src(%dma_wait3A_52 : memref<10240xi32, #tpu.memory_space<hbm>>) dst(%arg9 : memref<10240xi32, #tpu.memory_space<vmem>>)
        tpu.yield
      }) : () -> ()
    } else {
    }
    %eq3A = arith.constant 31 : i32
    %eq3A_9 = arith.cmpi eq, %add3A, %eq3A : i32
    %convert_element_type3A_10 = arith.extui %eq3A_9 : i1 to i32
    %cond3A_11 = arith.constant 0 : i32
    %cond3A_12 = arith.cmpi ne, %convert_element_type3A_10, %cond3A_11 : i32
    scf.if %cond3A_12 {
      "tpu.region"() ({
        %run_scoped3A = tpu.sem_alloc : memref<!tpu.dma_semaphore, #tpu.memory_space<semaphore_mem>>
        %dma_start3A = arith.constant 0 : i32
        %dma_start3A_50 = tpu.memref_slice %arg8[%dma_start3A] : memref<10240xi32, #tpu.memory_space<vmem>> -> memref<2560xi32, #tpu.memory_space<vmem>>
        %dma_start3A_51 = tpu.memref_slice %arg3[%mul3A_6] : memref<640000xi32, #tpu.memory_space<hbm>> -> memref<2560xi32, #tpu.memory_space<hbm>>
        %dma_start3A_52 = arith.constant 0 : i32
        %dma_start3A_53 = tpu.memref_slice %arg8[%dma_start3A_52] : memref<10240xi32, #tpu.memory_space<vmem>> -> memref<2560xi32, #tpu.memory_space<vmem>>
        %dma_start3A_54 = tpu.memref_slice %arg3[%mul3A_6] : memref<640000xi32, #tpu.memory_space<hbm>> -> memref<2560xi32, #tpu.memory_space<hbm>>
        tpu.enqueue_dma source(%dma_start3A_54 : memref<2560xi32, #tpu.memory_space<hbm>>) target(%dma_start3A_53 : memref<2560xi32, #tpu.memory_space<vmem>>) target_semaphore(%run_scoped3A : memref<!tpu.dma_semaphore, #tpu.memory_space<semaphore_mem>>)
        %dma_wait3A_55 = arith.constant 0 : i32
        %dma_wait3A_56 = tpu.memref_slice %arg8[%dma_wait3A_55] : memref<10240xi32, #tpu.memory_space<vmem>> -> memref<2560xi32, #tpu.memory_space<vmem>>
        %dma_wait3A_57 = tpu.memref_slice %arg3[%mul3A_6] : memref<640000xi32, #tpu.memory_space<hbm>> -> memref<2560xi32, #tpu.memory_space<hbm>>
        %dma_wait3A_58 = arith.constant 0 : i32
        %dma_wait3A_59 = tpu.memref_slice %arg8[%dma_wait3A_58] : memref<10240xi32, #tpu.memory_space<vmem>> -> memref<2560xi32, #tpu.memory_space<vmem>>
        %dma_wait3A_60 = tpu.memref_slice %arg3[%mul3A_6] : memref<640000xi32, #tpu.memory_space<hbm>> -> memref<2560xi32, #tpu.memory_space<hbm>>
        tpu.wait_dma2 semaphore(%run_scoped3A : memref<!tpu.dma_semaphore, #tpu.memory_space<semaphore_mem>>) src(%dma_wait3A_60 : memref<2560xi32, #tpu.memory_space<hbm>>) dst(%dma_wait3A_59 : memref<2560xi32, #tpu.memory_space<vmem>>)
        tpu.yield
      }) : () -> ()
      "tpu.region"() ({
        %run_scoped3A = tpu.sem_alloc : memref<!tpu.dma_semaphore, #tpu.memory_space<semaphore_mem>>
        %dma_start3A = arith.constant 2560 : i32
        %dma_start3A_50 = tpu.memref_slice %arg8[%dma_start3A] : memref<10240xi32, #tpu.memory_space<vmem>> -> memref<7680xi32, #tpu.memory_space<vmem>>
        %dma_start3A_51 = arith.constant 0 : i32
        %dma_start3A_52 = tpu.memref_slice %arg4[%dma_start3A_51] : memref<7680xi32, #tpu.memory_space<hbm>> -> memref<7680xi32, #tpu.memory_space<hbm>>
        %dma_start3A_53 = arith.constant 2560 : i32
        %dma_start3A_54 = tpu.memref_slice %arg8[%dma_start3A_53] : memref<10240xi32, #tpu.memory_space<vmem>> -> memref<7680xi32, #tpu.memory_space<vmem>>
        %dma_start3A_55 = arith.constant 0 : i32
        %dma_start3A_56 = tpu.memref_slice %arg4[%dma_start3A_55] : memref<7680xi32, #tpu.memory_space<hbm>> -> memref<7680xi32, #tpu.memory_space<hbm>>
        tpu.enqueue_dma source(%dma_start3A_56 : memref<7680xi32, #tpu.memory_space<hbm>>) target(%dma_start3A_54 : memref<7680xi32, #tpu.memory_space<vmem>>) target_semaphore(%run_scoped3A : memref<!tpu.dma_semaphore, #tpu.memory_space<semaphore_mem>>)
        %dma_wait3A_57 = arith.constant 2560 : i32
        %dma_wait3A_58 = tpu.memref_slice %arg8[%dma_wait3A_57] : memref<10240xi32, #tpu.memory_space<vmem>> -> memref<7680xi32, #tpu.memory_space<vmem>>
        %dma_wait3A_59 = arith.constant 0 : i32
        %dma_wait3A_60 = tpu.memref_slice %arg4[%dma_wait3A_59] : memref<7680xi32, #tpu.memory_space<hbm>> -> memref<7680xi32, #tpu.memory_space<hbm>>
        %dma_wait3A_61 = arith.constant 2560 : i32
        %dma_wait3A_62 = tpu.memref_slice %arg8[%dma_wait3A_61] : memref<10240xi32, #tpu.memory_space<vmem>> -> memref<7680xi32, #tpu.memory_space<vmem>>
        %dma_wait3A_63 = arith.constant 0 : i32
        %dma_wait3A_64 = tpu.memref_slice %arg4[%dma_wait3A_63] : memref<7680xi32, #tpu.memory_space<hbm>> -> memref<7680xi32, #tpu.memory_space<hbm>>
        tpu.wait_dma2 semaphore(%run_scoped3A : memref<!tpu.dma_semaphore, #tpu.memory_space<semaphore_mem>>) src(%dma_wait3A_64 : memref<7680xi32, #tpu.memory_space<hbm>>) dst(%dma_wait3A_62 : memref<7680xi32, #tpu.memory_space<vmem>>)
        tpu.yield
      }) : () -> ()
      %add3A_48 = arith.constant 320000 : i32
      %add3A_49 = arith.addi %add3A_48, %mul3A_6 : i32
      "tpu.region"() ({
        %run_scoped3A = tpu.sem_alloc : memref<!tpu.dma_semaphore, #tpu.memory_space<semaphore_mem>>
        %dma_start3A = arith.constant 0 : i32
        %dma_start3A_50 = tpu.memref_slice %arg9[%dma_start3A] : memref<10240xi32, #tpu.memory_space<vmem>> -> memref<2560xi32, #tpu.memory_space<vmem>>
        %dma_start3A_51 = tpu.memref_slice %arg3[%add3A_49] : memref<640000xi32, #tpu.memory_space<hbm>> -> memref<2560xi32, #tpu.memory_space<hbm>>
        %dma_start3A_52 = arith.constant 0 : i32
        %dma_start3A_53 = tpu.memref_slice %arg9[%dma_start3A_52] : memref<10240xi32, #tpu.memory_space<vmem>> -> memref<2560xi32, #tpu.memory_space<vmem>>
        %dma_start3A_54 = tpu.memref_slice %arg3[%add3A_49] : memref<640000xi32, #tpu.memory_space<hbm>> -> memref<2560xi32, #tpu.memory_space<hbm>>
        tpu.enqueue_dma source(%dma_start3A_54 : memref<2560xi32, #tpu.memory_space<hbm>>) target(%dma_start3A_53 : memref<2560xi32, #tpu.memory_space<vmem>>) target_semaphore(%run_scoped3A : memref<!tpu.dma_semaphore, #tpu.memory_space<semaphore_mem>>)
        %dma_wait3A_55 = arith.constant 0 : i32
        %dma_wait3A_56 = tpu.memref_slice %arg9[%dma_wait3A_55] : memref<10240xi32, #tpu.memory_space<vmem>> -> memref<2560xi32, #tpu.memory_space<vmem>>
        %dma_wait3A_57 = tpu.memref_slice %arg3[%add3A_49] : memref<640000xi32, #tpu.memory_space<hbm>> -> memref<2560xi32, #tpu.memory_space<hbm>>
        %dma_wait3A_58 = arith.constant 0 : i32
        %dma_wait3A_59 = tpu.memref_slice %arg9[%dma_wait3A_58] : memref<10240xi32, #tpu.memory_space<vmem>> -> memref<2560xi32, #tpu.memory_space<vmem>>
        %dma_wait3A_60 = tpu.memref_slice %arg3[%add3A_49] : memref<640000xi32, #tpu.memory_space<hbm>> -> memref<2560xi32, #tpu.memory_space<hbm>>
        tpu.wait_dma2 semaphore(%run_scoped3A : memref<!tpu.dma_semaphore, #tpu.memory_space<semaphore_mem>>) src(%dma_wait3A_60 : memref<2560xi32, #tpu.memory_space<hbm>>) dst(%dma_wait3A_59 : memref<2560xi32, #tpu.memory_space<vmem>>)
        tpu.yield
      }) : () -> ()
      "tpu.region"() ({
        %run_scoped3A = tpu.sem_alloc : memref<!tpu.dma_semaphore, #tpu.memory_space<semaphore_mem>>
        %dma_start3A = arith.constant 2560 : i32
        %dma_start3A_50 = tpu.memref_slice %arg9[%dma_start3A] : memref<10240xi32, #tpu.memory_space<vmem>> -> memref<7680xi32, #tpu.memory_space<vmem>>
        %dma_start3A_51 = arith.constant 0 : i32
        %dma_start3A_52 = tpu.memref_slice %arg4[%dma_start3A_51] : memref<7680xi32, #tpu.memory_space<hbm>> -> memref<7680xi32, #tpu.memory_space<hbm>>
        %dma_start3A_53 = arith.constant 2560 : i32
        %dma_start3A_54 = tpu.memref_slice %arg9[%dma_start3A_53] : memref<10240xi32, #tpu.memory_space<vmem>> -> memref<7680xi32, #tpu.memory_space<vmem>>
        %dma_start3A_55 = arith.constant 0 : i32
        %dma_start3A_56 = tpu.memref_slice %arg4[%dma_start3A_55] : memref<7680xi32, #tpu.memory_space<hbm>> -> memref<7680xi32, #tpu.memory_space<hbm>>
        tpu.enqueue_dma source(%dma_start3A_56 : memref<7680xi32, #tpu.memory_space<hbm>>) target(%dma_start3A_54 : memref<7680xi32, #tpu.memory_space<vmem>>) target_semaphore(%run_scoped3A : memref<!tpu.dma_semaphore, #tpu.memory_space<semaphore_mem>>)
        %dma_wait3A_57 = arith.constant 2560 : i32
        %dma_wait3A_58 = tpu.memref_slice %arg9[%dma_wait3A_57] : memref<10240xi32, #tpu.memory_space<vmem>> -> memref<7680xi32, #tpu.memory_space<vmem>>
        %dma_wait3A_59 = arith.constant 0 : i32
        %dma_wait3A_60 = tpu.memref_slice %arg4[%dma_wait3A_59] : memref<7680xi32, #tpu.memory_space<hbm>> -> memref<7680xi32, #tpu.memory_space<hbm>>
        %dma_wait3A_61 = arith.constant 2560 : i32
        %dma_wait3A_62 = tpu.memref_slice %arg9[%dma_wait3A_61] : memref<10240xi32, #tpu.memory_space<vmem>> -> memref<7680xi32, #tpu.memory_space<vmem>>
        %dma_wait3A_63 = arith.constant 0 : i32
        %dma_wait3A_64 = tpu.memref_slice %arg4[%dma_wait3A_63] : memref<7680xi32, #tpu.memory_space<hbm>> -> memref<7680xi32, #tpu.memory_space<hbm>>
        tpu.wait_dma2 semaphore(%run_scoped3A : memref<!tpu.dma_semaphore, #tpu.memory_space<semaphore_mem>>) src(%dma_wait3A_64 : memref<7680xi32, #tpu.memory_space<hbm>>) dst(%dma_wait3A_62 : memref<7680xi32, #tpu.memory_space<vmem>>)
        tpu.yield
      }) : () -> ()
    } else {
    }
    %barrier3A = arith.constant 0 : index
    tpu.barrier barrier_id(%barrier3A)
    %scan3A = arith.constant 0 : i32
    %scan3A_13 = arith.constant 0 : i32
    %scan3A_14 = arith.constant 20 : i32
    %scan3A_15 = arith.addi %scan3A_13, %scan3A_14 : i32
    %scan3A_16 = arith.constant 1 : i32
    scf.for %scan3A_48 = %scan3A_13 to %scan3A_15 step %scan3A_16  : i32 {
      %mul3A_49 = arith.constant 4 : i32
      %mul3A_50 = arith.muli %mul3A_49, %scan3A_48 : i32
      %add3A_51 = arith.constant 0 : i32
      %add3A_52 = arith.addi %mul3A_50, %add3A_51 : i32
      %gt3A = arith.constant 0 : i32
      %gt3A_53 = arith.cmpi sgt, %scan3A_48, %gt3A : i32
      %convert_element_type3A_54 = arith.extui %gt3A_53 : i1 to i32
      %cond3A_55 = arith.constant 0 : i32
      %cond3A_56 = arith.cmpi ne, %convert_element_type3A_54, %cond3A_55 : i32
      scf.if %cond3A_56 {
        %sub3A = arith.constant 4 : i32
        %sub3A_171 = arith.subi %add3A_52, %sub3A : i32
        %mul3A_172 = arith.constant 128 : i32
        %mul3A_173 = arith.muli %sub3A_171, %mul3A_172 : i32
        %dma_wait3A_174 = tpu.memref_slice %arg9[%mul3A_173] : memref<10240xi32, #tpu.memory_space<vmem>> -> memref<128xi32, #tpu.memory_space<vmem>>
        %dma_wait3A_175 = arith.constant 0 : i32
        %dma_wait3A_176 = arith.constant 0 : i32
        %dma_wait3A_177 = tpu.memref_slice %arg14[%dma_wait3A_175, %dma_wait3A_176] : memref<10240x64xf32, #tpu.memory_space<vmem_shared>> -> memref<10240x64xf32, #tpu.memory_space<vmem_shared>>
        tpu.wait_indirect_dma semaphore(%arg19 : memref<!tpu.dma_semaphore, #tpu.memory_space<semaphore_mem>>) src(%arg10 : memref<128x64xf32, #tpu.memory_space<vmem>>) dst(%dma_wait3A_177 : memref<10240x64xf32, #tpu.memory_space<vmem_shared>>)
      } else {
      }
      %mul3A_57 = arith.constant 128 : i32
      %mul3A_58 = arith.muli %add3A_52, %mul3A_57 : i32
      %dma_start3A = tpu.memref_slice %arg8[%mul3A_58] : memref<10240xi32, #tpu.memory_space<vmem>> -> memref<128xi32, #tpu.memory_space<vmem>>
      %dma_start3A_59 = arith.constant 0 : i32
      %dma_start3A_60 = arith.constant 0 : i32
      %dma_start3A_61 = tpu.memref_slice %arg2[%dma_start3A_59, %dma_start3A_60] : memref<10240x64xf32, #tpu.memory_space<hbm>> -> memref<10240x64xf32, #tpu.memory_space<hbm>>
      tpu.enqueue_indirect_dma source(%dma_start3A_61 : memref<10240x64xf32, #tpu.memory_space<hbm>>) target(%arg10 : memref<128x64xf32, #tpu.memory_space<vmem>>) offsets(%dma_start3A : memref<128xi32, #tpu.memory_space<vmem>>) semaphore(%arg15 : memref<!tpu.dma_semaphore, #tpu.memory_space<semaphore_mem>>)
      %mul3A_62 = arith.constant 4 : i32
      %mul3A_63 = arith.muli %mul3A_62, %scan3A_48 : i32
      %add3A_64 = arith.constant 1 : i32
      %add3A_65 = arith.addi %mul3A_63, %add3A_64 : i32
      %gt3A_66 = arith.constant 0 : i32
      %gt3A_67 = arith.cmpi sgt, %scan3A_48, %gt3A_66 : i32
      %convert_element_type3A_68 = arith.extui %gt3A_67 : i1 to i32
      %cond3A_69 = arith.constant 0 : i32
      %cond3A_70 = arith.cmpi ne, %convert_element_type3A_68, %cond3A_69 : i32
      scf.if %cond3A_70 {
        %sub3A = arith.constant 4 : i32
        %sub3A_171 = arith.subi %add3A_65, %sub3A : i32
        %mul3A_172 = arith.constant 128 : i32
        %mul3A_173 = arith.muli %sub3A_171, %mul3A_172 : i32
        %dma_wait3A_174 = tpu.memref_slice %arg9[%mul3A_173] : memref<10240xi32, #tpu.memory_space<vmem>> -> memref<128xi32, #tpu.memory_space<vmem>>
        %dma_wait3A_175 = arith.constant 0 : i32
        %dma_wait3A_176 = arith.constant 0 : i32
        %dma_wait3A_177 = tpu.memref_slice %arg14[%dma_wait3A_175, %dma_wait3A_176] : memref<10240x64xf32, #tpu.memory_space<vmem_shared>> -> memref<10240x64xf32, #tpu.memory_space<vmem_shared>>
        tpu.wait_indirect_dma semaphore(%arg20 : memref<!tpu.dma_semaphore, #tpu.memory_space<semaphore_mem>>) src(%arg11 : memref<128x64xf32, #tpu.memory_space<vmem>>) dst(%dma_wait3A_177 : memref<10240x64xf32, #tpu.memory_space<vmem_shared>>)
      } else {
      }
      %mul3A_71 = arith.constant 128 : i32
      %mul3A_72 = arith.muli %add3A_65, %mul3A_71 : i32
      %dma_start3A_73 = tpu.memref_slice %arg8[%mul3A_72] : memref<10240xi32, #tpu.memory_space<vmem>> -> memref<128xi32, #tpu.memory_space<vmem>>
      %dma_start3A_74 = arith.constant 0 : i32
      %dma_start3A_75 = arith.constant 0 : i32
      %dma_start3A_76 = tpu.memref_slice %arg2[%dma_start3A_74, %dma_start3A_75] : memref<10240x64xf32, #tpu.memory_space<hbm>> -> memref<10240x64xf32, #tpu.memory_space<hbm>>
      tpu.enqueue_indirect_dma source(%dma_start3A_76 : memref<10240x64xf32, #tpu.memory_space<hbm>>) target(%arg11 : memref<128x64xf32, #tpu.memory_space<vmem>>) offsets(%dma_start3A_73 : memref<128xi32, #tpu.memory_space<vmem>>) semaphore(%arg16 : memref<!tpu.dma_semaphore, #tpu.memory_space<semaphore_mem>>)
      %mul3A_77 = arith.constant 4 : i32
      %mul3A_78 = arith.muli %mul3A_77, %scan3A_48 : i32
      %add3A_79 = arith.constant 2 : i32
      %add3A_80 = arith.addi %mul3A_78, %add3A_79 : i32
      %gt3A_81 = arith.constant 0 : i32
      %gt3A_82 = arith.cmpi sgt, %scan3A_48, %gt3A_81 : i32
      %convert_element_type3A_83 = arith.extui %gt3A_82 : i1 to i32
      %cond3A_84 = arith.constant 0 : i32
      %cond3A_85 = arith.cmpi ne, %convert_element_type3A_83, %cond3A_84 : i32
      scf.if %cond3A_85 {
        %sub3A = arith.constant 4 : i32
        %sub3A_171 = arith.subi %add3A_80, %sub3A : i32
        %mul3A_172 = arith.constant 128 : i32
        %mul3A_173 = arith.muli %sub3A_171, %mul3A_172 : i32
        %dma_wait3A_174 = tpu.memref_slice %arg9[%mul3A_173] : memref<10240xi32, #tpu.memory_space<vmem>> -> memref<128xi32, #tpu.memory_space<vmem>>
        %dma_wait3A_175 = arith.constant 0 : i32
        %dma_wait3A_176 = arith.constant 0 : i32
        %dma_wait3A_177 = tpu.memref_slice %arg14[%dma_wait3A_175, %dma_wait3A_176] : memref<10240x64xf32, #tpu.memory_space<vmem_shared>> -> memref<10240x64xf32, #tpu.memory_space<vmem_shared>>
        tpu.wait_indirect_dma semaphore(%arg21 : memref<!tpu.dma_semaphore, #tpu.memory_space<semaphore_mem>>) src(%arg12 : memref<128x64xf32, #tpu.memory_space<vmem>>) dst(%dma_wait3A_177 : memref<10240x64xf32, #tpu.memory_space<vmem_shared>>)
      } else {
      }
      %mul3A_86 = arith.constant 128 : i32
      %mul3A_87 = arith.muli %add3A_80, %mul3A_86 : i32
      %dma_start3A_88 = tpu.memref_slice %arg8[%mul3A_87] : memref<10240xi32, #tpu.memory_space<vmem>> -> memref<128xi32, #tpu.memory_space<vmem>>
      %dma_start3A_89 = arith.constant 0 : i32
      %dma_start3A_90 = arith.constant 0 : i32
      %dma_start3A_91 = tpu.memref_slice %arg2[%dma_start3A_89, %dma_start3A_90] : memref<10240x64xf32, #tpu.memory_space<hbm>> -> memref<10240x64xf32, #tpu.memory_space<hbm>>
      tpu.enqueue_indirect_dma source(%dma_start3A_91 : memref<10240x64xf32, #tpu.memory_space<hbm>>) target(%arg12 : memref<128x64xf32, #tpu.memory_space<vmem>>) offsets(%dma_start3A_88 : memref<128xi32, #tpu.memory_space<vmem>>) semaphore(%arg17 : memref<!tpu.dma_semaphore, #tpu.memory_space<semaphore_mem>>)
      %mul3A_92 = arith.constant 4 : i32
      %mul3A_93 = arith.muli %mul3A_92, %scan3A_48 : i32
      %add3A_94 = arith.constant 3 : i32
      %add3A_95 = arith.addi %mul3A_93, %add3A_94 : i32
      %gt3A_96 = arith.constant 0 : i32
      %gt3A_97 = arith.cmpi sgt, %scan3A_48, %gt3A_96 : i32
      %convert_element_type3A_98 = arith.extui %gt3A_97 : i1 to i32
      %cond3A_99 = arith.constant 0 : i32
      %cond3A_100 = arith.cmpi ne, %convert_element_type3A_98, %cond3A_99 : i32
      scf.if %cond3A_100 {
        %sub3A = arith.constant 4 : i32
        %sub3A_171 = arith.subi %add3A_95, %sub3A : i32
        %mul3A_172 = arith.constant 128 : i32
        %mul3A_173 = arith.muli %sub3A_171, %mul3A_172 : i32
        %dma_wait3A_174 = tpu.memref_slice %arg9[%mul3A_173] : memref<10240xi32, #tpu.memory_space<vmem>> -> memref<128xi32, #tpu.memory_space<vmem>>
        %dma_wait3A_175 = arith.constant 0 : i32
        %dma_wait3A_176 = arith.constant 0 : i32
        %dma_wait3A_177 = tpu.memref_slice %arg14[%dma_wait3A_175, %dma_wait3A_176] : memref<10240x64xf32, #tpu.memory_space<vmem_shared>> -> memref<10240x64xf32, #tpu.memory_space<vmem_shared>>
        tpu.wait_indirect_dma semaphore(%arg22 : memref<!tpu.dma_semaphore, #tpu.memory_space<semaphore_mem>>) src(%arg13 : memref<128x64xf32, #tpu.memory_space<vmem>>) dst(%dma_wait3A_177 : memref<10240x64xf32, #tpu.memory_space<vmem_shared>>)
      } else {
      }
      %mul3A_101 = arith.constant 128 : i32
      %mul3A_102 = arith.muli %add3A_95, %mul3A_101 : i32
      %dma_start3A_103 = tpu.memref_slice %arg8[%mul3A_102] : memref<10240xi32, #tpu.memory_space<vmem>> -> memref<128xi32, #tpu.memory_space<vmem>>
      %dma_start3A_104 = arith.constant 0 : i32
      %dma_start3A_105 = arith.constant 0 : i32
      %dma_start3A_106 = tpu.memref_slice %arg2[%dma_start3A_104, %dma_start3A_105] : memref<10240x64xf32, #tpu.memory_space<hbm>> -> memref<10240x64xf32, #tpu.memory_space<hbm>>
      tpu.enqueue_indirect_dma source(%dma_start3A_106 : memref<10240x64xf32, #tpu.memory_space<hbm>>) target(%arg13 : memref<128x64xf32, #tpu.memory_space<vmem>>) offsets(%dma_start3A_103 : memref<128xi32, #tpu.memory_space<vmem>>) semaphore(%arg18 : memref<!tpu.dma_semaphore, #tpu.memory_space<semaphore_mem>>)
      %mul3A_107 = arith.constant 4 : i32
      %mul3A_108 = arith.muli %mul3A_107, %scan3A_48 : i32
      %add3A_109 = arith.constant 0 : i32
      %add3A_110 = arith.addi %mul3A_108, %add3A_109 : i32
      %mul3A_111 = arith.constant 128 : i32
      %mul3A_112 = arith.muli %add3A_110, %mul3A_111 : i32
      %dma_wait3A_113 = tpu.memref_slice %arg8[%mul3A_112] : memref<10240xi32, #tpu.memory_space<vmem>> -> memref<128xi32, #tpu.memory_space<vmem>>
      %dma_wait3A_114 = arith.constant 0 : i32
      %dma_wait3A_115 = arith.constant 0 : i32
      %dma_wait3A_116 = tpu.memref_slice %arg2[%dma_wait3A_114, %dma_wait3A_115] : memref<10240x64xf32, #tpu.memory_space<hbm>> -> memref<10240x64xf32, #tpu.memory_space<hbm>>
      tpu.wait_indirect_dma semaphore(%arg15 : memref<!tpu.dma_semaphore, #tpu.memory_space<semaphore_mem>>) src(%dma_wait3A_116 : memref<10240x64xf32, #tpu.memory_space<hbm>>) dst(%arg10 : memref<128x64xf32, #tpu.memory_space<vmem>>)
      %mul3A_117 = arith.constant 128 : i32
      %mul3A_118 = arith.muli %add3A_110, %mul3A_117 : i32
      %dma_start3A_119 = tpu.memref_slice %arg9[%mul3A_118] : memref<10240xi32, #tpu.memory_space<vmem>> -> memref<128xi32, #tpu.memory_space<vmem>>
      %dma_start3A_120 = arith.constant 0 : i32
      %dma_start3A_121 = arith.constant 0 : i32
      %dma_start3A_122 = tpu.memref_slice %arg14[%dma_start3A_120, %dma_start3A_121] : memref<10240x64xf32, #tpu.memory_space<vmem_shared>> -> memref<10240x64xf32, #tpu.memory_space<vmem_shared>>
      tpu.enqueue_indirect_dma source(%arg10 : memref<128x64xf32, #tpu.memory_space<vmem>>) target(%dma_start3A_122 : memref<10240x64xf32, #tpu.memory_space<vmem_shared>>) offsets(%dma_start3A_119 : memref<128xi32, #tpu.memory_space<vmem>>) semaphore(%arg19 : memref<!tpu.dma_semaphore, #tpu.memory_space<semaphore_mem>>) {add = true}
      %mul3A_123 = arith.constant 4 : i32
      %mul3A_124 = arith.muli %mul3A_123, %scan3A_48 : i32
      %add3A_125 = arith.constant 1 : i32
      %add3A_126 = arith.addi %mul3A_124, %add3A_125 : i32
      %mul3A_127 = arith.constant 128 : i32
      %mul3A_128 = arith.muli %add3A_126, %mul3A_127 : i32
      %dma_wait3A_129 = tpu.memref_slice %arg8[%mul3A_128] : memref<10240xi32, #tpu.memory_space<vmem>> -> memref<128xi32, #tpu.memory_space<vmem>>
      %dma_wait3A_130 = arith.constant 0 : i32
      %dma_wait3A_131 = arith.constant 0 : i32
      %dma_wait3A_132 = tpu.memref_slice %arg2[%dma_wait3A_130, %dma_wait3A_131] : memref<10240x64xf32, #tpu.memory_space<hbm>> -> memref<10240x64xf32, #tpu.memory_space<hbm>>
      tpu.wait_indirect_dma semaphore(%arg16 : memref<!tpu.dma_semaphore, #tpu.memory_space<semaphore_mem>>) src(%dma_wait3A_132 : memref<10240x64xf32, #tpu.memory_space<hbm>>) dst(%arg11 : memref<128x64xf32, #tpu.memory_space<vmem>>)
      %mul3A_133 = arith.constant 128 : i32
      %mul3A_134 = arith.muli %add3A_126, %mul3A_133 : i32
      %dma_start3A_135 = tpu.memref_slice %arg9[%mul3A_134] : memref<10240xi32, #tpu.memory_space<vmem>> -> memref<128xi32, #tpu.memory_space<vmem>>
      %dma_start3A_136 = arith.constant 0 : i32
      %dma_start3A_137 = arith.constant 0 : i32
      %dma_start3A_138 = tpu.memref_slice %arg14[%dma_start3A_136, %dma_start3A_137] : memref<10240x64xf32, #tpu.memory_space<vmem_shared>> -> memref<10240x64xf32, #tpu.memory_space<vmem_shared>>
      tpu.enqueue_indirect_dma source(%arg11 : memref<128x64xf32, #tpu.memory_space<vmem>>) target(%dma_start3A_138 : memref<10240x64xf32, #tpu.memory_space<vmem_shared>>) offsets(%dma_start3A_135 : memref<128xi32, #tpu.memory_space<vmem>>) semaphore(%arg20 : memref<!tpu.dma_semaphore, #tpu.memory_space<semaphore_mem>>) {add = true}
      %mul3A_139 = arith.constant 4 : i32
      %mul3A_140 = arith.muli %mul3A_139, %scan3A_48 : i32
      %add3A_141 = arith.constant 2 : i32
      %add3A_142 = arith.addi %mul3A_140, %add3A_141 : i32
      %mul3A_143 = arith.constant 128 : i32
      %mul3A_144 = arith.muli %add3A_142, %mul3A_143 : i32
      %dma_wait3A_145 = tpu.memref_slice %arg8[%mul3A_144] : memref<10240xi32, #tpu.memory_space<vmem>> -> memref<128xi32, #tpu.memory_space<vmem>>
      %dma_wait3A_146 = arith.constant 0 : i32
      %dma_wait3A_147 = arith.constant 0 : i32
      %dma_wait3A_148 = tpu.memref_slice %arg2[%dma_wait3A_146, %dma_wait3A_147] : memref<10240x64xf32, #tpu.memory_space<hbm>> -> memref<10240x64xf32, #tpu.memory_space<hbm>>
      tpu.wait_indirect_dma semaphore(%arg17 : memref<!tpu.dma_semaphore, #tpu.memory_space<semaphore_mem>>) src(%dma_wait3A_148 : memref<10240x64xf32, #tpu.memory_space<hbm>>) dst(%arg12 : memref<128x64xf32, #tpu.memory_space<vmem>>)
      %mul3A_149 = arith.constant 128 : i32
      %mul3A_150 = arith.muli %add3A_142, %mul3A_149 : i32
      %dma_start3A_151 = tpu.memref_slice %arg9[%mul3A_150] : memref<10240xi32, #tpu.memory_space<vmem>> -> memref<128xi32, #tpu.memory_space<vmem>>
      %dma_start3A_152 = arith.constant 0 : i32
      %dma_start3A_153 = arith.constant 0 : i32
      %dma_start3A_154 = tpu.memref_slice %arg14[%dma_start3A_152, %dma_start3A_153] : memref<10240x64xf32, #tpu.memory_space<vmem_shared>> -> memref<10240x64xf32, #tpu.memory_space<vmem_shared>>
      tpu.enqueue_indirect_dma source(%arg12 : memref<128x64xf32, #tpu.memory_space<vmem>>) target(%dma_start3A_154 : memref<10240x64xf32, #tpu.memory_space<vmem_shared>>) offsets(%dma_start3A_151 : memref<128xi32, #tpu.memory_space<vmem>>) semaphore(%arg21 : memref<!tpu.dma_semaphore, #tpu.memory_space<semaphore_mem>>) {add = true}
      %mul3A_155 = arith.constant 4 : i32
      %mul3A_156 = arith.muli %mul3A_155, %scan3A_48 : i32
      %add3A_157 = arith.constant 3 : i32
      %add3A_158 = arith.addi %mul3A_156, %add3A_157 : i32
      %mul3A_159 = arith.constant 128 : i32
      %mul3A_160 = arith.muli %add3A_158, %mul3A_159 : i32
      %dma_wait3A_161 = tpu.memref_slice %arg8[%mul3A_160] : memref<10240xi32, #tpu.memory_space<vmem>> -> memref<128xi32, #tpu.memory_space<vmem>>
      %dma_wait3A_162 = arith.constant 0 : i32
      %dma_wait3A_163 = arith.constant 0 : i32
      %dma_wait3A_164 = tpu.memref_slice %arg2[%dma_wait3A_162, %dma_wait3A_163] : memref<10240x64xf32, #tpu.memory_space<hbm>> -> memref<10240x64xf32, #tpu.memory_space<hbm>>
      tpu.wait_indirect_dma semaphore(%arg18 : memref<!tpu.dma_semaphore, #tpu.memory_space<semaphore_mem>>) src(%dma_wait3A_164 : memref<10240x64xf32, #tpu.memory_space<hbm>>) dst(%arg13 : memref<128x64xf32, #tpu.memory_space<vmem>>)
      %mul3A_165 = arith.constant 128 : i32
      %mul3A_166 = arith.muli %add3A_158, %mul3A_165 : i32
      %dma_start3A_167 = tpu.memref_slice %arg9[%mul3A_166] : memref<10240xi32, #tpu.memory_space<vmem>> -> memref<128xi32, #tpu.memory_space<vmem>>
      %dma_start3A_168 = arith.constant 0 : i32
      %dma_start3A_169 = arith.constant 0 : i32
      %dma_start3A_170 = tpu.memref_slice %arg14[%dma_start3A_168, %dma_start3A_169] : memref<10240x64xf32, #tpu.memory_space<vmem_shared>> -> memref<10240x64xf32, #tpu.memory_space<vmem_shared>>
      tpu.enqueue_indirect_dma source(%arg13 : memref<128x64xf32, #tpu.memory_space<vmem>>) target(%dma_start3A_170 : memref<10240x64xf32, #tpu.memory_space<vmem_shared>>) offsets(%dma_start3A_167 : memref<128xi32, #tpu.memory_space<vmem>>) semaphore(%arg22 : memref<!tpu.dma_semaphore, #tpu.memory_space<semaphore_mem>>) {add = true}
    }
    %scan3A_17 = arith.constant 20 : i32
    %dma_wait3A = arith.constant 9728 : i32
    %dma_wait3A_18 = tpu.memref_slice %arg9[%dma_wait3A] : memref<10240xi32, #tpu.memory_space<vmem>> -> memref<128xi32, #tpu.memory_space<vmem>>
    %dma_wait3A_19 = arith.constant 0 : i32
    %dma_wait3A_20 = arith.constant 0 : i32
    %dma_wait3A_21 = tpu.memref_slice %arg14[%dma_wait3A_19, %dma_wait3A_20] : memref<10240x64xf32, #tpu.memory_space<vmem_shared>> -> memref<10240x64xf32, #tpu.memory_space<vmem_shared>>
    tpu.wait_indirect_dma semaphore(%arg19 : memref<!tpu.dma_semaphore, #tpu.memory_space<semaphore_mem>>) src(%arg10 : memref<128x64xf32, #tpu.memory_space<vmem>>) dst(%dma_wait3A_21 : memref<10240x64xf32, #tpu.memory_space<vmem_shared>>)
    %dma_wait3A_22 = arith.constant 9856 : i32
    %dma_wait3A_23 = tpu.memref_slice %arg9[%dma_wait3A_22] : memref<10240xi32, #tpu.memory_space<vmem>> -> memref<128xi32, #tpu.memory_space<vmem>>
    %dma_wait3A_24 = arith.constant 0 : i32
    %dma_wait3A_25 = arith.constant 0 : i32
    %dma_wait3A_26 = tpu.memref_slice %arg14[%dma_wait3A_24, %dma_wait3A_25] : memref<10240x64xf32, #tpu.memory_space<vmem_shared>> -> memref<10240x64xf32, #tpu.memory_space<vmem_shared>>
    tpu.wait_indirect_dma semaphore(%arg20 : memref<!tpu.dma_semaphore, #tpu.memory_space<semaphore_mem>>) src(%arg11 : memref<128x64xf32, #tpu.memory_space<vmem>>) dst(%dma_wait3A_26 : memref<10240x64xf32, #tpu.memory_space<vmem_shared>>)
    %dma_wait3A_27 = arith.constant 9984 : i32
    %dma_wait3A_28 = tpu.memref_slice %arg9[%dma_wait3A_27] : memref<10240xi32, #tpu.memory_space<vmem>> -> memref<128xi32, #tpu.memory_space<vmem>>
    %dma_wait3A_29 = arith.constant 0 : i32
    %dma_wait3A_30 = arith.constant 0 : i32
    %dma_wait3A_31 = tpu.memref_slice %arg14[%dma_wait3A_29, %dma_wait3A_30] : memref<10240x64xf32, #tpu.memory_space<vmem_shared>> -> memref<10240x64xf32, #tpu.memory_space<vmem_shared>>
    tpu.wait_indirect_dma semaphore(%arg21 : memref<!tpu.dma_semaphore, #tpu.memory_space<semaphore_mem>>) src(%arg12 : memref<128x64xf32, #tpu.memory_space<vmem>>) dst(%dma_wait3A_31 : memref<10240x64xf32, #tpu.memory_space<vmem_shared>>)
    %dma_wait3A_32 = arith.constant 10112 : i32
    %dma_wait3A_33 = tpu.memref_slice %arg9[%dma_wait3A_32] : memref<10240xi32, #tpu.memory_space<vmem>> -> memref<128xi32, #tpu.memory_space<vmem>>
    %dma_wait3A_34 = arith.constant 0 : i32
    %dma_wait3A_35 = arith.constant 0 : i32
    %dma_wait3A_36 = tpu.memref_slice %arg14[%dma_wait3A_34, %dma_wait3A_35] : memref<10240x64xf32, #tpu.memory_space<vmem_shared>> -> memref<10240x64xf32, #tpu.memory_space<vmem_shared>>
    tpu.wait_indirect_dma semaphore(%arg22 : memref<!tpu.dma_semaphore, #tpu.memory_space<semaphore_mem>>) src(%arg13 : memref<128x64xf32, #tpu.memory_space<vmem>>) dst(%dma_wait3A_36 : memref<10240x64xf32, #tpu.memory_space<vmem_shared>>)
    %barrier3A_37 = arith.constant 0 : index
    tpu.barrier barrier_id(%barrier3A_37)
    %eq3A_38 = arith.constant 0 : i32
    %eq3A_39 = arith.cmpi eq, %arg0, %eq3A_38 : i32
    %convert_element_type3A_40 = arith.extui %eq3A_39 : i1 to i32
    %cond3A_41 = arith.constant 0 : i32
    %cond3A_42 = arith.cmpi ne, %convert_element_type3A_40, %cond3A_41 : i32
    scf.if %cond3A_42 {
      "tpu.region"() ({
        %run_scoped3A = tpu.sem_alloc : memref<!tpu.dma_semaphore, #tpu.memory_space<semaphore_mem>>
        %dma_start3A = arith.constant 0 : i32
        %dma_start3A_48 = tpu.memref_slice %arg6[%mul3A_0, %dma_start3A] : memref<10240x64xf32, #tpu.memory_space<hbm>> -> memref<640x64xf32, #tpu.memory_space<hbm>>
        %dma_start3A_49 = arith.constant 0 : i32
        %dma_start3A_50 = tpu.memref_slice %arg14[%mul3A_0, %dma_start3A_49] : memref<10240x64xf32, #tpu.memory_space<vmem_shared>> -> memref<640x64xf32, #tpu.memory_space<vmem_shared>>
        tpu.enqueue_dma source(%dma_start3A_50 : memref<640x64xf32, #tpu.memory_space<vmem_shared>>) target(%dma_start3A_48 : memref<640x64xf32, #tpu.memory_space<hbm>>) target_semaphore(%run_scoped3A : memref<!tpu.dma_semaphore, #tpu.memory_space<semaphore_mem>>)
        %dma_wait3A_51 = arith.constant 0 : i32
        %dma_wait3A_52 = tpu.memref_slice %arg6[%mul3A_0, %dma_wait3A_51] : memref<10240x64xf32, #tpu.memory_space<hbm>> -> memref<640x64xf32, #tpu.memory_space<hbm>>
        %dma_wait3A_53 = arith.constant 0 : i32
        %dma_wait3A_54 = tpu.memref_slice %arg14[%mul3A_0, %dma_wait3A_53] : memref<10240x64xf32, #tpu.memory_space<vmem_shared>> -> memref<640x64xf32, #tpu.memory_space<vmem_shared>>
        tpu.wait_dma2 semaphore(%run_scoped3A : memref<!tpu.dma_semaphore, #tpu.memory_space<semaphore_mem>>) src(%dma_wait3A_54 : memref<640x64xf32, #tpu.memory_space<vmem_shared>>) dst(%dma_wait3A_52 : memref<640x64xf32, #tpu.memory_space<hbm>>)
        tpu.yield
      }) : () -> ()
    } else {
    }
    %eq3A_43 = arith.constant 1 : i32
    %eq3A_44 = arith.cmpi eq, %arg0, %eq3A_43 : i32
    %convert_element_type3A_45 = arith.extui %eq3A_44 : i1 to i32
    %cond3A_46 = arith.constant 0 : i32
    %cond3A_47 = arith.cmpi ne, %convert_element_type3A_45, %cond3A_46 : i32
    scf.if %cond3A_47 {
      "tpu.region"() ({
        %run_scoped3A = tpu.sem_alloc : memref<!tpu.dma_semaphore, #tpu.memory_space<semaphore_mem>>
        %dma_start3A = arith.constant 0 : i32
        %dma_start3A_48 = tpu.memref_slice %arg7[%mul3A_0, %dma_start3A] : memref<10240x64xf32, #tpu.memory_space<hbm>> -> memref<640x64xf32, #tpu.memory_space<hbm>>
        %dma_start3A_49 = arith.constant 0 : i32
        %dma_start3A_50 = tpu.memref_slice %arg14[%mul3A_0, %dma_start3A_49] : memref<10240x64xf32, #tpu.memory_space<vmem_shared>> -> memref<640x64xf32, #tpu.memory_space<vmem_shared>>
        tpu.enqueue_dma source(%dma_start3A_50 : memref<640x64xf32, #tpu.memory_space<vmem_shared>>) target(%dma_start3A_48 : memref<640x64xf32, #tpu.memory_space<hbm>>) target_semaphore(%run_scoped3A : memref<!tpu.dma_semaphore, #tpu.memory_space<semaphore_mem>>)
        %dma_wait3A_51 = arith.constant 0 : i32
        %dma_wait3A_52 = tpu.memref_slice %arg7[%mul3A_0, %dma_wait3A_51] : memref<10240x64xf32, #tpu.memory_space<hbm>> -> memref<640x64xf32, #tpu.memory_space<hbm>>
        %dma_wait3A_53 = arith.constant 0 : i32
        %dma_wait3A_54 = tpu.memref_slice %arg14[%mul3A_0, %dma_wait3A_53] : memref<10240x64xf32, #tpu.memory_space<vmem_shared>> -> memref<640x64xf32, #tpu.memory_space<vmem_shared>>
        tpu.wait_dma2 semaphore(%run_scoped3A : memref<!tpu.dma_semaphore, #tpu.memory_space<semaphore_mem>>) src(%dma_wait3A_54 : memref<640x64xf32, #tpu.memory_space<vmem_shared>>) dst(%dma_wait3A_52 : memref<640x64xf32, #tpu.memory_space<hbm>>)
        tpu.yield
      }) : () -> ()
    } else {
    }
    return
  }
}

#map = affine_map<(d0, d1) -> (0, 0)>
#map1 = affine_map<(d0, d1) -> (0)>
module attributes {stable_mosaic.version = 14 : i64} {
  func.func @_agg_l0(%arg0: i32, %arg1: i32, %arg2: memref<10240x64xf32, #tpu.memory_space<hbm>>, %arg3: memref<10240x64xf32, #tpu.memory_space<hbm>>, %arg4: memref<640000xi32, #tpu.memory_space<hbm>>, %arg5: memref<7680xi32, #tpu.memory_space<hbm>>, %arg6: memref<10240x64xf32, #tpu.memory_space<hbm>>, %arg7: memref<10240x64xf32, #tpu.memory_space<hbm>>, %arg8: memref<10240x64xf32, #tpu.memory_space<hbm>>, %arg9: memref<20480xi32, #tpu.memory_space<vmem>>, %arg10: memref<20480xi32, #tpu.memory_space<vmem>>, %arg11: memref<128x64xf32, #tpu.memory_space<vmem>>, %arg12: memref<128x64xf32, #tpu.memory_space<vmem>>, %arg13: memref<128x64xf32, #tpu.memory_space<vmem>>, %arg14: memref<128x64xf32, #tpu.memory_space<vmem>>, %arg15: memref<10240x64xf32, #tpu.memory_space<vmem_shared>>, %arg16: memref<!tpu.dma_semaphore, #tpu.memory_space<semaphore_mem>>, %arg17: memref<!tpu.dma_semaphore, #tpu.memory_space<semaphore_mem>>, %arg18: memref<!tpu.dma_semaphore, #tpu.memory_space<semaphore_mem>>, %arg19: memref<!tpu.dma_semaphore, #tpu.memory_space<semaphore_mem>>, %arg20: memref<!tpu.dma_semaphore, #tpu.memory_space<semaphore_mem>>, %arg21: memref<!tpu.dma_semaphore, #tpu.memory_space<semaphore_mem>>, %arg22: memref<!tpu.dma_semaphore, #tpu.memory_space<semaphore_mem>>, %arg23: memref<!tpu.dma_semaphore, #tpu.memory_space<semaphore_mem>>) attributes {dimension_semantics = [#tpu.dimension_semantics<core_parallel>, #tpu.dimension_semantics<subcore_parallel>], iteration_bounds = array<i64: 2, 16>, scalar_prefetch = 0 : i64, scratch_operands = 15 : i64, tpu.core_type = #tpu.core_type<sc_vector_subcore>, window_params = [{transform_indices = #map}, {transform_indices = #map}, {transform_indices = #map1}, {transform_indices = #map1}, {transform_indices = #map}, {transform_indices = #map}, {transform_indices = #map}]} {
    %mul3A = arith.constant 640 : i32
    %mul3A_0 = arith.muli %arg1, %mul3A : i32
    %mul3A_1 = arith.constant 160 : i32
    %mul3A_2 = arith.muli %arg1, %mul3A_1 : i32
    %mul3A_3 = arith.constant 128 : i32
    %mul3A_4 = arith.muli %mul3A_2, %mul3A_3 : i32
    %eq3A = arith.constant 0 : i32
    %eq3A_5 = arith.cmpi eq, %arg0, %eq3A : i32
    %convert_element_type3A = arith.extui %eq3A_5 : i1 to i32
    %cond3A = arith.constant 0 : i32
    %cond3A_6 = arith.cmpi ne, %convert_element_type3A, %cond3A : i32
    scf.if %cond3A_6 {
      "tpu.region"() ({
        %run_scoped3A = tpu.sem_alloc : memref<!tpu.dma_semaphore, #tpu.memory_space<semaphore_mem>>
        %dma_start3A = arith.constant 0 : i32
        %dma_start3A_46 = tpu.memref_slice %arg15[%mul3A_0, %dma_start3A] : memref<10240x64xf32, #tpu.memory_space<vmem_shared>> -> memref<640x64xf32, #tpu.memory_space<vmem_shared>>
        %dma_start3A_47 = arith.constant 0 : i32
        %dma_start3A_48 = tpu.memref_slice %arg6[%mul3A_0, %dma_start3A_47] : memref<10240x64xf32, #tpu.memory_space<hbm>> -> memref<640x64xf32, #tpu.memory_space<hbm>>
        tpu.enqueue_dma source(%dma_start3A_48 : memref<640x64xf32, #tpu.memory_space<hbm>>) target(%dma_start3A_46 : memref<640x64xf32, #tpu.memory_space<vmem_shared>>) target_semaphore(%run_scoped3A : memref<!tpu.dma_semaphore, #tpu.memory_space<semaphore_mem>>)
        %dma_wait3A_49 = arith.constant 0 : i32
        %dma_wait3A_50 = tpu.memref_slice %arg15[%mul3A_0, %dma_wait3A_49] : memref<10240x64xf32, #tpu.memory_space<vmem_shared>> -> memref<640x64xf32, #tpu.memory_space<vmem_shared>>
        %dma_wait3A_51 = arith.constant 0 : i32
        %dma_wait3A_52 = tpu.memref_slice %arg6[%mul3A_0, %dma_wait3A_51] : memref<10240x64xf32, #tpu.memory_space<hbm>> -> memref<640x64xf32, #tpu.memory_space<hbm>>
        tpu.wait_dma2 semaphore(%run_scoped3A : memref<!tpu.dma_semaphore, #tpu.memory_space<semaphore_mem>>) src(%dma_wait3A_52 : memref<640x64xf32, #tpu.memory_space<hbm>>) dst(%dma_wait3A_50 : memref<640x64xf32, #tpu.memory_space<vmem_shared>>)
        tpu.yield
      }) : () -> ()
      %lt3A = arith.constant 15 : i32
      %lt3A_12 = arith.cmpi slt, %arg1, %lt3A : i32
      %convert_element_type3A_13 = arith.extui %lt3A_12 : i1 to i32
      %cond3A_14 = arith.constant 0 : i32
      %cond3A_15 = arith.cmpi ne, %convert_element_type3A_13, %cond3A_14 : i32
      scf.if %cond3A_15 {
        "tpu.region"() ({
          %run_scoped3A = tpu.sem_alloc : memref<!tpu.dma_semaphore, #tpu.memory_space<semaphore_mem>>
          %dma_start3A = tpu.memref_slice %arg4[%mul3A_4] : memref<640000xi32, #tpu.memory_space<hbm>> -> memref<20480xi32, #tpu.memory_space<hbm>>
          %dma_start3A_47 = tpu.memref_slice %arg4[%mul3A_4] : memref<640000xi32, #tpu.memory_space<hbm>> -> memref<20480xi32, #tpu.memory_space<hbm>>
          tpu.enqueue_dma source(%dma_start3A_47 : memref<20480xi32, #tpu.memory_space<hbm>>) target(%arg9 : memref<20480xi32, #tpu.memory_space<vmem>>) target_semaphore(%run_scoped3A : memref<!tpu.dma_semaphore, #tpu.memory_space<semaphore_mem>>)
          %dma_wait3A_48 = tpu.memref_slice %arg4[%mul3A_4] : memref<640000xi32, #tpu.memory_space<hbm>> -> memref<20480xi32, #tpu.memory_space<hbm>>
          %dma_wait3A_49 = tpu.memref_slice %arg4[%mul3A_4] : memref<640000xi32, #tpu.memory_space<hbm>> -> memref<20480xi32, #tpu.memory_space<hbm>>
          tpu.wait_dma2 semaphore(%run_scoped3A : memref<!tpu.dma_semaphore, #tpu.memory_space<semaphore_mem>>) src(%dma_wait3A_49 : memref<20480xi32, #tpu.memory_space<hbm>>) dst(%arg9 : memref<20480xi32, #tpu.memory_space<vmem>>)
          tpu.yield
        }) : () -> ()
        %add3A = arith.constant 320000 : i32
        %add3A_46 = arith.addi %add3A, %mul3A_4 : i32
        "tpu.region"() ({
          %run_scoped3A = tpu.sem_alloc : memref<!tpu.dma_semaphore, #tpu.memory_space<semaphore_mem>>
          %dma_start3A = tpu.memref_slice %arg4[%add3A_46] : memref<640000xi32, #tpu.memory_space<hbm>> -> memref<20480xi32, #tpu.memory_space<hbm>>
          %dma_start3A_47 = tpu.memref_slice %arg4[%add3A_46] : memref<640000xi32, #tpu.memory_space<hbm>> -> memref<20480xi32, #tpu.memory_space<hbm>>
          tpu.enqueue_dma source(%dma_start3A_47 : memref<20480xi32, #tpu.memory_space<hbm>>) target(%arg10 : memref<20480xi32, #tpu.memory_space<vmem>>) target_semaphore(%run_scoped3A : memref<!tpu.dma_semaphore, #tpu.memory_space<semaphore_mem>>)
          %dma_wait3A_48 = tpu.memref_slice %arg4[%add3A_46] : memref<640000xi32, #tpu.memory_space<hbm>> -> memref<20480xi32, #tpu.memory_space<hbm>>
          %dma_wait3A_49 = tpu.memref_slice %arg4[%add3A_46] : memref<640000xi32, #tpu.memory_space<hbm>> -> memref<20480xi32, #tpu.memory_space<hbm>>
          tpu.wait_dma2 semaphore(%run_scoped3A : memref<!tpu.dma_semaphore, #tpu.memory_space<semaphore_mem>>) src(%dma_wait3A_49 : memref<20480xi32, #tpu.memory_space<hbm>>) dst(%arg10 : memref<20480xi32, #tpu.memory_space<vmem>>)
          tpu.yield
        }) : () -> ()
      } else {
      }
      %eq3A_16 = arith.constant 15 : i32
      %eq3A_17 = arith.cmpi eq, %arg1, %eq3A_16 : i32
      %convert_element_type3A_18 = arith.extui %eq3A_17 : i1 to i32
      %cond3A_19 = arith.constant 0 : i32
      %cond3A_20 = arith.cmpi ne, %convert_element_type3A_18, %cond3A_19 : i32
      scf.if %cond3A_20 {
        "tpu.region"() ({
          %run_scoped3A = tpu.sem_alloc : memref<!tpu.dma_semaphore, #tpu.memory_space<semaphore_mem>>
          %dma_start3A = arith.constant 0 : i32
          %dma_start3A_47 = tpu.memref_slice %arg9[%dma_start3A] : memref<20480xi32, #tpu.memory_space<vmem>> -> memref<12800xi32, #tpu.memory_space<vmem>>
          %dma_start3A_48 = tpu.memref_slice %arg4[%mul3A_4] : memref<640000xi32, #tpu.memory_space<hbm>> -> memref<12800xi32, #tpu.memory_space<hbm>>
          %dma_start3A_49 = arith.constant 0 : i32
          %dma_start3A_50 = tpu.memref_slice %arg9[%dma_start3A_49] : memref<20480xi32, #tpu.memory_space<vmem>> -> memref<12800xi32, #tpu.memory_space<vmem>>
          %dma_start3A_51 = tpu.memref_slice %arg4[%mul3A_4] : memref<640000xi32, #tpu.memory_space<hbm>> -> memref<12800xi32, #tpu.memory_space<hbm>>
          tpu.enqueue_dma source(%dma_start3A_51 : memref<12800xi32, #tpu.memory_space<hbm>>) target(%dma_start3A_50 : memref<12800xi32, #tpu.memory_space<vmem>>) target_semaphore(%run_scoped3A : memref<!tpu.dma_semaphore, #tpu.memory_space<semaphore_mem>>)
          %dma_wait3A_52 = arith.constant 0 : i32
          %dma_wait3A_53 = tpu.memref_slice %arg9[%dma_wait3A_52] : memref<20480xi32, #tpu.memory_space<vmem>> -> memref<12800xi32, #tpu.memory_space<vmem>>
          %dma_wait3A_54 = tpu.memref_slice %arg4[%mul3A_4] : memref<640000xi32, #tpu.memory_space<hbm>> -> memref<12800xi32, #tpu.memory_space<hbm>>
          %dma_wait3A_55 = arith.constant 0 : i32
          %dma_wait3A_56 = tpu.memref_slice %arg9[%dma_wait3A_55] : memref<20480xi32, #tpu.memory_space<vmem>> -> memref<12800xi32, #tpu.memory_space<vmem>>
          %dma_wait3A_57 = tpu.memref_slice %arg4[%mul3A_4] : memref<640000xi32, #tpu.memory_space<hbm>> -> memref<12800xi32, #tpu.memory_space<hbm>>
          tpu.wait_dma2 semaphore(%run_scoped3A : memref<!tpu.dma_semaphore, #tpu.memory_space<semaphore_mem>>) src(%dma_wait3A_57 : memref<12800xi32, #tpu.memory_space<hbm>>) dst(%dma_wait3A_56 : memref<12800xi32, #tpu.memory_space<vmem>>)
          tpu.yield
        }) : () -> ()
        "tpu.region"() ({
          %run_scoped3A = tpu.sem_alloc : memref<!tpu.dma_semaphore, #tpu.memory_space<semaphore_mem>>
          %dma_start3A = arith.constant 12800 : i32
          %dma_start3A_47 = tpu.memref_slice %arg9[%dma_start3A] : memref<20480xi32, #tpu.memory_space<vmem>> -> memref<7680xi32, #tpu.memory_space<vmem>>
          %dma_start3A_48 = arith.constant 0 : i32
          %dma_start3A_49 = tpu.memref_slice %arg5[%dma_start3A_48] : memref<7680xi32, #tpu.memory_space<hbm>> -> memref<7680xi32, #tpu.memory_space<hbm>>
          %dma_start3A_50 = arith.constant 12800 : i32
          %dma_start3A_51 = tpu.memref_slice %arg9[%dma_start3A_50] : memref<20480xi32, #tpu.memory_space<vmem>> -> memref<7680xi32, #tpu.memory_space<vmem>>
          %dma_start3A_52 = arith.constant 0 : i32
          %dma_start3A_53 = tpu.memref_slice %arg5[%dma_start3A_52] : memref<7680xi32, #tpu.memory_space<hbm>> -> memref<7680xi32, #tpu.memory_space<hbm>>
          tpu.enqueue_dma source(%dma_start3A_53 : memref<7680xi32, #tpu.memory_space<hbm>>) target(%dma_start3A_51 : memref<7680xi32, #tpu.memory_space<vmem>>) target_semaphore(%run_scoped3A : memref<!tpu.dma_semaphore, #tpu.memory_space<semaphore_mem>>)
          %dma_wait3A_54 = arith.constant 12800 : i32
          %dma_wait3A_55 = tpu.memref_slice %arg9[%dma_wait3A_54] : memref<20480xi32, #tpu.memory_space<vmem>> -> memref<7680xi32, #tpu.memory_space<vmem>>
          %dma_wait3A_56 = arith.constant 0 : i32
          %dma_wait3A_57 = tpu.memref_slice %arg5[%dma_wait3A_56] : memref<7680xi32, #tpu.memory_space<hbm>> -> memref<7680xi32, #tpu.memory_space<hbm>>
          %dma_wait3A_58 = arith.constant 12800 : i32
          %dma_wait3A_59 = tpu.memref_slice %arg9[%dma_wait3A_58] : memref<20480xi32, #tpu.memory_space<vmem>> -> memref<7680xi32, #tpu.memory_space<vmem>>
          %dma_wait3A_60 = arith.constant 0 : i32
          %dma_wait3A_61 = tpu.memref_slice %arg5[%dma_wait3A_60] : memref<7680xi32, #tpu.memory_space<hbm>> -> memref<7680xi32, #tpu.memory_space<hbm>>
          tpu.wait_dma2 semaphore(%run_scoped3A : memref<!tpu.dma_semaphore, #tpu.memory_space<semaphore_mem>>) src(%dma_wait3A_61 : memref<7680xi32, #tpu.memory_space<hbm>>) dst(%dma_wait3A_59 : memref<7680xi32, #tpu.memory_space<vmem>>)
          tpu.yield
        }) : () -> ()
        %add3A = arith.constant 320000 : i32
        %add3A_46 = arith.addi %add3A, %mul3A_4 : i32
        "tpu.region"() ({
          %run_scoped3A = tpu.sem_alloc : memref<!tpu.dma_semaphore, #tpu.memory_space<semaphore_mem>>
          %dma_start3A = arith.constant 0 : i32
          %dma_start3A_47 = tpu.memref_slice %arg10[%dma_start3A] : memref<20480xi32, #tpu.memory_space<vmem>> -> memref<12800xi32, #tpu.memory_space<vmem>>
          %dma_start3A_48 = tpu.memref_slice %arg4[%add3A_46] : memref<640000xi32, #tpu.memory_space<hbm>> -> memref<12800xi32, #tpu.memory_space<hbm>>
          %dma_start3A_49 = arith.constant 0 : i32
          %dma_start3A_50 = tpu.memref_slice %arg10[%dma_start3A_49] : memref<20480xi32, #tpu.memory_space<vmem>> -> memref<12800xi32, #tpu.memory_space<vmem>>
          %dma_start3A_51 = tpu.memref_slice %arg4[%add3A_46] : memref<640000xi32, #tpu.memory_space<hbm>> -> memref<12800xi32, #tpu.memory_space<hbm>>
          tpu.enqueue_dma source(%dma_start3A_51 : memref<12800xi32, #tpu.memory_space<hbm>>) target(%dma_start3A_50 : memref<12800xi32, #tpu.memory_space<vmem>>) target_semaphore(%run_scoped3A : memref<!tpu.dma_semaphore, #tpu.memory_space<semaphore_mem>>)
          %dma_wait3A_52 = arith.constant 0 : i32
          %dma_wait3A_53 = tpu.memref_slice %arg10[%dma_wait3A_52] : memref<20480xi32, #tpu.memory_space<vmem>> -> memref<12800xi32, #tpu.memory_space<vmem>>
          %dma_wait3A_54 = tpu.memref_slice %arg4[%add3A_46] : memref<640000xi32, #tpu.memory_space<hbm>> -> memref<12800xi32, #tpu.memory_space<hbm>>
          %dma_wait3A_55 = arith.constant 0 : i32
          %dma_wait3A_56 = tpu.memref_slice %arg10[%dma_wait3A_55] : memref<20480xi32, #tpu.memory_space<vmem>> -> memref<12800xi32, #tpu.memory_space<vmem>>
          %dma_wait3A_57 = tpu.memref_slice %arg4[%add3A_46] : memref<640000xi32, #tpu.memory_space<hbm>> -> memref<12800xi32, #tpu.memory_space<hbm>>
          tpu.wait_dma2 semaphore(%run_scoped3A : memref<!tpu.dma_semaphore, #tpu.memory_space<semaphore_mem>>) src(%dma_wait3A_57 : memref<12800xi32, #tpu.memory_space<hbm>>) dst(%dma_wait3A_56 : memref<12800xi32, #tpu.memory_space<vmem>>)
          tpu.yield
        }) : () -> ()
        "tpu.region"() ({
          %run_scoped3A = tpu.sem_alloc : memref<!tpu.dma_semaphore, #tpu.memory_space<semaphore_mem>>
          %dma_start3A = arith.constant 12800 : i32
          %dma_start3A_47 = tpu.memref_slice %arg10[%dma_start3A] : memref<20480xi32, #tpu.memory_space<vmem>> -> memref<7680xi32, #tpu.memory_space<vmem>>
          %dma_start3A_48 = arith.constant 0 : i32
          %dma_start3A_49 = tpu.memref_slice %arg5[%dma_start3A_48] : memref<7680xi32, #tpu.memory_space<hbm>> -> memref<7680xi32, #tpu.memory_space<hbm>>
          %dma_start3A_50 = arith.constant 12800 : i32
          %dma_start3A_51 = tpu.memref_slice %arg10[%dma_start3A_50] : memref<20480xi32, #tpu.memory_space<vmem>> -> memref<7680xi32, #tpu.memory_space<vmem>>
          %dma_start3A_52 = arith.constant 0 : i32
          %dma_start3A_53 = tpu.memref_slice %arg5[%dma_start3A_52] : memref<7680xi32, #tpu.memory_space<hbm>> -> memref<7680xi32, #tpu.memory_space<hbm>>
          tpu.enqueue_dma source(%dma_start3A_53 : memref<7680xi32, #tpu.memory_space<hbm>>) target(%dma_start3A_51 : memref<7680xi32, #tpu.memory_space<vmem>>) target_semaphore(%run_scoped3A : memref<!tpu.dma_semaphore, #tpu.memory_space<semaphore_mem>>)
          %dma_wait3A_54 = arith.constant 12800 : i32
          %dma_wait3A_55 = tpu.memref_slice %arg10[%dma_wait3A_54] : memref<20480xi32, #tpu.memory_space<vmem>> -> memref<7680xi32, #tpu.memory_space<vmem>>
          %dma_wait3A_56 = arith.constant 0 : i32
          %dma_wait3A_57 = tpu.memref_slice %arg5[%dma_wait3A_56] : memref<7680xi32, #tpu.memory_space<hbm>> -> memref<7680xi32, #tpu.memory_space<hbm>>
          %dma_wait3A_58 = arith.constant 12800 : i32
          %dma_wait3A_59 = tpu.memref_slice %arg10[%dma_wait3A_58] : memref<20480xi32, #tpu.memory_space<vmem>> -> memref<7680xi32, #tpu.memory_space<vmem>>
          %dma_wait3A_60 = arith.constant 0 : i32
          %dma_wait3A_61 = tpu.memref_slice %arg5[%dma_wait3A_60] : memref<7680xi32, #tpu.memory_space<hbm>> -> memref<7680xi32, #tpu.memory_space<hbm>>
          tpu.wait_dma2 semaphore(%run_scoped3A : memref<!tpu.dma_semaphore, #tpu.memory_space<semaphore_mem>>) src(%dma_wait3A_61 : memref<7680xi32, #tpu.memory_space<hbm>>) dst(%dma_wait3A_59 : memref<7680xi32, #tpu.memory_space<vmem>>)
          tpu.yield
        }) : () -> ()
      } else {
      }
      %barrier3A = arith.constant 0 : index
      tpu.barrier barrier_id(%barrier3A)
      %scan3A = arith.constant 0 : i32
      %scan3A_21 = arith.constant 0 : i32
      %scan3A_22 = arith.constant 40 : i32
      %scan3A_23 = arith.addi %scan3A_21, %scan3A_22 : i32
      %scan3A_24 = arith.constant 1 : i32
      scf.for %scan3A_46 = %scan3A_21 to %scan3A_23 step %scan3A_24  : i32 {
        %mul3A_47 = arith.constant 4 : i32
        %mul3A_48 = arith.muli %mul3A_47, %scan3A_46 : i32
        %add3A = arith.constant 0 : i32
        %add3A_49 = arith.addi %mul3A_48, %add3A : i32
        %gt3A = arith.constant 0 : i32
        %gt3A_50 = arith.cmpi sgt, %scan3A_46, %gt3A : i32
        %convert_element_type3A_51 = arith.extui %gt3A_50 : i1 to i32
        %cond3A_52 = arith.constant 0 : i32
        %cond3A_53 = arith.cmpi ne, %convert_element_type3A_51, %cond3A_52 : i32
        scf.if %cond3A_53 {
          %sub3A = arith.constant 4 : i32
          %sub3A_168 = arith.subi %add3A_49, %sub3A : i32
          %mul3A_169 = arith.constant 128 : i32
          %mul3A_170 = arith.muli %sub3A_168, %mul3A_169 : i32
          %dma_wait3A_171 = tpu.memref_slice %arg10[%mul3A_170] : memref<20480xi32, #tpu.memory_space<vmem>> -> memref<128xi32, #tpu.memory_space<vmem>>
          %dma_wait3A_172 = arith.constant 0 : i32
          %dma_wait3A_173 = arith.constant 0 : i32
          %dma_wait3A_174 = tpu.memref_slice %arg15[%dma_wait3A_172, %dma_wait3A_173] : memref<10240x64xf32, #tpu.memory_space<vmem_shared>> -> memref<10240x64xf32, #tpu.memory_space<vmem_shared>>
          tpu.wait_indirect_dma semaphore(%arg20 : memref<!tpu.dma_semaphore, #tpu.memory_space<semaphore_mem>>) src(%arg11 : memref<128x64xf32, #tpu.memory_space<vmem>>) dst(%dma_wait3A_174 : memref<10240x64xf32, #tpu.memory_space<vmem_shared>>)
        } else {
        }
        %mul3A_54 = arith.constant 128 : i32
        %mul3A_55 = arith.muli %add3A_49, %mul3A_54 : i32
        %dma_start3A = tpu.memref_slice %arg9[%mul3A_55] : memref<20480xi32, #tpu.memory_space<vmem>> -> memref<128xi32, #tpu.memory_space<vmem>>
        %dma_start3A_56 = arith.constant 0 : i32
        %dma_start3A_57 = arith.constant 0 : i32
        %dma_start3A_58 = tpu.memref_slice %arg2[%dma_start3A_56, %dma_start3A_57] : memref<10240x64xf32, #tpu.memory_space<hbm>> -> memref<10240x64xf32, #tpu.memory_space<hbm>>
        tpu.enqueue_indirect_dma source(%dma_start3A_58 : memref<10240x64xf32, #tpu.memory_space<hbm>>) target(%arg11 : memref<128x64xf32, #tpu.memory_space<vmem>>) offsets(%dma_start3A : memref<128xi32, #tpu.memory_space<vmem>>) semaphore(%arg16 : memref<!tpu.dma_semaphore, #tpu.memory_space<semaphore_mem>>)
        %mul3A_59 = arith.constant 4 : i32
        %mul3A_60 = arith.muli %mul3A_59, %scan3A_46 : i32
        %add3A_61 = arith.constant 1 : i32
        %add3A_62 = arith.addi %mul3A_60, %add3A_61 : i32
        %gt3A_63 = arith.constant 0 : i32
        %gt3A_64 = arith.cmpi sgt, %scan3A_46, %gt3A_63 : i32
        %convert_element_type3A_65 = arith.extui %gt3A_64 : i1 to i32
        %cond3A_66 = arith.constant 0 : i32
        %cond3A_67 = arith.cmpi ne, %convert_element_type3A_65, %cond3A_66 : i32
        scf.if %cond3A_67 {
          %sub3A = arith.constant 4 : i32
          %sub3A_168 = arith.subi %add3A_62, %sub3A : i32
          %mul3A_169 = arith.constant 128 : i32
          %mul3A_170 = arith.muli %sub3A_168, %mul3A_169 : i32
          %dma_wait3A_171 = tpu.memref_slice %arg10[%mul3A_170] : memref<20480xi32, #tpu.memory_space<vmem>> -> memref<128xi32, #tpu.memory_space<vmem>>
          %dma_wait3A_172 = arith.constant 0 : i32
          %dma_wait3A_173 = arith.constant 0 : i32
          %dma_wait3A_174 = tpu.memref_slice %arg15[%dma_wait3A_172, %dma_wait3A_173] : memref<10240x64xf32, #tpu.memory_space<vmem_shared>> -> memref<10240x64xf32, #tpu.memory_space<vmem_shared>>
          tpu.wait_indirect_dma semaphore(%arg21 : memref<!tpu.dma_semaphore, #tpu.memory_space<semaphore_mem>>) src(%arg12 : memref<128x64xf32, #tpu.memory_space<vmem>>) dst(%dma_wait3A_174 : memref<10240x64xf32, #tpu.memory_space<vmem_shared>>)
        } else {
        }
        %mul3A_68 = arith.constant 128 : i32
        %mul3A_69 = arith.muli %add3A_62, %mul3A_68 : i32
        %dma_start3A_70 = tpu.memref_slice %arg9[%mul3A_69] : memref<20480xi32, #tpu.memory_space<vmem>> -> memref<128xi32, #tpu.memory_space<vmem>>
        %dma_start3A_71 = arith.constant 0 : i32
        %dma_start3A_72 = arith.constant 0 : i32
        %dma_start3A_73 = tpu.memref_slice %arg2[%dma_start3A_71, %dma_start3A_72] : memref<10240x64xf32, #tpu.memory_space<hbm>> -> memref<10240x64xf32, #tpu.memory_space<hbm>>
        tpu.enqueue_indirect_dma source(%dma_start3A_73 : memref<10240x64xf32, #tpu.memory_space<hbm>>) target(%arg12 : memref<128x64xf32, #tpu.memory_space<vmem>>) offsets(%dma_start3A_70 : memref<128xi32, #tpu.memory_space<vmem>>) semaphore(%arg17 : memref<!tpu.dma_semaphore, #tpu.memory_space<semaphore_mem>>)
        %mul3A_74 = arith.constant 4 : i32
        %mul3A_75 = arith.muli %mul3A_74, %scan3A_46 : i32
        %add3A_76 = arith.constant 2 : i32
        %add3A_77 = arith.addi %mul3A_75, %add3A_76 : i32
        %gt3A_78 = arith.constant 0 : i32
        %gt3A_79 = arith.cmpi sgt, %scan3A_46, %gt3A_78 : i32
        %convert_element_type3A_80 = arith.extui %gt3A_79 : i1 to i32
        %cond3A_81 = arith.constant 0 : i32
        %cond3A_82 = arith.cmpi ne, %convert_element_type3A_80, %cond3A_81 : i32
        scf.if %cond3A_82 {
          %sub3A = arith.constant 4 : i32
          %sub3A_168 = arith.subi %add3A_77, %sub3A : i32
          %mul3A_169 = arith.constant 128 : i32
          %mul3A_170 = arith.muli %sub3A_168, %mul3A_169 : i32
          %dma_wait3A_171 = tpu.memref_slice %arg10[%mul3A_170] : memref<20480xi32, #tpu.memory_space<vmem>> -> memref<128xi32, #tpu.memory_space<vmem>>
          %dma_wait3A_172 = arith.constant 0 : i32
          %dma_wait3A_173 = arith.constant 0 : i32
          %dma_wait3A_174 = tpu.memref_slice %arg15[%dma_wait3A_172, %dma_wait3A_173] : memref<10240x64xf32, #tpu.memory_space<vmem_shared>> -> memref<10240x64xf32, #tpu.memory_space<vmem_shared>>
          tpu.wait_indirect_dma semaphore(%arg22 : memref<!tpu.dma_semaphore, #tpu.memory_space<semaphore_mem>>) src(%arg13 : memref<128x64xf32, #tpu.memory_space<vmem>>) dst(%dma_wait3A_174 : memref<10240x64xf32, #tpu.memory_space<vmem_shared>>)
        } else {
        }
        %mul3A_83 = arith.constant 128 : i32
        %mul3A_84 = arith.muli %add3A_77, %mul3A_83 : i32
        %dma_start3A_85 = tpu.memref_slice %arg9[%mul3A_84] : memref<20480xi32, #tpu.memory_space<vmem>> -> memref<128xi32, #tpu.memory_space<vmem>>
        %dma_start3A_86 = arith.constant 0 : i32
        %dma_start3A_87 = arith.constant 0 : i32
        %dma_start3A_88 = tpu.memref_slice %arg2[%dma_start3A_86, %dma_start3A_87] : memref<10240x64xf32, #tpu.memory_space<hbm>> -> memref<10240x64xf32, #tpu.memory_space<hbm>>
        tpu.enqueue_indirect_dma source(%dma_start3A_88 : memref<10240x64xf32, #tpu.memory_space<hbm>>) target(%arg13 : memref<128x64xf32, #tpu.memory_space<vmem>>) offsets(%dma_start3A_85 : memref<128xi32, #tpu.memory_space<vmem>>) semaphore(%arg18 : memref<!tpu.dma_semaphore, #tpu.memory_space<semaphore_mem>>)
        %mul3A_89 = arith.constant 4 : i32
        %mul3A_90 = arith.muli %mul3A_89, %scan3A_46 : i32
        %add3A_91 = arith.constant 3 : i32
        %add3A_92 = arith.addi %mul3A_90, %add3A_91 : i32
        %gt3A_93 = arith.constant 0 : i32
        %gt3A_94 = arith.cmpi sgt, %scan3A_46, %gt3A_93 : i32
        %convert_element_type3A_95 = arith.extui %gt3A_94 : i1 to i32
        %cond3A_96 = arith.constant 0 : i32
        %cond3A_97 = arith.cmpi ne, %convert_element_type3A_95, %cond3A_96 : i32
        scf.if %cond3A_97 {
          %sub3A = arith.constant 4 : i32
          %sub3A_168 = arith.subi %add3A_92, %sub3A : i32
          %mul3A_169 = arith.constant 128 : i32
          %mul3A_170 = arith.muli %sub3A_168, %mul3A_169 : i32
          %dma_wait3A_171 = tpu.memref_slice %arg10[%mul3A_170] : memref<20480xi32, #tpu.memory_space<vmem>> -> memref<128xi32, #tpu.memory_space<vmem>>
          %dma_wait3A_172 = arith.constant 0 : i32
          %dma_wait3A_173 = arith.constant 0 : i32
          %dma_wait3A_174 = tpu.memref_slice %arg15[%dma_wait3A_172, %dma_wait3A_173] : memref<10240x64xf32, #tpu.memory_space<vmem_shared>> -> memref<10240x64xf32, #tpu.memory_space<vmem_shared>>
          tpu.wait_indirect_dma semaphore(%arg23 : memref<!tpu.dma_semaphore, #tpu.memory_space<semaphore_mem>>) src(%arg14 : memref<128x64xf32, #tpu.memory_space<vmem>>) dst(%dma_wait3A_174 : memref<10240x64xf32, #tpu.memory_space<vmem_shared>>)
        } else {
        }
        %mul3A_98 = arith.constant 128 : i32
        %mul3A_99 = arith.muli %add3A_92, %mul3A_98 : i32
        %dma_start3A_100 = tpu.memref_slice %arg9[%mul3A_99] : memref<20480xi32, #tpu.memory_space<vmem>> -> memref<128xi32, #tpu.memory_space<vmem>>
        %dma_start3A_101 = arith.constant 0 : i32
        %dma_start3A_102 = arith.constant 0 : i32
        %dma_start3A_103 = tpu.memref_slice %arg2[%dma_start3A_101, %dma_start3A_102] : memref<10240x64xf32, #tpu.memory_space<hbm>> -> memref<10240x64xf32, #tpu.memory_space<hbm>>
        tpu.enqueue_indirect_dma source(%dma_start3A_103 : memref<10240x64xf32, #tpu.memory_space<hbm>>) target(%arg14 : memref<128x64xf32, #tpu.memory_space<vmem>>) offsets(%dma_start3A_100 : memref<128xi32, #tpu.memory_space<vmem>>) semaphore(%arg19 : memref<!tpu.dma_semaphore, #tpu.memory_space<semaphore_mem>>)
        %mul3A_104 = arith.constant 4 : i32
        %mul3A_105 = arith.muli %mul3A_104, %scan3A_46 : i32
        %add3A_106 = arith.constant 0 : i32
        %add3A_107 = arith.addi %mul3A_105, %add3A_106 : i32
        %mul3A_108 = arith.constant 128 : i32
        %mul3A_109 = arith.muli %add3A_107, %mul3A_108 : i32
        %dma_wait3A_110 = tpu.memref_slice %arg9[%mul3A_109] : memref<20480xi32, #tpu.memory_space<vmem>> -> memref<128xi32, #tpu.memory_space<vmem>>
        %dma_wait3A_111 = arith.constant 0 : i32
        %dma_wait3A_112 = arith.constant 0 : i32
        %dma_wait3A_113 = tpu.memref_slice %arg2[%dma_wait3A_111, %dma_wait3A_112] : memref<10240x64xf32, #tpu.memory_space<hbm>> -> memref<10240x64xf32, #tpu.memory_space<hbm>>
        tpu.wait_indirect_dma semaphore(%arg16 : memref<!tpu.dma_semaphore, #tpu.memory_space<semaphore_mem>>) src(%dma_wait3A_113 : memref<10240x64xf32, #tpu.memory_space<hbm>>) dst(%arg11 : memref<128x64xf32, #tpu.memory_space<vmem>>)
        %mul3A_114 = arith.constant 128 : i32
        %mul3A_115 = arith.muli %add3A_107, %mul3A_114 : i32
        %dma_start3A_116 = tpu.memref_slice %arg10[%mul3A_115] : memref<20480xi32, #tpu.memory_space<vmem>> -> memref<128xi32, #tpu.memory_space<vmem>>
        %dma_start3A_117 = arith.constant 0 : i32
        %dma_start3A_118 = arith.constant 0 : i32
        %dma_start3A_119 = tpu.memref_slice %arg15[%dma_start3A_117, %dma_start3A_118] : memref<10240x64xf32, #tpu.memory_space<vmem_shared>> -> memref<10240x64xf32, #tpu.memory_space<vmem_shared>>
        tpu.enqueue_indirect_dma source(%arg11 : memref<128x64xf32, #tpu.memory_space<vmem>>) target(%dma_start3A_119 : memref<10240x64xf32, #tpu.memory_space<vmem_shared>>) offsets(%dma_start3A_116 : memref<128xi32, #tpu.memory_space<vmem>>) semaphore(%arg20 : memref<!tpu.dma_semaphore, #tpu.memory_space<semaphore_mem>>) {add = true}
        %mul3A_120 = arith.constant 4 : i32
        %mul3A_121 = arith.muli %mul3A_120, %scan3A_46 : i32
        %add3A_122 = arith.constant 1 : i32
        %add3A_123 = arith.addi %mul3A_121, %add3A_122 : i32
        %mul3A_124 = arith.constant 128 : i32
        %mul3A_125 = arith.muli %add3A_123, %mul3A_124 : i32
        %dma_wait3A_126 = tpu.memref_slice %arg9[%mul3A_125] : memref<20480xi32, #tpu.memory_space<vmem>> -> memref<128xi32, #tpu.memory_space<vmem>>
        %dma_wait3A_127 = arith.constant 0 : i32
        %dma_wait3A_128 = arith.constant 0 : i32
        %dma_wait3A_129 = tpu.memref_slice %arg2[%dma_wait3A_127, %dma_wait3A_128] : memref<10240x64xf32, #tpu.memory_space<hbm>> -> memref<10240x64xf32, #tpu.memory_space<hbm>>
        tpu.wait_indirect_dma semaphore(%arg17 : memref<!tpu.dma_semaphore, #tpu.memory_space<semaphore_mem>>) src(%dma_wait3A_129 : memref<10240x64xf32, #tpu.memory_space<hbm>>) dst(%arg12 : memref<128x64xf32, #tpu.memory_space<vmem>>)
        %mul3A_130 = arith.constant 128 : i32
        %mul3A_131 = arith.muli %add3A_123, %mul3A_130 : i32
        %dma_start3A_132 = tpu.memref_slice %arg10[%mul3A_131] : memref<20480xi32, #tpu.memory_space<vmem>> -> memref<128xi32, #tpu.memory_space<vmem>>
        %dma_start3A_133 = arith.constant 0 : i32
        %dma_start3A_134 = arith.constant 0 : i32
        %dma_start3A_135 = tpu.memref_slice %arg15[%dma_start3A_133, %dma_start3A_134] : memref<10240x64xf32, #tpu.memory_space<vmem_shared>> -> memref<10240x64xf32, #tpu.memory_space<vmem_shared>>
        tpu.enqueue_indirect_dma source(%arg12 : memref<128x64xf32, #tpu.memory_space<vmem>>) target(%dma_start3A_135 : memref<10240x64xf32, #tpu.memory_space<vmem_shared>>) offsets(%dma_start3A_132 : memref<128xi32, #tpu.memory_space<vmem>>) semaphore(%arg21 : memref<!tpu.dma_semaphore, #tpu.memory_space<semaphore_mem>>) {add = true}
        %mul3A_136 = arith.constant 4 : i32
        %mul3A_137 = arith.muli %mul3A_136, %scan3A_46 : i32
        %add3A_138 = arith.constant 2 : i32
        %add3A_139 = arith.addi %mul3A_137, %add3A_138 : i32
        %mul3A_140 = arith.constant 128 : i32
        %mul3A_141 = arith.muli %add3A_139, %mul3A_140 : i32
        %dma_wait3A_142 = tpu.memref_slice %arg9[%mul3A_141] : memref<20480xi32, #tpu.memory_space<vmem>> -> memref<128xi32, #tpu.memory_space<vmem>>
        %dma_wait3A_143 = arith.constant 0 : i32
        %dma_wait3A_144 = arith.constant 0 : i32
        %dma_wait3A_145 = tpu.memref_slice %arg2[%dma_wait3A_143, %dma_wait3A_144] : memref<10240x64xf32, #tpu.memory_space<hbm>> -> memref<10240x64xf32, #tpu.memory_space<hbm>>
        tpu.wait_indirect_dma semaphore(%arg18 : memref<!tpu.dma_semaphore, #tpu.memory_space<semaphore_mem>>) src(%dma_wait3A_145 : memref<10240x64xf32, #tpu.memory_space<hbm>>) dst(%arg13 : memref<128x64xf32, #tpu.memory_space<vmem>>)
        %mul3A_146 = arith.constant 128 : i32
        %mul3A_147 = arith.muli %add3A_139, %mul3A_146 : i32
        %dma_start3A_148 = tpu.memref_slice %arg10[%mul3A_147] : memref<20480xi32, #tpu.memory_space<vmem>> -> memref<128xi32, #tpu.memory_space<vmem>>
        %dma_start3A_149 = arith.constant 0 : i32
        %dma_start3A_150 = arith.constant 0 : i32
        %dma_start3A_151 = tpu.memref_slice %arg15[%dma_start3A_149, %dma_start3A_150] : memref<10240x64xf32, #tpu.memory_space<vmem_shared>> -> memref<10240x64xf32, #tpu.memory_space<vmem_shared>>
        tpu.enqueue_indirect_dma source(%arg13 : memref<128x64xf32, #tpu.memory_space<vmem>>) target(%dma_start3A_151 : memref<10240x64xf32, #tpu.memory_space<vmem_shared>>) offsets(%dma_start3A_148 : memref<128xi32, #tpu.memory_space<vmem>>) semaphore(%arg22 : memref<!tpu.dma_semaphore, #tpu.memory_space<semaphore_mem>>) {add = true}
        %mul3A_152 = arith.constant 4 : i32
        %mul3A_153 = arith.muli %mul3A_152, %scan3A_46 : i32
        %add3A_154 = arith.constant 3 : i32
        %add3A_155 = arith.addi %mul3A_153, %add3A_154 : i32
        %mul3A_156 = arith.constant 128 : i32
        %mul3A_157 = arith.muli %add3A_155, %mul3A_156 : i32
        %dma_wait3A_158 = tpu.memref_slice %arg9[%mul3A_157] : memref<20480xi32, #tpu.memory_space<vmem>> -> memref<128xi32, #tpu.memory_space<vmem>>
        %dma_wait3A_159 = arith.constant 0 : i32
        %dma_wait3A_160 = arith.constant 0 : i32
        %dma_wait3A_161 = tpu.memref_slice %arg2[%dma_wait3A_159, %dma_wait3A_160] : memref<10240x64xf32, #tpu.memory_space<hbm>> -> memref<10240x64xf32, #tpu.memory_space<hbm>>
        tpu.wait_indirect_dma semaphore(%arg19 : memref<!tpu.dma_semaphore, #tpu.memory_space<semaphore_mem>>) src(%dma_wait3A_161 : memref<10240x64xf32, #tpu.memory_space<hbm>>) dst(%arg14 : memref<128x64xf32, #tpu.memory_space<vmem>>)
        %mul3A_162 = arith.constant 128 : i32
        %mul3A_163 = arith.muli %add3A_155, %mul3A_162 : i32
        %dma_start3A_164 = tpu.memref_slice %arg10[%mul3A_163] : memref<20480xi32, #tpu.memory_space<vmem>> -> memref<128xi32, #tpu.memory_space<vmem>>
        %dma_start3A_165 = arith.constant 0 : i32
        %dma_start3A_166 = arith.constant 0 : i32
        %dma_start3A_167 = tpu.memref_slice %arg15[%dma_start3A_165, %dma_start3A_166] : memref<10240x64xf32, #tpu.memory_space<vmem_shared>> -> memref<10240x64xf32, #tpu.memory_space<vmem_shared>>
        tpu.enqueue_indirect_dma source(%arg14 : memref<128x64xf32, #tpu.memory_space<vmem>>) target(%dma_start3A_167 : memref<10240x64xf32, #tpu.memory_space<vmem_shared>>) offsets(%dma_start3A_164 : memref<128xi32, #tpu.memory_space<vmem>>) semaphore(%arg23 : memref<!tpu.dma_semaphore, #tpu.memory_space<semaphore_mem>>) {add = true}
      }
      %scan3A_25 = arith.constant 40 : i32
      %dma_wait3A = arith.constant 19968 : i32
      %dma_wait3A_26 = tpu.memref_slice %arg10[%dma_wait3A] : memref<20480xi32, #tpu.memory_space<vmem>> -> memref<128xi32, #tpu.memory_space<vmem>>
      %dma_wait3A_27 = arith.constant 0 : i32
      %dma_wait3A_28 = arith.constant 0 : i32
      %dma_wait3A_29 = tpu.memref_slice %arg15[%dma_wait3A_27, %dma_wait3A_28] : memref<10240x64xf32, #tpu.memory_space<vmem_shared>> -> memref<10240x64xf32, #tpu.memory_space<vmem_shared>>
      tpu.wait_indirect_dma semaphore(%arg20 : memref<!tpu.dma_semaphore, #tpu.memory_space<semaphore_mem>>) src(%arg11 : memref<128x64xf32, #tpu.memory_space<vmem>>) dst(%dma_wait3A_29 : memref<10240x64xf32, #tpu.memory_space<vmem_shared>>)
      %dma_wait3A_30 = arith.constant 20096 : i32
      %dma_wait3A_31 = tpu.memref_slice %arg10[%dma_wait3A_30] : memref<20480xi32, #tpu.memory_space<vmem>> -> memref<128xi32, #tpu.memory_space<vmem>>
      %dma_wait3A_32 = arith.constant 0 : i32
      %dma_wait3A_33 = arith.constant 0 : i32
      %dma_wait3A_34 = tpu.memref_slice %arg15[%dma_wait3A_32, %dma_wait3A_33] : memref<10240x64xf32, #tpu.memory_space<vmem_shared>> -> memref<10240x64xf32, #tpu.memory_space<vmem_shared>>
      tpu.wait_indirect_dma semaphore(%arg21 : memref<!tpu.dma_semaphore, #tpu.memory_space<semaphore_mem>>) src(%arg12 : memref<128x64xf32, #tpu.memory_space<vmem>>) dst(%dma_wait3A_34 : memref<10240x64xf32, #tpu.memory_space<vmem_shared>>)
      %dma_wait3A_35 = arith.constant 20224 : i32
      %dma_wait3A_36 = tpu.memref_slice %arg10[%dma_wait3A_35] : memref<20480xi32, #tpu.memory_space<vmem>> -> memref<128xi32, #tpu.memory_space<vmem>>
      %dma_wait3A_37 = arith.constant 0 : i32
      %dma_wait3A_38 = arith.constant 0 : i32
      %dma_wait3A_39 = tpu.memref_slice %arg15[%dma_wait3A_37, %dma_wait3A_38] : memref<10240x64xf32, #tpu.memory_space<vmem_shared>> -> memref<10240x64xf32, #tpu.memory_space<vmem_shared>>
      tpu.wait_indirect_dma semaphore(%arg22 : memref<!tpu.dma_semaphore, #tpu.memory_space<semaphore_mem>>) src(%arg13 : memref<128x64xf32, #tpu.memory_space<vmem>>) dst(%dma_wait3A_39 : memref<10240x64xf32, #tpu.memory_space<vmem_shared>>)
      %dma_wait3A_40 = arith.constant 20352 : i32
      %dma_wait3A_41 = tpu.memref_slice %arg10[%dma_wait3A_40] : memref<20480xi32, #tpu.memory_space<vmem>> -> memref<128xi32, #tpu.memory_space<vmem>>
      %dma_wait3A_42 = arith.constant 0 : i32
      %dma_wait3A_43 = arith.constant 0 : i32
      %dma_wait3A_44 = tpu.memref_slice %arg15[%dma_wait3A_42, %dma_wait3A_43] : memref<10240x64xf32, #tpu.memory_space<vmem_shared>> -> memref<10240x64xf32, #tpu.memory_space<vmem_shared>>
      tpu.wait_indirect_dma semaphore(%arg23 : memref<!tpu.dma_semaphore, #tpu.memory_space<semaphore_mem>>) src(%arg14 : memref<128x64xf32, #tpu.memory_space<vmem>>) dst(%dma_wait3A_44 : memref<10240x64xf32, #tpu.memory_space<vmem_shared>>)
      %barrier3A_45 = arith.constant 0 : index
      tpu.barrier barrier_id(%barrier3A_45)
      "tpu.region"() ({
        %run_scoped3A = tpu.sem_alloc : memref<!tpu.dma_semaphore, #tpu.memory_space<semaphore_mem>>
        %dma_start3A = arith.constant 0 : i32
        %dma_start3A_46 = tpu.memref_slice %arg7[%mul3A_0, %dma_start3A] : memref<10240x64xf32, #tpu.memory_space<hbm>> -> memref<640x64xf32, #tpu.memory_space<hbm>>
        %dma_start3A_47 = arith.constant 0 : i32
        %dma_start3A_48 = tpu.memref_slice %arg15[%mul3A_0, %dma_start3A_47] : memref<10240x64xf32, #tpu.memory_space<vmem_shared>> -> memref<640x64xf32, #tpu.memory_space<vmem_shared>>
        tpu.enqueue_dma source(%dma_start3A_48 : memref<640x64xf32, #tpu.memory_space<vmem_shared>>) target(%dma_start3A_46 : memref<640x64xf32, #tpu.memory_space<hbm>>) target_semaphore(%run_scoped3A : memref<!tpu.dma_semaphore, #tpu.memory_space<semaphore_mem>>)
        %dma_wait3A_49 = arith.constant 0 : i32
        %dma_wait3A_50 = tpu.memref_slice %arg7[%mul3A_0, %dma_wait3A_49] : memref<10240x64xf32, #tpu.memory_space<hbm>> -> memref<640x64xf32, #tpu.memory_space<hbm>>
        %dma_wait3A_51 = arith.constant 0 : i32
        %dma_wait3A_52 = tpu.memref_slice %arg15[%mul3A_0, %dma_wait3A_51] : memref<10240x64xf32, #tpu.memory_space<vmem_shared>> -> memref<640x64xf32, #tpu.memory_space<vmem_shared>>
        tpu.wait_dma2 semaphore(%run_scoped3A : memref<!tpu.dma_semaphore, #tpu.memory_space<semaphore_mem>>) src(%dma_wait3A_52 : memref<640x64xf32, #tpu.memory_space<vmem_shared>>) dst(%dma_wait3A_50 : memref<640x64xf32, #tpu.memory_space<hbm>>)
        tpu.yield
      }) : () -> ()
    } else {
    }
    %eq3A_7 = arith.constant 1 : i32
    %eq3A_8 = arith.cmpi eq, %arg0, %eq3A_7 : i32
    %convert_element_type3A_9 = arith.extui %eq3A_8 : i1 to i32
    %cond3A_10 = arith.constant 0 : i32
    %cond3A_11 = arith.cmpi ne, %convert_element_type3A_9, %cond3A_10 : i32
    scf.if %cond3A_11 {
      "tpu.region"() ({
        %run_scoped3A = tpu.sem_alloc : memref<!tpu.dma_semaphore, #tpu.memory_space<semaphore_mem>>
        %dma_start3A = arith.constant 0 : i32
        %dma_start3A_46 = tpu.memref_slice %arg15[%mul3A_0, %dma_start3A] : memref<10240x64xf32, #tpu.memory_space<vmem_shared>> -> memref<640x64xf32, #tpu.memory_space<vmem_shared>>
        %dma_start3A_47 = arith.constant 0 : i32
        %dma_start3A_48 = tpu.memref_slice %arg6[%mul3A_0, %dma_start3A_47] : memref<10240x64xf32, #tpu.memory_space<hbm>> -> memref<640x64xf32, #tpu.memory_space<hbm>>
        tpu.enqueue_dma source(%dma_start3A_48 : memref<640x64xf32, #tpu.memory_space<hbm>>) target(%dma_start3A_46 : memref<640x64xf32, #tpu.memory_space<vmem_shared>>) target_semaphore(%run_scoped3A : memref<!tpu.dma_semaphore, #tpu.memory_space<semaphore_mem>>)
        %dma_wait3A_49 = arith.constant 0 : i32
        %dma_wait3A_50 = tpu.memref_slice %arg15[%mul3A_0, %dma_wait3A_49] : memref<10240x64xf32, #tpu.memory_space<vmem_shared>> -> memref<640x64xf32, #tpu.memory_space<vmem_shared>>
        %dma_wait3A_51 = arith.constant 0 : i32
        %dma_wait3A_52 = tpu.memref_slice %arg6[%mul3A_0, %dma_wait3A_51] : memref<10240x64xf32, #tpu.memory_space<hbm>> -> memref<640x64xf32, #tpu.memory_space<hbm>>
        tpu.wait_dma2 semaphore(%run_scoped3A : memref<!tpu.dma_semaphore, #tpu.memory_space<semaphore_mem>>) src(%dma_wait3A_52 : memref<640x64xf32, #tpu.memory_space<hbm>>) dst(%dma_wait3A_50 : memref<640x64xf32, #tpu.memory_space<vmem_shared>>)
        tpu.yield
      }) : () -> ()
      %lt3A = arith.constant 15 : i32
      %lt3A_12 = arith.cmpi slt, %arg1, %lt3A : i32
      %convert_element_type3A_13 = arith.extui %lt3A_12 : i1 to i32
      %cond3A_14 = arith.constant 0 : i32
      %cond3A_15 = arith.cmpi ne, %convert_element_type3A_13, %cond3A_14 : i32
      scf.if %cond3A_15 {
        "tpu.region"() ({
          %run_scoped3A = tpu.sem_alloc : memref<!tpu.dma_semaphore, #tpu.memory_space<semaphore_mem>>
          %dma_start3A = tpu.memref_slice %arg4[%mul3A_4] : memref<640000xi32, #tpu.memory_space<hbm>> -> memref<20480xi32, #tpu.memory_space<hbm>>
          %dma_start3A_47 = tpu.memref_slice %arg4[%mul3A_4] : memref<640000xi32, #tpu.memory_space<hbm>> -> memref<20480xi32, #tpu.memory_space<hbm>>
          tpu.enqueue_dma source(%dma_start3A_47 : memref<20480xi32, #tpu.memory_space<hbm>>) target(%arg9 : memref<20480xi32, #tpu.memory_space<vmem>>) target_semaphore(%run_scoped3A : memref<!tpu.dma_semaphore, #tpu.memory_space<semaphore_mem>>)
          %dma_wait3A_48 = tpu.memref_slice %arg4[%mul3A_4] : memref<640000xi32, #tpu.memory_space<hbm>> -> memref<20480xi32, #tpu.memory_space<hbm>>
          %dma_wait3A_49 = tpu.memref_slice %arg4[%mul3A_4] : memref<640000xi32, #tpu.memory_space<hbm>> -> memref<20480xi32, #tpu.memory_space<hbm>>
          tpu.wait_dma2 semaphore(%run_scoped3A : memref<!tpu.dma_semaphore, #tpu.memory_space<semaphore_mem>>) src(%dma_wait3A_49 : memref<20480xi32, #tpu.memory_space<hbm>>) dst(%arg9 : memref<20480xi32, #tpu.memory_space<vmem>>)
          tpu.yield
        }) : () -> ()
        %add3A = arith.constant 320000 : i32
        %add3A_46 = arith.addi %add3A, %mul3A_4 : i32
        "tpu.region"() ({
          %run_scoped3A = tpu.sem_alloc : memref<!tpu.dma_semaphore, #tpu.memory_space<semaphore_mem>>
          %dma_start3A = tpu.memref_slice %arg4[%add3A_46] : memref<640000xi32, #tpu.memory_space<hbm>> -> memref<20480xi32, #tpu.memory_space<hbm>>
          %dma_start3A_47 = tpu.memref_slice %arg4[%add3A_46] : memref<640000xi32, #tpu.memory_space<hbm>> -> memref<20480xi32, #tpu.memory_space<hbm>>
          tpu.enqueue_dma source(%dma_start3A_47 : memref<20480xi32, #tpu.memory_space<hbm>>) target(%arg10 : memref<20480xi32, #tpu.memory_space<vmem>>) target_semaphore(%run_scoped3A : memref<!tpu.dma_semaphore, #tpu.memory_space<semaphore_mem>>)
          %dma_wait3A_48 = tpu.memref_slice %arg4[%add3A_46] : memref<640000xi32, #tpu.memory_space<hbm>> -> memref<20480xi32, #tpu.memory_space<hbm>>
          %dma_wait3A_49 = tpu.memref_slice %arg4[%add3A_46] : memref<640000xi32, #tpu.memory_space<hbm>> -> memref<20480xi32, #tpu.memory_space<hbm>>
          tpu.wait_dma2 semaphore(%run_scoped3A : memref<!tpu.dma_semaphore, #tpu.memory_space<semaphore_mem>>) src(%dma_wait3A_49 : memref<20480xi32, #tpu.memory_space<hbm>>) dst(%arg10 : memref<20480xi32, #tpu.memory_space<vmem>>)
          tpu.yield
        }) : () -> ()
      } else {
      }
      %eq3A_16 = arith.constant 15 : i32
      %eq3A_17 = arith.cmpi eq, %arg1, %eq3A_16 : i32
      %convert_element_type3A_18 = arith.extui %eq3A_17 : i1 to i32
      %cond3A_19 = arith.constant 0 : i32
      %cond3A_20 = arith.cmpi ne, %convert_element_type3A_18, %cond3A_19 : i32
      scf.if %cond3A_20 {
        "tpu.region"() ({
          %run_scoped3A = tpu.sem_alloc : memref<!tpu.dma_semaphore, #tpu.memory_space<semaphore_mem>>
          %dma_start3A = arith.constant 0 : i32
          %dma_start3A_47 = tpu.memref_slice %arg9[%dma_start3A] : memref<20480xi32, #tpu.memory_space<vmem>> -> memref<12800xi32, #tpu.memory_space<vmem>>
          %dma_start3A_48 = tpu.memref_slice %arg4[%mul3A_4] : memref<640000xi32, #tpu.memory_space<hbm>> -> memref<12800xi32, #tpu.memory_space<hbm>>
          %dma_start3A_49 = arith.constant 0 : i32
          %dma_start3A_50 = tpu.memref_slice %arg9[%dma_start3A_49] : memref<20480xi32, #tpu.memory_space<vmem>> -> memref<12800xi32, #tpu.memory_space<vmem>>
          %dma_start3A_51 = tpu.memref_slice %arg4[%mul3A_4] : memref<640000xi32, #tpu.memory_space<hbm>> -> memref<12800xi32, #tpu.memory_space<hbm>>
          tpu.enqueue_dma source(%dma_start3A_51 : memref<12800xi32, #tpu.memory_space<hbm>>) target(%dma_start3A_50 : memref<12800xi32, #tpu.memory_space<vmem>>) target_semaphore(%run_scoped3A : memref<!tpu.dma_semaphore, #tpu.memory_space<semaphore_mem>>)
          %dma_wait3A_52 = arith.constant 0 : i32
          %dma_wait3A_53 = tpu.memref_slice %arg9[%dma_wait3A_52] : memref<20480xi32, #tpu.memory_space<vmem>> -> memref<12800xi32, #tpu.memory_space<vmem>>
          %dma_wait3A_54 = tpu.memref_slice %arg4[%mul3A_4] : memref<640000xi32, #tpu.memory_space<hbm>> -> memref<12800xi32, #tpu.memory_space<hbm>>
          %dma_wait3A_55 = arith.constant 0 : i32
          %dma_wait3A_56 = tpu.memref_slice %arg9[%dma_wait3A_55] : memref<20480xi32, #tpu.memory_space<vmem>> -> memref<12800xi32, #tpu.memory_space<vmem>>
          %dma_wait3A_57 = tpu.memref_slice %arg4[%mul3A_4] : memref<640000xi32, #tpu.memory_space<hbm>> -> memref<12800xi32, #tpu.memory_space<hbm>>
          tpu.wait_dma2 semaphore(%run_scoped3A : memref<!tpu.dma_semaphore, #tpu.memory_space<semaphore_mem>>) src(%dma_wait3A_57 : memref<12800xi32, #tpu.memory_space<hbm>>) dst(%dma_wait3A_56 : memref<12800xi32, #tpu.memory_space<vmem>>)
          tpu.yield
        }) : () -> ()
        "tpu.region"() ({
          %run_scoped3A = tpu.sem_alloc : memref<!tpu.dma_semaphore, #tpu.memory_space<semaphore_mem>>
          %dma_start3A = arith.constant 12800 : i32
          %dma_start3A_47 = tpu.memref_slice %arg9[%dma_start3A] : memref<20480xi32, #tpu.memory_space<vmem>> -> memref<7680xi32, #tpu.memory_space<vmem>>
          %dma_start3A_48 = arith.constant 0 : i32
          %dma_start3A_49 = tpu.memref_slice %arg5[%dma_start3A_48] : memref<7680xi32, #tpu.memory_space<hbm>> -> memref<7680xi32, #tpu.memory_space<hbm>>
          %dma_start3A_50 = arith.constant 12800 : i32
          %dma_start3A_51 = tpu.memref_slice %arg9[%dma_start3A_50] : memref<20480xi32, #tpu.memory_space<vmem>> -> memref<7680xi32, #tpu.memory_space<vmem>>
          %dma_start3A_52 = arith.constant 0 : i32
          %dma_start3A_53 = tpu.memref_slice %arg5[%dma_start3A_52] : memref<7680xi32, #tpu.memory_space<hbm>> -> memref<7680xi32, #tpu.memory_space<hbm>>
          tpu.enqueue_dma source(%dma_start3A_53 : memref<7680xi32, #tpu.memory_space<hbm>>) target(%dma_start3A_51 : memref<7680xi32, #tpu.memory_space<vmem>>) target_semaphore(%run_scoped3A : memref<!tpu.dma_semaphore, #tpu.memory_space<semaphore_mem>>)
          %dma_wait3A_54 = arith.constant 12800 : i32
          %dma_wait3A_55 = tpu.memref_slice %arg9[%dma_wait3A_54] : memref<20480xi32, #tpu.memory_space<vmem>> -> memref<7680xi32, #tpu.memory_space<vmem>>
          %dma_wait3A_56 = arith.constant 0 : i32
          %dma_wait3A_57 = tpu.memref_slice %arg5[%dma_wait3A_56] : memref<7680xi32, #tpu.memory_space<hbm>> -> memref<7680xi32, #tpu.memory_space<hbm>>
          %dma_wait3A_58 = arith.constant 12800 : i32
          %dma_wait3A_59 = tpu.memref_slice %arg9[%dma_wait3A_58] : memref<20480xi32, #tpu.memory_space<vmem>> -> memref<7680xi32, #tpu.memory_space<vmem>>
          %dma_wait3A_60 = arith.constant 0 : i32
          %dma_wait3A_61 = tpu.memref_slice %arg5[%dma_wait3A_60] : memref<7680xi32, #tpu.memory_space<hbm>> -> memref<7680xi32, #tpu.memory_space<hbm>>
          tpu.wait_dma2 semaphore(%run_scoped3A : memref<!tpu.dma_semaphore, #tpu.memory_space<semaphore_mem>>) src(%dma_wait3A_61 : memref<7680xi32, #tpu.memory_space<hbm>>) dst(%dma_wait3A_59 : memref<7680xi32, #tpu.memory_space<vmem>>)
          tpu.yield
        }) : () -> ()
        %add3A = arith.constant 320000 : i32
        %add3A_46 = arith.addi %add3A, %mul3A_4 : i32
        "tpu.region"() ({
          %run_scoped3A = tpu.sem_alloc : memref<!tpu.dma_semaphore, #tpu.memory_space<semaphore_mem>>
          %dma_start3A = arith.constant 0 : i32
          %dma_start3A_47 = tpu.memref_slice %arg10[%dma_start3A] : memref<20480xi32, #tpu.memory_space<vmem>> -> memref<12800xi32, #tpu.memory_space<vmem>>
          %dma_start3A_48 = tpu.memref_slice %arg4[%add3A_46] : memref<640000xi32, #tpu.memory_space<hbm>> -> memref<12800xi32, #tpu.memory_space<hbm>>
          %dma_start3A_49 = arith.constant 0 : i32
          %dma_start3A_50 = tpu.memref_slice %arg10[%dma_start3A_49] : memref<20480xi32, #tpu.memory_space<vmem>> -> memref<12800xi32, #tpu.memory_space<vmem>>
          %dma_start3A_51 = tpu.memref_slice %arg4[%add3A_46] : memref<640000xi32, #tpu.memory_space<hbm>> -> memref<12800xi32, #tpu.memory_space<hbm>>
          tpu.enqueue_dma source(%dma_start3A_51 : memref<12800xi32, #tpu.memory_space<hbm>>) target(%dma_start3A_50 : memref<12800xi32, #tpu.memory_space<vmem>>) target_semaphore(%run_scoped3A : memref<!tpu.dma_semaphore, #tpu.memory_space<semaphore_mem>>)
          %dma_wait3A_52 = arith.constant 0 : i32
          %dma_wait3A_53 = tpu.memref_slice %arg10[%dma_wait3A_52] : memref<20480xi32, #tpu.memory_space<vmem>> -> memref<12800xi32, #tpu.memory_space<vmem>>
          %dma_wait3A_54 = tpu.memref_slice %arg4[%add3A_46] : memref<640000xi32, #tpu.memory_space<hbm>> -> memref<12800xi32, #tpu.memory_space<hbm>>
          %dma_wait3A_55 = arith.constant 0 : i32
          %dma_wait3A_56 = tpu.memref_slice %arg10[%dma_wait3A_55] : memref<20480xi32, #tpu.memory_space<vmem>> -> memref<12800xi32, #tpu.memory_space<vmem>>
          %dma_wait3A_57 = tpu.memref_slice %arg4[%add3A_46] : memref<640000xi32, #tpu.memory_space<hbm>> -> memref<12800xi32, #tpu.memory_space<hbm>>
          tpu.wait_dma2 semaphore(%run_scoped3A : memref<!tpu.dma_semaphore, #tpu.memory_space<semaphore_mem>>) src(%dma_wait3A_57 : memref<12800xi32, #tpu.memory_space<hbm>>) dst(%dma_wait3A_56 : memref<12800xi32, #tpu.memory_space<vmem>>)
          tpu.yield
        }) : () -> ()
        "tpu.region"() ({
          %run_scoped3A = tpu.sem_alloc : memref<!tpu.dma_semaphore, #tpu.memory_space<semaphore_mem>>
          %dma_start3A = arith.constant 12800 : i32
          %dma_start3A_47 = tpu.memref_slice %arg10[%dma_start3A] : memref<20480xi32, #tpu.memory_space<vmem>> -> memref<7680xi32, #tpu.memory_space<vmem>>
          %dma_start3A_48 = arith.constant 0 : i32
          %dma_start3A_49 = tpu.memref_slice %arg5[%dma_start3A_48] : memref<7680xi32, #tpu.memory_space<hbm>> -> memref<7680xi32, #tpu.memory_space<hbm>>
          %dma_start3A_50 = arith.constant 12800 : i32
          %dma_start3A_51 = tpu.memref_slice %arg10[%dma_start3A_50] : memref<20480xi32, #tpu.memory_space<vmem>> -> memref<7680xi32, #tpu.memory_space<vmem>>
          %dma_start3A_52 = arith.constant 0 : i32
          %dma_start3A_53 = tpu.memref_slice %arg5[%dma_start3A_52] : memref<7680xi32, #tpu.memory_space<hbm>> -> memref<7680xi32, #tpu.memory_space<hbm>>
          tpu.enqueue_dma source(%dma_start3A_53 : memref<7680xi32, #tpu.memory_space<hbm>>) target(%dma_start3A_51 : memref<7680xi32, #tpu.memory_space<vmem>>) target_semaphore(%run_scoped3A : memref<!tpu.dma_semaphore, #tpu.memory_space<semaphore_mem>>)
          %dma_wait3A_54 = arith.constant 12800 : i32
          %dma_wait3A_55 = tpu.memref_slice %arg10[%dma_wait3A_54] : memref<20480xi32, #tpu.memory_space<vmem>> -> memref<7680xi32, #tpu.memory_space<vmem>>
          %dma_wait3A_56 = arith.constant 0 : i32
          %dma_wait3A_57 = tpu.memref_slice %arg5[%dma_wait3A_56] : memref<7680xi32, #tpu.memory_space<hbm>> -> memref<7680xi32, #tpu.memory_space<hbm>>
          %dma_wait3A_58 = arith.constant 12800 : i32
          %dma_wait3A_59 = tpu.memref_slice %arg10[%dma_wait3A_58] : memref<20480xi32, #tpu.memory_space<vmem>> -> memref<7680xi32, #tpu.memory_space<vmem>>
          %dma_wait3A_60 = arith.constant 0 : i32
          %dma_wait3A_61 = tpu.memref_slice %arg5[%dma_wait3A_60] : memref<7680xi32, #tpu.memory_space<hbm>> -> memref<7680xi32, #tpu.memory_space<hbm>>
          tpu.wait_dma2 semaphore(%run_scoped3A : memref<!tpu.dma_semaphore, #tpu.memory_space<semaphore_mem>>) src(%dma_wait3A_61 : memref<7680xi32, #tpu.memory_space<hbm>>) dst(%dma_wait3A_59 : memref<7680xi32, #tpu.memory_space<vmem>>)
          tpu.yield
        }) : () -> ()
      } else {
      }
      %barrier3A = arith.constant 0 : index
      tpu.barrier barrier_id(%barrier3A)
      %scan3A = arith.constant 0 : i32
      %scan3A_21 = arith.constant 0 : i32
      %scan3A_22 = arith.constant 40 : i32
      %scan3A_23 = arith.addi %scan3A_21, %scan3A_22 : i32
      %scan3A_24 = arith.constant 1 : i32
      scf.for %scan3A_46 = %scan3A_21 to %scan3A_23 step %scan3A_24  : i32 {
        %mul3A_47 = arith.constant 4 : i32
        %mul3A_48 = arith.muli %mul3A_47, %scan3A_46 : i32
        %add3A = arith.constant 0 : i32
        %add3A_49 = arith.addi %mul3A_48, %add3A : i32
        %gt3A = arith.constant 0 : i32
        %gt3A_50 = arith.cmpi sgt, %scan3A_46, %gt3A : i32
        %convert_element_type3A_51 = arith.extui %gt3A_50 : i1 to i32
        %cond3A_52 = arith.constant 0 : i32
        %cond3A_53 = arith.cmpi ne, %convert_element_type3A_51, %cond3A_52 : i32
        scf.if %cond3A_53 {
          %sub3A = arith.constant 4 : i32
          %sub3A_168 = arith.subi %add3A_49, %sub3A : i32
          %mul3A_169 = arith.constant 128 : i32
          %mul3A_170 = arith.muli %sub3A_168, %mul3A_169 : i32
          %dma_wait3A_171 = tpu.memref_slice %arg10[%mul3A_170] : memref<20480xi32, #tpu.memory_space<vmem>> -> memref<128xi32, #tpu.memory_space<vmem>>
          %dma_wait3A_172 = arith.constant 0 : i32
          %dma_wait3A_173 = arith.constant 0 : i32
          %dma_wait3A_174 = tpu.memref_slice %arg15[%dma_wait3A_172, %dma_wait3A_173] : memref<10240x64xf32, #tpu.memory_space<vmem_shared>> -> memref<10240x64xf32, #tpu.memory_space<vmem_shared>>
          tpu.wait_indirect_dma semaphore(%arg20 : memref<!tpu.dma_semaphore, #tpu.memory_space<semaphore_mem>>) src(%arg11 : memref<128x64xf32, #tpu.memory_space<vmem>>) dst(%dma_wait3A_174 : memref<10240x64xf32, #tpu.memory_space<vmem_shared>>)
        } else {
        }
        %mul3A_54 = arith.constant 128 : i32
        %mul3A_55 = arith.muli %add3A_49, %mul3A_54 : i32
        %dma_start3A = tpu.memref_slice %arg9[%mul3A_55] : memref<20480xi32, #tpu.memory_space<vmem>> -> memref<128xi32, #tpu.memory_space<vmem>>
        %dma_start3A_56 = arith.constant 0 : i32
        %dma_start3A_57 = arith.constant 0 : i32
        %dma_start3A_58 = tpu.memref_slice %arg3[%dma_start3A_56, %dma_start3A_57] : memref<10240x64xf32, #tpu.memory_space<hbm>> -> memref<10240x64xf32, #tpu.memory_space<hbm>>
        tpu.enqueue_indirect_dma source(%dma_start3A_58 : memref<10240x64xf32, #tpu.memory_space<hbm>>) target(%arg11 : memref<128x64xf32, #tpu.memory_space<vmem>>) offsets(%dma_start3A : memref<128xi32, #tpu.memory_space<vmem>>) semaphore(%arg16 : memref<!tpu.dma_semaphore, #tpu.memory_space<semaphore_mem>>)
        %mul3A_59 = arith.constant 4 : i32
        %mul3A_60 = arith.muli %mul3A_59, %scan3A_46 : i32
        %add3A_61 = arith.constant 1 : i32
        %add3A_62 = arith.addi %mul3A_60, %add3A_61 : i32
        %gt3A_63 = arith.constant 0 : i32
        %gt3A_64 = arith.cmpi sgt, %scan3A_46, %gt3A_63 : i32
        %convert_element_type3A_65 = arith.extui %gt3A_64 : i1 to i32
        %cond3A_66 = arith.constant 0 : i32
        %cond3A_67 = arith.cmpi ne, %convert_element_type3A_65, %cond3A_66 : i32
        scf.if %cond3A_67 {
          %sub3A = arith.constant 4 : i32
          %sub3A_168 = arith.subi %add3A_62, %sub3A : i32
          %mul3A_169 = arith.constant 128 : i32
          %mul3A_170 = arith.muli %sub3A_168, %mul3A_169 : i32
          %dma_wait3A_171 = tpu.memref_slice %arg10[%mul3A_170] : memref<20480xi32, #tpu.memory_space<vmem>> -> memref<128xi32, #tpu.memory_space<vmem>>
          %dma_wait3A_172 = arith.constant 0 : i32
          %dma_wait3A_173 = arith.constant 0 : i32
          %dma_wait3A_174 = tpu.memref_slice %arg15[%dma_wait3A_172, %dma_wait3A_173] : memref<10240x64xf32, #tpu.memory_space<vmem_shared>> -> memref<10240x64xf32, #tpu.memory_space<vmem_shared>>
          tpu.wait_indirect_dma semaphore(%arg21 : memref<!tpu.dma_semaphore, #tpu.memory_space<semaphore_mem>>) src(%arg12 : memref<128x64xf32, #tpu.memory_space<vmem>>) dst(%dma_wait3A_174 : memref<10240x64xf32, #tpu.memory_space<vmem_shared>>)
        } else {
        }
        %mul3A_68 = arith.constant 128 : i32
        %mul3A_69 = arith.muli %add3A_62, %mul3A_68 : i32
        %dma_start3A_70 = tpu.memref_slice %arg9[%mul3A_69] : memref<20480xi32, #tpu.memory_space<vmem>> -> memref<128xi32, #tpu.memory_space<vmem>>
        %dma_start3A_71 = arith.constant 0 : i32
        %dma_start3A_72 = arith.constant 0 : i32
        %dma_start3A_73 = tpu.memref_slice %arg3[%dma_start3A_71, %dma_start3A_72] : memref<10240x64xf32, #tpu.memory_space<hbm>> -> memref<10240x64xf32, #tpu.memory_space<hbm>>
        tpu.enqueue_indirect_dma source(%dma_start3A_73 : memref<10240x64xf32, #tpu.memory_space<hbm>>) target(%arg12 : memref<128x64xf32, #tpu.memory_space<vmem>>) offsets(%dma_start3A_70 : memref<128xi32, #tpu.memory_space<vmem>>) semaphore(%arg17 : memref<!tpu.dma_semaphore, #tpu.memory_space<semaphore_mem>>)
        %mul3A_74 = arith.constant 4 : i32
        %mul3A_75 = arith.muli %mul3A_74, %scan3A_46 : i32
        %add3A_76 = arith.constant 2 : i32
        %add3A_77 = arith.addi %mul3A_75, %add3A_76 : i32
        %gt3A_78 = arith.constant 0 : i32
        %gt3A_79 = arith.cmpi sgt, %scan3A_46, %gt3A_78 : i32
        %convert_element_type3A_80 = arith.extui %gt3A_79 : i1 to i32
        %cond3A_81 = arith.constant 0 : i32
        %cond3A_82 = arith.cmpi ne, %convert_element_type3A_80, %cond3A_81 : i32
        scf.if %cond3A_82 {
          %sub3A = arith.constant 4 : i32
          %sub3A_168 = arith.subi %add3A_77, %sub3A : i32
          %mul3A_169 = arith.constant 128 : i32
          %mul3A_170 = arith.muli %sub3A_168, %mul3A_169 : i32
          %dma_wait3A_171 = tpu.memref_slice %arg10[%mul3A_170] : memref<20480xi32, #tpu.memory_space<vmem>> -> memref<128xi32, #tpu.memory_space<vmem>>
          %dma_wait3A_172 = arith.constant 0 : i32
          %dma_wait3A_173 = arith.constant 0 : i32
          %dma_wait3A_174 = tpu.memref_slice %arg15[%dma_wait3A_172, %dma_wait3A_173] : memref<10240x64xf32, #tpu.memory_space<vmem_shared>> -> memref<10240x64xf32, #tpu.memory_space<vmem_shared>>
          tpu.wait_indirect_dma semaphore(%arg22 : memref<!tpu.dma_semaphore, #tpu.memory_space<semaphore_mem>>) src(%arg13 : memref<128x64xf32, #tpu.memory_space<vmem>>) dst(%dma_wait3A_174 : memref<10240x64xf32, #tpu.memory_space<vmem_shared>>)
        } else {
        }
        %mul3A_83 = arith.constant 128 : i32
        %mul3A_84 = arith.muli %add3A_77, %mul3A_83 : i32
        %dma_start3A_85 = tpu.memref_slice %arg9[%mul3A_84] : memref<20480xi32, #tpu.memory_space<vmem>> -> memref<128xi32, #tpu.memory_space<vmem>>
        %dma_start3A_86 = arith.constant 0 : i32
        %dma_start3A_87 = arith.constant 0 : i32
        %dma_start3A_88 = tpu.memref_slice %arg3[%dma_start3A_86, %dma_start3A_87] : memref<10240x64xf32, #tpu.memory_space<hbm>> -> memref<10240x64xf32, #tpu.memory_space<hbm>>
        tpu.enqueue_indirect_dma source(%dma_start3A_88 : memref<10240x64xf32, #tpu.memory_space<hbm>>) target(%arg13 : memref<128x64xf32, #tpu.memory_space<vmem>>) offsets(%dma_start3A_85 : memref<128xi32, #tpu.memory_space<vmem>>) semaphore(%arg18 : memref<!tpu.dma_semaphore, #tpu.memory_space<semaphore_mem>>)
        %mul3A_89 = arith.constant 4 : i32
        %mul3A_90 = arith.muli %mul3A_89, %scan3A_46 : i32
        %add3A_91 = arith.constant 3 : i32
        %add3A_92 = arith.addi %mul3A_90, %add3A_91 : i32
        %gt3A_93 = arith.constant 0 : i32
        %gt3A_94 = arith.cmpi sgt, %scan3A_46, %gt3A_93 : i32
        %convert_element_type3A_95 = arith.extui %gt3A_94 : i1 to i32
        %cond3A_96 = arith.constant 0 : i32
        %cond3A_97 = arith.cmpi ne, %convert_element_type3A_95, %cond3A_96 : i32
        scf.if %cond3A_97 {
          %sub3A = arith.constant 4 : i32
          %sub3A_168 = arith.subi %add3A_92, %sub3A : i32
          %mul3A_169 = arith.constant 128 : i32
          %mul3A_170 = arith.muli %sub3A_168, %mul3A_169 : i32
          %dma_wait3A_171 = tpu.memref_slice %arg10[%mul3A_170] : memref<20480xi32, #tpu.memory_space<vmem>> -> memref<128xi32, #tpu.memory_space<vmem>>
          %dma_wait3A_172 = arith.constant 0 : i32
          %dma_wait3A_173 = arith.constant 0 : i32
          %dma_wait3A_174 = tpu.memref_slice %arg15[%dma_wait3A_172, %dma_wait3A_173] : memref<10240x64xf32, #tpu.memory_space<vmem_shared>> -> memref<10240x64xf32, #tpu.memory_space<vmem_shared>>
          tpu.wait_indirect_dma semaphore(%arg23 : memref<!tpu.dma_semaphore, #tpu.memory_space<semaphore_mem>>) src(%arg14 : memref<128x64xf32, #tpu.memory_space<vmem>>) dst(%dma_wait3A_174 : memref<10240x64xf32, #tpu.memory_space<vmem_shared>>)
        } else {
        }
        %mul3A_98 = arith.constant 128 : i32
        %mul3A_99 = arith.muli %add3A_92, %mul3A_98 : i32
        %dma_start3A_100 = tpu.memref_slice %arg9[%mul3A_99] : memref<20480xi32, #tpu.memory_space<vmem>> -> memref<128xi32, #tpu.memory_space<vmem>>
        %dma_start3A_101 = arith.constant 0 : i32
        %dma_start3A_102 = arith.constant 0 : i32
        %dma_start3A_103 = tpu.memref_slice %arg3[%dma_start3A_101, %dma_start3A_102] : memref<10240x64xf32, #tpu.memory_space<hbm>> -> memref<10240x64xf32, #tpu.memory_space<hbm>>
        tpu.enqueue_indirect_dma source(%dma_start3A_103 : memref<10240x64xf32, #tpu.memory_space<hbm>>) target(%arg14 : memref<128x64xf32, #tpu.memory_space<vmem>>) offsets(%dma_start3A_100 : memref<128xi32, #tpu.memory_space<vmem>>) semaphore(%arg19 : memref<!tpu.dma_semaphore, #tpu.memory_space<semaphore_mem>>)
        %mul3A_104 = arith.constant 4 : i32
        %mul3A_105 = arith.muli %mul3A_104, %scan3A_46 : i32
        %add3A_106 = arith.constant 0 : i32
        %add3A_107 = arith.addi %mul3A_105, %add3A_106 : i32
        %mul3A_108 = arith.constant 128 : i32
        %mul3A_109 = arith.muli %add3A_107, %mul3A_108 : i32
        %dma_wait3A_110 = tpu.memref_slice %arg9[%mul3A_109] : memref<20480xi32, #tpu.memory_space<vmem>> -> memref<128xi32, #tpu.memory_space<vmem>>
        %dma_wait3A_111 = arith.constant 0 : i32
        %dma_wait3A_112 = arith.constant 0 : i32
        %dma_wait3A_113 = tpu.memref_slice %arg3[%dma_wait3A_111, %dma_wait3A_112] : memref<10240x64xf32, #tpu.memory_space<hbm>> -> memref<10240x64xf32, #tpu.memory_space<hbm>>
        tpu.wait_indirect_dma semaphore(%arg16 : memref<!tpu.dma_semaphore, #tpu.memory_space<semaphore_mem>>) src(%dma_wait3A_113 : memref<10240x64xf32, #tpu.memory_space<hbm>>) dst(%arg11 : memref<128x64xf32, #tpu.memory_space<vmem>>)
        %mul3A_114 = arith.constant 128 : i32
        %mul3A_115 = arith.muli %add3A_107, %mul3A_114 : i32
        %dma_start3A_116 = tpu.memref_slice %arg10[%mul3A_115] : memref<20480xi32, #tpu.memory_space<vmem>> -> memref<128xi32, #tpu.memory_space<vmem>>
        %dma_start3A_117 = arith.constant 0 : i32
        %dma_start3A_118 = arith.constant 0 : i32
        %dma_start3A_119 = tpu.memref_slice %arg15[%dma_start3A_117, %dma_start3A_118] : memref<10240x64xf32, #tpu.memory_space<vmem_shared>> -> memref<10240x64xf32, #tpu.memory_space<vmem_shared>>
        tpu.enqueue_indirect_dma source(%arg11 : memref<128x64xf32, #tpu.memory_space<vmem>>) target(%dma_start3A_119 : memref<10240x64xf32, #tpu.memory_space<vmem_shared>>) offsets(%dma_start3A_116 : memref<128xi32, #tpu.memory_space<vmem>>) semaphore(%arg20 : memref<!tpu.dma_semaphore, #tpu.memory_space<semaphore_mem>>) {add = true}
        %mul3A_120 = arith.constant 4 : i32
        %mul3A_121 = arith.muli %mul3A_120, %scan3A_46 : i32
        %add3A_122 = arith.constant 1 : i32
        %add3A_123 = arith.addi %mul3A_121, %add3A_122 : i32
        %mul3A_124 = arith.constant 128 : i32
        %mul3A_125 = arith.muli %add3A_123, %mul3A_124 : i32
        %dma_wait3A_126 = tpu.memref_slice %arg9[%mul3A_125] : memref<20480xi32, #tpu.memory_space<vmem>> -> memref<128xi32, #tpu.memory_space<vmem>>
        %dma_wait3A_127 = arith.constant 0 : i32
        %dma_wait3A_128 = arith.constant 0 : i32
        %dma_wait3A_129 = tpu.memref_slice %arg3[%dma_wait3A_127, %dma_wait3A_128] : memref<10240x64xf32, #tpu.memory_space<hbm>> -> memref<10240x64xf32, #tpu.memory_space<hbm>>
        tpu.wait_indirect_dma semaphore(%arg17 : memref<!tpu.dma_semaphore, #tpu.memory_space<semaphore_mem>>) src(%dma_wait3A_129 : memref<10240x64xf32, #tpu.memory_space<hbm>>) dst(%arg12 : memref<128x64xf32, #tpu.memory_space<vmem>>)
        %mul3A_130 = arith.constant 128 : i32
        %mul3A_131 = arith.muli %add3A_123, %mul3A_130 : i32
        %dma_start3A_132 = tpu.memref_slice %arg10[%mul3A_131] : memref<20480xi32, #tpu.memory_space<vmem>> -> memref<128xi32, #tpu.memory_space<vmem>>
        %dma_start3A_133 = arith.constant 0 : i32
        %dma_start3A_134 = arith.constant 0 : i32
        %dma_start3A_135 = tpu.memref_slice %arg15[%dma_start3A_133, %dma_start3A_134] : memref<10240x64xf32, #tpu.memory_space<vmem_shared>> -> memref<10240x64xf32, #tpu.memory_space<vmem_shared>>
        tpu.enqueue_indirect_dma source(%arg12 : memref<128x64xf32, #tpu.memory_space<vmem>>) target(%dma_start3A_135 : memref<10240x64xf32, #tpu.memory_space<vmem_shared>>) offsets(%dma_start3A_132 : memref<128xi32, #tpu.memory_space<vmem>>) semaphore(%arg21 : memref<!tpu.dma_semaphore, #tpu.memory_space<semaphore_mem>>) {add = true}
        %mul3A_136 = arith.constant 4 : i32
        %mul3A_137 = arith.muli %mul3A_136, %scan3A_46 : i32
        %add3A_138 = arith.constant 2 : i32
        %add3A_139 = arith.addi %mul3A_137, %add3A_138 : i32
        %mul3A_140 = arith.constant 128 : i32
        %mul3A_141 = arith.muli %add3A_139, %mul3A_140 : i32
        %dma_wait3A_142 = tpu.memref_slice %arg9[%mul3A_141] : memref<20480xi32, #tpu.memory_space<vmem>> -> memref<128xi32, #tpu.memory_space<vmem>>
        %dma_wait3A_143 = arith.constant 0 : i32
        %dma_wait3A_144 = arith.constant 0 : i32
        %dma_wait3A_145 = tpu.memref_slice %arg3[%dma_wait3A_143, %dma_wait3A_144] : memref<10240x64xf32, #tpu.memory_space<hbm>> -> memref<10240x64xf32, #tpu.memory_space<hbm>>
        tpu.wait_indirect_dma semaphore(%arg18 : memref<!tpu.dma_semaphore, #tpu.memory_space<semaphore_mem>>) src(%dma_wait3A_145 : memref<10240x64xf32, #tpu.memory_space<hbm>>) dst(%arg13 : memref<128x64xf32, #tpu.memory_space<vmem>>)
        %mul3A_146 = arith.constant 128 : i32
        %mul3A_147 = arith.muli %add3A_139, %mul3A_146 : i32
        %dma_start3A_148 = tpu.memref_slice %arg10[%mul3A_147] : memref<20480xi32, #tpu.memory_space<vmem>> -> memref<128xi32, #tpu.memory_space<vmem>>
        %dma_start3A_149 = arith.constant 0 : i32
        %dma_start3A_150 = arith.constant 0 : i32
        %dma_start3A_151 = tpu.memref_slice %arg15[%dma_start3A_149, %dma_start3A_150] : memref<10240x64xf32, #tpu.memory_space<vmem_shared>> -> memref<10240x64xf32, #tpu.memory_space<vmem_shared>>
        tpu.enqueue_indirect_dma source(%arg13 : memref<128x64xf32, #tpu.memory_space<vmem>>) target(%dma_start3A_151 : memref<10240x64xf32, #tpu.memory_space<vmem_shared>>) offsets(%dma_start3A_148 : memref<128xi32, #tpu.memory_space<vmem>>) semaphore(%arg22 : memref<!tpu.dma_semaphore, #tpu.memory_space<semaphore_mem>>) {add = true}
        %mul3A_152 = arith.constant 4 : i32
        %mul3A_153 = arith.muli %mul3A_152, %scan3A_46 : i32
        %add3A_154 = arith.constant 3 : i32
        %add3A_155 = arith.addi %mul3A_153, %add3A_154 : i32
        %mul3A_156 = arith.constant 128 : i32
        %mul3A_157 = arith.muli %add3A_155, %mul3A_156 : i32
        %dma_wait3A_158 = tpu.memref_slice %arg9[%mul3A_157] : memref<20480xi32, #tpu.memory_space<vmem>> -> memref<128xi32, #tpu.memory_space<vmem>>
        %dma_wait3A_159 = arith.constant 0 : i32
        %dma_wait3A_160 = arith.constant 0 : i32
        %dma_wait3A_161 = tpu.memref_slice %arg3[%dma_wait3A_159, %dma_wait3A_160] : memref<10240x64xf32, #tpu.memory_space<hbm>> -> memref<10240x64xf32, #tpu.memory_space<hbm>>
        tpu.wait_indirect_dma semaphore(%arg19 : memref<!tpu.dma_semaphore, #tpu.memory_space<semaphore_mem>>) src(%dma_wait3A_161 : memref<10240x64xf32, #tpu.memory_space<hbm>>) dst(%arg14 : memref<128x64xf32, #tpu.memory_space<vmem>>)
        %mul3A_162 = arith.constant 128 : i32
        %mul3A_163 = arith.muli %add3A_155, %mul3A_162 : i32
        %dma_start3A_164 = tpu.memref_slice %arg10[%mul3A_163] : memref<20480xi32, #tpu.memory_space<vmem>> -> memref<128xi32, #tpu.memory_space<vmem>>
        %dma_start3A_165 = arith.constant 0 : i32
        %dma_start3A_166 = arith.constant 0 : i32
        %dma_start3A_167 = tpu.memref_slice %arg15[%dma_start3A_165, %dma_start3A_166] : memref<10240x64xf32, #tpu.memory_space<vmem_shared>> -> memref<10240x64xf32, #tpu.memory_space<vmem_shared>>
        tpu.enqueue_indirect_dma source(%arg14 : memref<128x64xf32, #tpu.memory_space<vmem>>) target(%dma_start3A_167 : memref<10240x64xf32, #tpu.memory_space<vmem_shared>>) offsets(%dma_start3A_164 : memref<128xi32, #tpu.memory_space<vmem>>) semaphore(%arg23 : memref<!tpu.dma_semaphore, #tpu.memory_space<semaphore_mem>>) {add = true}
      }
      %scan3A_25 = arith.constant 40 : i32
      %dma_wait3A = arith.constant 19968 : i32
      %dma_wait3A_26 = tpu.memref_slice %arg10[%dma_wait3A] : memref<20480xi32, #tpu.memory_space<vmem>> -> memref<128xi32, #tpu.memory_space<vmem>>
      %dma_wait3A_27 = arith.constant 0 : i32
      %dma_wait3A_28 = arith.constant 0 : i32
      %dma_wait3A_29 = tpu.memref_slice %arg15[%dma_wait3A_27, %dma_wait3A_28] : memref<10240x64xf32, #tpu.memory_space<vmem_shared>> -> memref<10240x64xf32, #tpu.memory_space<vmem_shared>>
      tpu.wait_indirect_dma semaphore(%arg20 : memref<!tpu.dma_semaphore, #tpu.memory_space<semaphore_mem>>) src(%arg11 : memref<128x64xf32, #tpu.memory_space<vmem>>) dst(%dma_wait3A_29 : memref<10240x64xf32, #tpu.memory_space<vmem_shared>>)
      %dma_wait3A_30 = arith.constant 20096 : i32
      %dma_wait3A_31 = tpu.memref_slice %arg10[%dma_wait3A_30] : memref<20480xi32, #tpu.memory_space<vmem>> -> memref<128xi32, #tpu.memory_space<vmem>>
      %dma_wait3A_32 = arith.constant 0 : i32
      %dma_wait3A_33 = arith.constant 0 : i32
      %dma_wait3A_34 = tpu.memref_slice %arg15[%dma_wait3A_32, %dma_wait3A_33] : memref<10240x64xf32, #tpu.memory_space<vmem_shared>> -> memref<10240x64xf32, #tpu.memory_space<vmem_shared>>
      tpu.wait_indirect_dma semaphore(%arg21 : memref<!tpu.dma_semaphore, #tpu.memory_space<semaphore_mem>>) src(%arg12 : memref<128x64xf32, #tpu.memory_space<vmem>>) dst(%dma_wait3A_34 : memref<10240x64xf32, #tpu.memory_space<vmem_shared>>)
      %dma_wait3A_35 = arith.constant 20224 : i32
      %dma_wait3A_36 = tpu.memref_slice %arg10[%dma_wait3A_35] : memref<20480xi32, #tpu.memory_space<vmem>> -> memref<128xi32, #tpu.memory_space<vmem>>
      %dma_wait3A_37 = arith.constant 0 : i32
      %dma_wait3A_38 = arith.constant 0 : i32
      %dma_wait3A_39 = tpu.memref_slice %arg15[%dma_wait3A_37, %dma_wait3A_38] : memref<10240x64xf32, #tpu.memory_space<vmem_shared>> -> memref<10240x64xf32, #tpu.memory_space<vmem_shared>>
      tpu.wait_indirect_dma semaphore(%arg22 : memref<!tpu.dma_semaphore, #tpu.memory_space<semaphore_mem>>) src(%arg13 : memref<128x64xf32, #tpu.memory_space<vmem>>) dst(%dma_wait3A_39 : memref<10240x64xf32, #tpu.memory_space<vmem_shared>>)
      %dma_wait3A_40 = arith.constant 20352 : i32
      %dma_wait3A_41 = tpu.memref_slice %arg10[%dma_wait3A_40] : memref<20480xi32, #tpu.memory_space<vmem>> -> memref<128xi32, #tpu.memory_space<vmem>>
      %dma_wait3A_42 = arith.constant 0 : i32
      %dma_wait3A_43 = arith.constant 0 : i32
      %dma_wait3A_44 = tpu.memref_slice %arg15[%dma_wait3A_42, %dma_wait3A_43] : memref<10240x64xf32, #tpu.memory_space<vmem_shared>> -> memref<10240x64xf32, #tpu.memory_space<vmem_shared>>
      tpu.wait_indirect_dma semaphore(%arg23 : memref<!tpu.dma_semaphore, #tpu.memory_space<semaphore_mem>>) src(%arg14 : memref<128x64xf32, #tpu.memory_space<vmem>>) dst(%dma_wait3A_44 : memref<10240x64xf32, #tpu.memory_space<vmem_shared>>)
      %barrier3A_45 = arith.constant 0 : index
      tpu.barrier barrier_id(%barrier3A_45)
      "tpu.region"() ({
        %run_scoped3A = tpu.sem_alloc : memref<!tpu.dma_semaphore, #tpu.memory_space<semaphore_mem>>
        %dma_start3A = arith.constant 0 : i32
        %dma_start3A_46 = tpu.memref_slice %arg8[%mul3A_0, %dma_start3A] : memref<10240x64xf32, #tpu.memory_space<hbm>> -> memref<640x64xf32, #tpu.memory_space<hbm>>
        %dma_start3A_47 = arith.constant 0 : i32
        %dma_start3A_48 = tpu.memref_slice %arg15[%mul3A_0, %dma_start3A_47] : memref<10240x64xf32, #tpu.memory_space<vmem_shared>> -> memref<640x64xf32, #tpu.memory_space<vmem_shared>>
        tpu.enqueue_dma source(%dma_start3A_48 : memref<640x64xf32, #tpu.memory_space<vmem_shared>>) target(%dma_start3A_46 : memref<640x64xf32, #tpu.memory_space<hbm>>) target_semaphore(%run_scoped3A : memref<!tpu.dma_semaphore, #tpu.memory_space<semaphore_mem>>)
        %dma_wait3A_49 = arith.constant 0 : i32
        %dma_wait3A_50 = tpu.memref_slice %arg8[%mul3A_0, %dma_wait3A_49] : memref<10240x64xf32, #tpu.memory_space<hbm>> -> memref<640x64xf32, #tpu.memory_space<hbm>>
        %dma_wait3A_51 = arith.constant 0 : i32
        %dma_wait3A_52 = tpu.memref_slice %arg15[%mul3A_0, %dma_wait3A_51] : memref<10240x64xf32, #tpu.memory_space<vmem_shared>> -> memref<640x64xf32, #tpu.memory_space<vmem_shared>>
        tpu.wait_dma2 semaphore(%run_scoped3A : memref<!tpu.dma_semaphore, #tpu.memory_space<semaphore_mem>>) src(%dma_wait3A_52 : memref<640x64xf32, #tpu.memory_space<vmem_shared>>) dst(%dma_wait3A_50 : memref<640x64xf32, #tpu.memory_space<hbm>>)
        tpu.yield
      }) : () -> ()
    } else {
    }
    return
  }
}

module attributes {stable_mosaic.version = 14 : i64} {
  func.func @_tc1_body(%arg0: i32, %arg1: memref<1024x8xf32, #tpu.memory_space<vmem>>, %arg2: memref<1024x8xf32, #tpu.memory_space<vmem>>, %arg3: memref<1024x128xf32, #tpu.memory_space<vmem>>, %arg4: memref<1024x64xf32, #tpu.memory_space<vmem>>, %arg5: memref<1024x64xf32, #tpu.memory_space<vmem>>, %arg6: memref<1024x1xf32, #tpu.memory_space<vmem>>) attributes {dimension_semantics = [#tpu.dimension_semantics<arbitrary>], iteration_bounds = array<i64: 10>, scalar_prefetch = 0 : i64, scratch_operands = 0 : i64, tpu.core_type = #tpu.core_type<tc>, window_params = [{transform_indices = @transform_0, window_bounds = array<i64: 1024, 8>}, {transform_indices = @transform_1, window_bounds = array<i64: 1024, 8>}, {transform_indices = @transform_2, window_bounds = array<i64: 1024, 128>}, {transform_indices = @transform_3, window_bounds = array<i64: 1024, 64>}, {transform_indices = @transform_4, window_bounds = array<i64: 1024, 64>}, {transform_indices = @transform_5, window_bounds = array<i64: 1024, 1>}]} {
    %iota3A = tpu.iota {dimensions = array<i32: 0>} : vector<1024x1xi32>
    %mul3A = arith.constant 1024 : i32
    %mul3A_0 = arith.muli %arg0, %mul3A : i32
    %add3A = vector.broadcast %mul3A_0 : i32 to vector<1024x1xi32>
    %add3A_1 = arith.addi %iota3A, %add3A : vector<1024x1xi32>
    %get3A = arith.constant 0 : index
    %get3A_2 = arith.constant 0 : index
    %get3A_3 = vector.load %arg1[%get3A, %get3A_2] : memref<1024x8xf32, #tpu.memory_space<vmem>>, vector<1024x1xf32>
    %get3A_4 = arith.constant 0 : index
    %get3A_5 = arith.constant 0 : index
    %get3A_6 = vector.load %arg2[%get3A_4, %get3A_5] : memref<1024x8xf32, #tpu.memory_space<vmem>>, vector<1024x1xf32>
    %add3A_7 = arith.addf %get3A_3, %get3A_6 : vector<1024x1xf32>
    %add3A_8 = arith.constant 1.000000e+00 : f32
    %add3A_9 = vector.broadcast %add3A_8 : f32 to vector<1024x1xf32>
    %add3A_10 = arith.addf %add3A_7, %add3A_9 : vector<1024x1xf32>
    %lt3A = arith.constant 10000 : i32
    %lt3A_11 = vector.broadcast %lt3A : i32 to vector<1024x1xi32>
    %lt3A_12 = arith.cmpi slt, %add3A_1, %lt3A_11 : vector<1024x1xi32>
    %rsqrt3A = math.rsqrt %add3A_10 : vector<1024x1xf32>
    %jit3A = arith.constant 0.000000e+00 : f32
    %broadcast_in_dim3A = vector.broadcast %jit3A : f32 to vector<1024x1xf32>
    %select_n3A = arith.select %lt3A_12, %rsqrt3A, %broadcast_in_dim3A : vector<1024x1xi1>, vector<1024x1xf32>
    %swap3A = arith.constant 0 : index
    %swap3A_13 = arith.constant 0 : index
    %swap3A_14 = vector.load %arg6[%swap3A, %swap3A_13] : memref<1024x1xf32, #tpu.memory_space<vmem>>, vector<1024x1xf32>
    tpu.vector_store %arg6[%swap3A, %swap3A_13], %select_n3A {strides = array<i32>} : memref<1024x1xf32, #tpu.memory_space<vmem>>, vector<1024x1xf32>,
    %get3A_15 = arith.constant 0 : index
    %get3A_16 = arith.constant 0 : index
    %get3A_17 = vector.load %arg3[%get3A_15, %get3A_16] : memref<1024x128xf32, #tpu.memory_space<vmem>>, vector<1024x128xf32>
    %mul3A_18 = vector.broadcast %select_n3A : vector<1024x1xf32> to vector<1024x128xf32>
    %mul3A_19 = arith.mulf %get3A_17, %mul3A_18 : vector<1024x128xf32>
    %slice3A = vector.extract_strided_slice %mul3A_19 {offsets = [0, 0], sizes = [1024, 64], strides = [1, 1]} : vector<1024x128xf32> to vector<1024x64xf32>
    %swap3A_20 = arith.constant 0 : index
    %swap3A_21 = arith.constant 0 : index
    %swap3A_22 = vector.load %arg4[%swap3A_20, %swap3A_21] : memref<1024x64xf32, #tpu.memory_space<vmem>>, vector<1024x64xf32>
    tpu.vector_store %arg4[%swap3A_20, %swap3A_21], %slice3A {strides = array<i32>} : memref<1024x64xf32, #tpu.memory_space<vmem>>, vector<1024x64xf32>,
    %slice3A_23 = vector.extract_strided_slice %mul3A_19 {offsets = [0, 64], sizes = [1024, 64], strides = [1, 1]} : vector<1024x128xf32> to vector<1024x64xf32>
    %swap3A_24 = arith.constant 0 : index
    %swap3A_25 = arith.constant 0 : index
    %swap3A_26 = vector.load %arg5[%swap3A_24, %swap3A_25] : memref<1024x64xf32, #tpu.memory_space<vmem>>, vector<1024x64xf32>
    tpu.vector_store %arg5[%swap3A_24, %swap3A_25], %slice3A_23 {strides = array<i32>} : memref<1024x64xf32, #tpu.memory_space<vmem>>, vector<1024x64xf32>,
    return
  }
  func.func @transform_0(%arg0: i32) -> (i32, i32) {
    %c0_i32 = arith.constant 0 : i32
    %c0_i32_0 = arith.constant 0 : i32
    return %arg0, %c0_i32 : i32, i32
  }
  func.func @transform_1(%arg0: i32) -> (i32, i32) {
    %c0_i32 = arith.constant 0 : i32
    %c0_i32_0 = arith.constant 0 : i32
    return %arg0, %c0_i32 : i32, i32
  }
  func.func @transform_2(%arg0: i32) -> (i32, i32) {
    %c0_i32 = arith.constant 0 : i32
    %c0_i32_0 = arith.constant 0 : i32
    return %arg0, %c0_i32 : i32, i32
  }
  func.func @transform_3(%arg0: i32) -> (i32, i32) {
    %c0_i32 = arith.constant 0 : i32
    %c0_i32_0 = arith.constant 0 : i32
    return %arg0, %c0_i32 : i32, i32
  }
  func.func @transform_4(%arg0: i32) -> (i32, i32) {
    %c0_i32 = arith.constant 0 : i32
    %c0_i32_0 = arith.constant 0 : i32
    return %arg0, %c0_i32 : i32, i32
  }
  func.func @transform_5(%arg0: i32) -> (i32, i32) {
    %c0_i32 = arith.constant 0 : i32
    %c0_i32_0 = arith.constant 0 : i32
    return %arg0, %c0_i32 : i32, i32
  }
}

module attributes {stable_mosaic.version = 14 : i64} {
  func.func @_tc2_body(%arg0: i32, %arg1: memref<1024x64xf32, #tpu.memory_space<vmem>>, %arg2: memref<1024x64xf32, #tpu.memory_space<vmem>>, %arg3: memref<1024x64xf32, #tpu.memory_space<vmem>>, %arg4: memref<1024x64xf32, #tpu.memory_space<vmem>>, %arg5: memref<1024x1xf32, #tpu.memory_space<vmem>>, %arg6: memref<128x128xf32, #tpu.memory_space<vmem>>, %arg7: memref<1x128xf32, #tpu.memory_space<vmem>>, %arg8: memref<128x64xf32, #tpu.memory_space<vmem>>, %arg9: memref<1024x64xf32, #tpu.memory_space<vmem>>) attributes {dimension_semantics = [#tpu.dimension_semantics<arbitrary>], iteration_bounds = array<i64: 10>, scalar_prefetch = 0 : i64, scratch_operands = 0 : i64, tpu.core_type = #tpu.core_type<tc>, window_params = [{transform_indices = @transform_0, window_bounds = array<i64: 1024, 64>}, {transform_indices = @transform_1, window_bounds = array<i64: 1024, 64>}, {transform_indices = @transform_2, window_bounds = array<i64: 1024, 64>}, {transform_indices = @transform_3, window_bounds = array<i64: 1024, 64>}, {transform_indices = @transform_4, window_bounds = array<i64: 1024, 1>}, {pipeline_mode = #tpu.pipeline_mode<synchronous>, transform_indices = @transform_5, window_bounds = array<i64: 128, 128>}, {pipeline_mode = #tpu.pipeline_mode<synchronous>, transform_indices = @transform_6, window_bounds = array<i64: 1, 128>}, {pipeline_mode = #tpu.pipeline_mode<synchronous>, transform_indices = @transform_7, window_bounds = array<i64: 128, 64>}, {transform_indices = @transform_8, window_bounds = array<i64: 1024, 64>}]} {
    %get3A = arith.constant 0 : index
    %get3A_0 = arith.constant 0 : index
    %get3A_1 = vector.load %arg5[%get3A, %get3A_0] : memref<1024x1xf32, #tpu.memory_space<vmem>>, vector<1024x1xf32>
    %get3A_2 = arith.constant 0 : index
    %get3A_3 = arith.constant 0 : index
    %get3A_4 = vector.load %arg1[%get3A_2, %get3A_3] : memref<1024x64xf32, #tpu.memory_space<vmem>>, vector<1024x64xf32>
    %get3A_5 = arith.constant 0 : index
    %get3A_6 = arith.constant 0 : index
    %get3A_7 = vector.load %arg2[%get3A_5, %get3A_6] : memref<1024x64xf32, #tpu.memory_space<vmem>>, vector<1024x64xf32>
    %concatenate3A = tpu.concatenate %get3A_4, %get3A_7 in 1 : vector<1024x64xf32>, vector<1024x64xf32> -> vector<1024x128xf32>
    %get3A_8 = arith.constant 0 : index
    %get3A_9 = arith.constant 0 : index
    %get3A_10 = vector.load %arg3[%get3A_8, %get3A_9] : memref<1024x64xf32, #tpu.memory_space<vmem>>, vector<1024x64xf32>
    %get3A_11 = arith.constant 0 : index
    %get3A_12 = arith.constant 0 : index
    %get3A_13 = vector.load %arg4[%get3A_11, %get3A_12] : memref<1024x64xf32, #tpu.memory_space<vmem>>, vector<1024x64xf32>
    %concatenate3A_14 = tpu.concatenate %get3A_10, %get3A_13 in 1 : vector<1024x64xf32>, vector<1024x64xf32> -> vector<1024x128xf32>
    %add3A = arith.addf %concatenate3A, %concatenate3A_14 : vector<1024x128xf32>
    %mul3A = vector.broadcast %get3A_1 : vector<1024x1xf32> to vector<1024x128xf32>
    %mul3A_15 = arith.mulf %add3A, %mul3A : vector<1024x128xf32>
    %get3A_16 = arith.constant 0 : index
    %get3A_17 = arith.constant 0 : index
    %get3A_18 = vector.load %arg6[%get3A_16, %get3A_17] : memref<128x128xf32, #tpu.memory_space<vmem>>, vector<128x128xf32>
    %dot_general3A = arith.constant dense<0.000000e+00> : vector<1024x128xf32>
    %dot_general3A_19 = tpu.matmul %mul3A_15, %get3A_18, %dot_general3A {dimension_numbers = #tpu.dot_dimension_numbers<[1], [0], [0], [1], [0, 0, 1, 1], [], []>, transpose_lhs_hint = false} : vector<1024x128xf32>, vector<128x128xf32>, vector<1024x128xf32> -> vector<1024x128xf32>
    %get3A_20 = arith.constant 0 : index
    %get3A_21 = arith.constant 0 : index
    %get3A_22 = vector.load %arg7[%get3A_20, %get3A_21] : memref<1x128xf32, #tpu.memory_space<vmem>>, vector<1x128xf32>
    %add3A_23 = vector.broadcast %get3A_22 : vector<1x128xf32> to vector<1024x128xf32>
    %add3A_24 = arith.addf %dot_general3A_19, %add3A_23 : vector<1024x128xf32>
    %max3A = arith.constant 0.000000e+00 : f32
    %max3A_25 = vector.broadcast %max3A : f32 to vector<1024x128xf32>
    %max3A_26 = arith.maximumf %add3A_24, %max3A_25 : vector<1024x128xf32>
    %get3A_27 = arith.constant 0 : index
    %get3A_28 = arith.constant 0 : index
    %get3A_29 = vector.load %arg8[%get3A_27, %get3A_28] : memref<128x64xf32, #tpu.memory_space<vmem>>, vector<128x64xf32>
    %dot_general3A_30 = arith.constant dense<0.000000e+00> : vector<1024x64xf32>
    %dot_general3A_31 = tpu.matmul %max3A_26, %get3A_29, %dot_general3A_30 {dimension_numbers = #tpu.dot_dimension_numbers<[1], [0], [0], [1], [0, 0, 1, 1], [], []>, transpose_lhs_hint = false} : vector<1024x128xf32>, vector<128x64xf32>, vector<1024x64xf32> -> vector<1024x64xf32>
    %mul3A_32 = vector.broadcast %get3A_1 : vector<1024x1xf32> to vector<1024x64xf32>
    %mul3A_33 = arith.mulf %dot_general3A_31, %mul3A_32 : vector<1024x64xf32>
    %swap3A = arith.constant 0 : index
    %swap3A_34 = arith.constant 0 : index
    %swap3A_35 = vector.load %arg9[%swap3A, %swap3A_34] : memref<1024x64xf32, #tpu.memory_space<vmem>>, vector<1024x64xf32>
    tpu.vector_store %arg9[%swap3A, %swap3A_34], %mul3A_33 {strides = array<i32>} : memref<1024x64xf32, #tpu.memory_space<vmem>>, vector<1024x64xf32>,
    return
  }
  func.func @transform_0(%arg0: i32) -> (i32, i32) {
    %c0_i32 = arith.constant 0 : i32
    %c0_i32_0 = arith.constant 0 : i32
    return %arg0, %c0_i32 : i32, i32
  }
  func.func @transform_1(%arg0: i32) -> (i32, i32) {
    %c0_i32 = arith.constant 0 : i32
    %c0_i32_0 = arith.constant 0 : i32
    return %arg0, %c0_i32 : i32, i32
  }
  func.func @transform_2(%arg0: i32) -> (i32, i32) {
    %c0_i32 = arith.constant 0 : i32
    %c0_i32_0 = arith.constant 0 : i32
    return %arg0, %c0_i32 : i32, i32
  }
  func.func @transform_3(%arg0: i32) -> (i32, i32) {
    %c0_i32 = arith.constant 0 : i32
    %c0_i32_0 = arith.constant 0 : i32
    return %arg0, %c0_i32 : i32, i32
  }
  func.func @transform_4(%arg0: i32) -> (i32, i32) {
    %c0_i32 = arith.constant 0 : i32
    %c0_i32_0 = arith.constant 0 : i32
    return %arg0, %c0_i32 : i32, i32
  }
  func.func @transform_5(%arg0: i32) -> (i32, i32) {
    %c0_i32 = arith.constant 0 : i32
    %c0_i32_0 = arith.constant 0 : i32
    %c0_i32_1 = arith.constant 0 : i32
    return %c0_i32, %c0_i32_0 : i32, i32
  }
  func.func @transform_6(%arg0: i32) -> (i32, i32) {
    %c0_i32 = arith.constant 0 : i32
    %c0_i32_0 = arith.constant 0 : i32
    %c0_i32_1 = arith.constant 0 : i32
    return %c0_i32, %c0_i32_0 : i32, i32
  }
  func.func @transform_7(%arg0: i32) -> (i32, i32) {
    %c0_i32 = arith.constant 0 : i32
    %c0_i32_0 = arith.constant 0 : i32
    %c0_i32_1 = arith.constant 0 : i32
    return %c0_i32, %c0_i32_0 : i32, i32
  }
  func.func @transform_8(%arg0: i32) -> (i32, i32) {
    %c0_i32 = arith.constant 0 : i32
    %c0_i32_0 = arith.constant 0 : i32
    return %arg0, %c0_i32 : i32, i32
  }
}

module attributes {stable_mosaic.version = 14 : i64} {
  func.func @_tc3_body(%arg0: i32, %arg1: memref<1024x64xf32, #tpu.memory_space<vmem>>, %arg2: memref<1024x64xf32, #tpu.memory_space<vmem>>, %arg3: memref<1024x64xf32, #tpu.memory_space<vmem>>, %arg4: memref<1024x1xf32, #tpu.memory_space<vmem>>, %arg5: memref<1x64xf32, #tpu.memory_space<vmem>>, %arg6: memref<1024x40xf32, #tpu.memory_space<vmem>>) attributes {dimension_semantics = [#tpu.dimension_semantics<arbitrary>], iteration_bounds = array<i64: 10>, scalar_prefetch = 0 : i64, scratch_operands = 0 : i64, tpu.core_type = #tpu.core_type<tc>, window_params = [{transform_indices = @transform_0, window_bounds = array<i64: 1024, 64>}, {transform_indices = @transform_1, window_bounds = array<i64: 1024, 64>}, {transform_indices = @transform_2, window_bounds = array<i64: 1024, 64>}, {transform_indices = @transform_3, window_bounds = array<i64: 1024, 1>}, {pipeline_mode = #tpu.pipeline_mode<synchronous>, transform_indices = @transform_4, window_bounds = array<i64: 1, 64>}, {transform_indices = @transform_5, window_bounds = array<i64: 1024, 40>}]} {
    %get3A = arith.constant 0 : index
    %get3A_0 = arith.constant 0 : index
    %get3A_1 = vector.load %arg1[%get3A, %get3A_0] : memref<1024x64xf32, #tpu.memory_space<vmem>>, vector<1024x64xf32>
    %get3A_2 = arith.constant 0 : index
    %get3A_3 = arith.constant 0 : index
    %get3A_4 = vector.load %arg2[%get3A_2, %get3A_3] : memref<1024x64xf32, #tpu.memory_space<vmem>>, vector<1024x64xf32>
    %add3A = arith.addf %get3A_1, %get3A_4 : vector<1024x64xf32>
    %get3A_5 = arith.constant 0 : index
    %get3A_6 = arith.constant 0 : index
    %get3A_7 = vector.load %arg3[%get3A_5, %get3A_6] : memref<1024x64xf32, #tpu.memory_space<vmem>>, vector<1024x64xf32>
    %add3A_8 = arith.addf %add3A, %get3A_7 : vector<1024x64xf32>
    %get3A_9 = arith.constant 0 : index
    %get3A_10 = arith.constant 0 : index
    %get3A_11 = vector.load %arg4[%get3A_9, %get3A_10] : memref<1024x1xf32, #tpu.memory_space<vmem>>, vector<1024x1xf32>
    %mul3A = vector.broadcast %get3A_11 : vector<1024x1xf32> to vector<1024x64xf32>
    %mul3A_12 = arith.mulf %add3A_8, %mul3A : vector<1024x64xf32>
    %get3A_13 = arith.constant 0 : index
    %get3A_14 = arith.constant 0 : index
    %get3A_15 = vector.load %arg5[%get3A_13, %get3A_14] : memref<1x64xf32, #tpu.memory_space<vmem>>, vector<1x64xf32>
    %add3A_16 = vector.broadcast %get3A_15 : vector<1x64xf32> to vector<1024x64xf32>
    %add3A_17 = arith.addf %mul3A_12, %add3A_16 : vector<1024x64xf32>
    %iota3A = tpu.iota {dimensions = array<i32: 1>} : vector<1024x64xi32>
    %lt3A = arith.constant 40 : i32
    %lt3A_18 = vector.broadcast %lt3A : i32 to vector<1024x64xi32>
    %lt3A_19 = arith.cmpi slt, %iota3A, %lt3A_18 : vector<1024x64xi32>
    %jit3A = arith.constant 0xFF800000 : f32
    %broadcast_in_dim3A = vector.broadcast %jit3A : f32 to vector<1024x64xf32>
    %select_n3A = arith.select %lt3A_19, %add3A_17, %broadcast_in_dim3A : vector<1024x64xi1>, vector<1024x64xf32>
    %reduce_max3A = arith.constant dense<0xFF800000> : vector<1024xf32>
    %reduce_max3A_20 = vector.multi_reduction <maximumf>, %select_n3A, %reduce_max3A [1] : vector<1024x64xf32> to vector<1024xf32>
    %broadcast_in_dim3A_21 = vector.shape_cast %reduce_max3A_20 : vector<1024xf32> to vector<1024x1xf32>
    %sub3A = vector.broadcast %broadcast_in_dim3A_21 : vector<1024x1xf32> to vector<1024x64xf32>
    %sub3A_22 = arith.subf %add3A_17, %sub3A : vector<1024x64xf32>
    %exp3A = math.exp %sub3A_22 : vector<1024x64xf32>
    %jit3A_23 = arith.constant 0.000000e+00 : f32
    %broadcast_in_dim3A_24 = vector.broadcast %jit3A_23 : f32 to vector<1024x64xf32>
    %select_n3A_25 = arith.select %lt3A_19, %exp3A, %broadcast_in_dim3A_24 : vector<1024x64xi1>, vector<1024x64xf32>
    %reduce_sum3A = arith.constant dense<0.000000e+00> : vector<1024xf32>
    %reduce_sum3A_26 = vector.multi_reduction <add>, %select_n3A_25, %reduce_sum3A [1] : vector<1024x64xf32> to vector<1024xf32>
    %broadcast_in_dim3A_27 = vector.shape_cast %reduce_sum3A_26 : vector<1024xf32> to vector<1024x1xf32>
    %log3A = math.log %broadcast_in_dim3A_27 : vector<1024x1xf32>
    %sub3A_28 = vector.broadcast %broadcast_in_dim3A_21 : vector<1024x1xf32> to vector<1024x64xf32>
    %sub3A_29 = arith.subf %add3A_17, %sub3A_28 : vector<1024x64xf32>
    %sub3A_30 = vector.broadcast %log3A : vector<1024x1xf32> to vector<1024x64xf32>
    %sub3A_31 = arith.subf %sub3A_29, %sub3A_30 : vector<1024x64xf32>
    %slice3A = vector.extract_strided_slice %sub3A_31 {offsets = [0, 0], sizes = [1024, 40], strides = [1, 1]} : vector<1024x64xf32> to vector<1024x40xf32>
    %swap3A = arith.constant 0 : index
    %swap3A_32 = arith.constant 0 : index
    %swap3A_33 = vector.load %arg6[%swap3A, %swap3A_32] : memref<1024x40xf32, #tpu.memory_space<vmem>>, vector<1024x40xf32>
    tpu.vector_store %arg6[%swap3A, %swap3A_32], %slice3A {strides = array<i32>} : memref<1024x40xf32, #tpu.memory_space<vmem>>, vector<1024x40xf32>,
    return
  }
  func.func @transform_0(%arg0: i32) -> (i32, i32) {
    %c0_i32 = arith.constant 0 : i32
    %c0_i32_0 = arith.constant 0 : i32
    return %arg0, %c0_i32 : i32, i32
  }
  func.func @transform_1(%arg0: i32) -> (i32, i32) {
    %c0_i32 = arith.constant 0 : i32
    %c0_i32_0 = arith.constant 0 : i32
    return %arg0, %c0_i32 : i32, i32
  }
  func.func @transform_2(%arg0: i32) -> (i32, i32) {
    %c0_i32 = arith.constant 0 : i32
    %c0_i32_0 = arith.constant 0 : i32
    return %arg0, %c0_i32 : i32, i32
  }
  func.func @transform_3(%arg0: i32) -> (i32, i32) {
    %c0_i32 = arith.constant 0 : i32
    %c0_i32_0 = arith.constant 0 : i32
    return %arg0, %c0_i32 : i32, i32
  }
  func.func @transform_4(%arg0: i32) -> (i32, i32) {
    %c0_i32 = arith.constant 0 : i32
    %c0_i32_0 = arith.constant 0 : i32
    %c0_i32_1 = arith.constant 0 : i32
    return %c0_i32, %c0_i32_0 : i32, i32
  }
  func.func @transform_5(%arg0: i32) -> (i32, i32) {
    %c0_i32 = arith.constant 0 : i32
    %c0_i32_0 = arith.constant 0 : i32
    return %arg0, %c0_i32 : i32, i32
  }
}

</mosaic_0001>

<sc_bundles>
// kernel: kernel.11.cloned.1.call-start
scs
__scs_entry_jumppad:
0x0: {  	(pc) =	sbr.rel $0x88, $3  }
0x1: {  	(tag) =	ssettag $0x0;
	lr =	simm.s32 $0x1  }
0x2: {  	[smem:$0x3F9B] =	sst lr;
	_ =	strace $0xD0000000  }
0x3: {  	_ = 	snop  }
0x4: {  	_ = 	snop  }
0x5: {  	_ = 	snop  }
0x6: {  	_ = 	snop  }
0x7: {  	_ = 	snop  }
__scs_overlays_trampoline_lowered:
0x8: {  	[smem:$0x3FAA] =	sst s0  }
0x9: {  	[smem:$0x3FAB] =	sst s1  }
0xa: {  	[smem:$0x3FAC] =	sst s2  }
0xb: {  	[smem:$0x3FAD] =	sst s3  }
0xc: {  	[smem:$0x3FAE] =	sst s4  }
0xd: {  	[smem:$0x3FAF] =	sst s5  }
0xe: {  	[smem:$0x3FB0] =	sst s6  }
0xf: {  	[smem:$0x3FB1] =	sst s7  }
0x10: {  	[smem:$0x3FB2] =	sst s8  }
0x11: {  	[smem:$0x3FB3] =	sst s9;
	s0 =	simm.s32 @!p0 $0x0  }
0x12: {  	s1 =	sld [smem:$0x3F99];
	s0 =	simm.s32 @p0 $0x1  }
0x13: {  	[smem:$0x3FB4] =	sst s0;
	s0 =	simm.s32 @!p1 $0x0  }
0x14: {  	s2 =	sld [smem:$0x3F98];
	s0 =	simm.s32 @p1 $0x1  }
0x15: {  	[smem:$0x3FB5] =	sst s0;
	s0 =	simm.s32 @!p2 $0x0  }
0x16: {  	s3 =	sld [smem:$0x3FDB];
	s0 =	simm.s32 @p2 $0x1  }
0x17: {  	s4 =	simm.s32 $0x1BF5;
	[smem:$0x3FB7] =	sst s0  }
0x18: {  	s0 =	sld [smem:$0x3F9A];
	_ =	swait.ge [sflag:s4], $0x0  }
0x19: {  	s7 =	sld [smem:$0x3F9B]  }
0x1a: {  	s8 =	sadd.s32 $0xFFFFE003, lr  }
0x1b: {  	s9 =	sadd.s32 $0xFFFFFEF7, lr;
	s5 =	simm.s32 $0xFFFFFFFF;
	p2 =	slt.u32 s8, $0xFFFFF086  }
0x1c: {  	p1 =	slt.u32 s9, $0xF7A;
	s5 =	simm.s32 @!p2 $0x0  }
0x1d: {  	s5 =	simm.s32 @p1 $0x1;
	p0 =	seq.s32 s7, s2  }
0x1e: {  	s7 =	smul.u32 @!p0 $0xF7A, s2;
	p2 =	seq.s32 @!p0 s5, $0x0  }
0x1f: {  	s9 =	smul.u32 $0xF7A, s1;
	s8 =	simm.s32 @!p0 $0x1BF5;
	p2 =	por !p2, p0  }
0x20: {  	[sflag:s8] =	ssyncset.s32 @!p0 $0xFFFFF086;
	s6 =	sadd.s32 @!p0 s3, s7;
	s7 =	simm.s32 @!p0 $0x108  }
0x21: {  	s3 =	sadd.s32 s3, s9;
	s6 =	sadd.s32 @!p0 $0x88, s6;
	s7 =	simm.s32 @p2 $0x1082  }
0x22: {  	[simem:s7], [sflag:s8] =	dma.local @!p0 [hbm:s6], $0xF7A  }
0x23: {  	s9 =	sor.u32 $0xD0000000, s2;
	s6 =	simm.s32 $0x108;
	_ =	swait.ge @!p0 [sflag:s8], $0x0  }
0x24: {  	s3 =	sadd.s32 $0x88, s3;
	s6 =	simm.s32 @!p1 $0x1082;
	[sflag:s4] =	ssyncset.s32 $0xFFFFF086  }
0x25: {  	[simem:s6], [sflag:s4] =	dma.local [hbm:s3], $0xF7A  }
0x26: {  	[smem:$0x3F9B] =	sst s1;
	(tag) =	ssettag s2;
	_ =	strace s9  }
0x27: {  	s1 =	sld [smem:$0x3FAB]  }
0x28: {  	s2 =	sld [smem:$0x3FAC]  }
0x29: {  	s4 =	sld [smem:$0x3FAE]  }
0x2a: {  	p0 =	seq.s32 s5, $0x0;
	s5 =	sld [smem:$0x3FAF]  }
0x2b: {  	s6 =	sld [smem:$0x3FB0]  }
0x2c: {  	s7 =	sld [smem:$0x3FB1]  }
0x2d: {  	s3 =	simm.s32 $0x108;
	s8 =	sld [smem:$0x3FB2]  }
0x2e: {  	s3 =	simm.s32 @!p0 $0x1082;
	s9 =	sld [smem:$0x3FB3]  }
0x2f: {  	lr =	sadd.s32 s0, s3;
	s0 =	sld [smem:$0x3FAA]  }
0x30: {  	s3 =	sld [smem:$0x3FAD]  }
0x31: {  	[smem:$0x3FB6] =	sst s10  }
0x32: {  	s10 =	sld [smem:$0x3FB4];
	_ =	sdelay $0x3  }
0x33: {  	p0 =	seq.s32 s10, $0x1;
	s10 =	sld [smem:$0x3FB6];
	_ =	sdelay $0x3  }
0x34: {  	[smem:$0x3FB6] =	sst s10  }
0x35: {  	s10 =	sld [smem:$0x3FB5];
	_ =	sdelay $0x3  }
0x36: {  	p1 =	seq.s32 s10, $0x1;
	s10 =	sld [smem:$0x3FB6];
	_ =	sdelay $0x3  }
0x37: {  	[smem:$0x3FB6] =	sst s10  }
0x38: {  	s10 =	sld [smem:$0x3FB7]  }
0x39: {  	_ = 	snop;
	(pc) =	sbr.ind lr, $3  }
0x3a: {  	_ = 	snop  }
0x3b: {  	_ = 	snop  }
0x3c: {  	p2 =	seq.s32 s10, $0x1;
	s10 =	sld [smem:$0x3FB6]  }
0x3d: {  	_ =	shalt  }
0x3e: {  	_ =	shalt  }
0x3f: {  	_ =	shalt  }
0x40: {  	_ =	shalt  }
0x41: {  	_ =	shalt  }
0x42: {  	_ =	shalt  }
0x43: {  	_ =	shalt  }
0x44: {  	_ =	shalt  }
0x45: {  	_ =	shalt  }
0x46: {  	_ =	shalt  }
0x47: {  	_ =	shalt  }
0x48: {  	_ =	shalt  }
0x49: {  	_ =	shalt  }
0x4a: {  	_ =	shalt  }
0x4b: {  	_ =	shalt  }
0x4c: {  	_ =	shalt  }
0x4d: {  	_ =	shalt  }
0x4e: {  	_ =	shalt  }
0x4f: {  	_ =	shalt  }
0x50: {  	_ =	shalt  }
0x51: {  	_ =	shalt  }
0x52: {  	_ =	shalt  }
0x53: {  	_ =	shalt  }
0x54: {  	_ =	shalt  }
0x55: {  	_ =	shalt  }
0x56: {  	_ =	shalt  }
0x57: {  	_ =	shalt  }
0x58: {  	_ =	shalt  }
0x59: {  	_ =	shalt  }
0x5a: {  	_ =	shalt  }
0x5b: {  	_ =	shalt  }
0x5c: {  	_ =	shalt  }
0x5d: {  	_ =	shalt  }
0x5e: {  	_ =	shalt  }
0x5f: {  	_ =	shalt  }
0x60: {  	_ =	shalt  }
0x61: {  	_ =	shalt  }
0x62: {  	_ =	shalt  }
0x63: {  	_ =	shalt  }
0x64: {  	_ =	shalt  }
0x65: {  	_ =	shalt  }
0x66: {  	_ =	shalt  }
0x67: {  	_ =	shalt  }
0x68: {  	_ =	shalt  }
0x69: {  	_ =	shalt  }
0x6a: {  	_ =	shalt  }
0x6b: {  	_ =	shalt  }
0x6c: {  	_ =	shalt  }
0x6d: {  	_ =	shalt  }
0x6e: {  	_ =	shalt  }
0x6f: {  	_ =	shalt  }
0x70: {  	_ =	shalt  }
0x71: {  	_ =	shalt  }
0x72: {  	_ =	shalt  }
0x73: {  	_ =	shalt  }
0x74: {  	_ =	shalt  }
0x75: {  	_ =	shalt  }
0x76: {  	_ =	shalt  }
0x77: {  	_ =	shalt  }
0x78: {  	_ =	shalt  }
0x79: {  	_ =	shalt  }
0x7a: {  	_ =	shalt  }
0x7b: {  	_ =	shalt  }
0x7c: {  	_ =	shalt  }
0x7d: {  	_ =	shalt  }
0x7e: {  	_ =	shalt  }
0x7f: {  	_ =	shalt  }
0x80: {  	_ =	shalt  }
0x81: {  	_ =	shalt  }
0x82: {  	_ =	shalt  }
0x83: {  	_ =	shalt  }
0x84: {  	_ =	shalt  }
0x85: {  	_ =	shalt  }
0x86: {  	_ =	shalt  }
0x87: {  	_ =	shalt  }
.Lfunc_end0:
.L_simem_size_0:
called_computation.1_lowered:
.L_overlay_start_0:
0x88: {  	s2 =	sld [smem:$0x3FD9]  }
0x89: {  	s3 =	sld [smem:$0x3FFE];
	_ =	sdelay $0x1  }
0x8a: {  	s1 =	srdreg.scid  }
0x8b: {  	s0 =	sand.u32 $0x1, s1  }
0x8c: {  	s16 =	sshll.u32 s0, $0xA;
	s2 =	sadd.s32 s3, s2  }
0x8d: {  	s2 =	sadd.s32 s2, s16  }
0x8e: {  	[smem:$0x3FC2] =	sst s2  }
0x8f: {  	_ = 	snop  }
0x90: {  	(tm) =	ssettm $0x1  }
0x91: {  	s17 =	sld [smem:$0x3FFB];
	_ =	sdelay $0x3  }
0x92: {  	_ =	strace s17  }
0x93: {  	s2 =	sld [smem:$0x3FFC];
	_ =	sdelay $0x3  }
0x94: {  	_ =	strace s2  }
0x95: {  	s2 =	sld [smem:$0x3FFD];
	_ =	sdelay $0x3  }
0x96: {  	_ =	strace s2  }
0x97: {  	_ =	strace $0x8FFFFFFF  }
0x98: {  	s18 =	sld [smem:$0x3FDB];
	_ =	sdelay $0x1  }
0x99: {  	s19 =	simm.s32 $_scs_section_size  }
0x9a: {  	s4 =	simm.s32 $_size__tile_overlayer_lowered;
	s5 =	simm.s32 $_tile_overlayer_lowered  }
0x9b: {  	s22 =	simm.s32 $0x1BFF;
	s21 =	sshll.u32 s5, $0x1;
	s2 =	sadd.s32 s19, s18  }
0x9c: {  	s6 =	simm.s32 $0x0;
	s20 =	sshll.u32 s4, $0x1;
	s4 =	sadd.s32 s21, s2  }
0x9d: {  	[timem:s6], [sflag:s22] =	dma.local [hbm:s4], s20  }
0x9e: {  	_ =	swait.ge [sflag:s22], s20  }
0x9f: {  	s3 =	ssub.s32 $0x0, s20;
	[sflag:s22] =	ssyncset.done $0x0  }
0xa0: {  	[sflag:s22] =	ssyncadd.s32 s3;
	_ =	sdelay $0x1  }
0xa1: {  	s23 =	simm.s32 $0x1B8B  }
0xa2: {  	_ =	swait.ge [sflag:s23], $0x1  }
0xa3: {  	[sflag:s23] =	ssyncset.done $0x0  }
0xa4: {  	s25 =	simm.s32 $0x1B8E;
	s24 =	sld [smem:$0x3FFE];
	[sflag:s23] =	ssyncadd.s32 $0xFFFFFFFF  }
0xa5: {  	s26 =	simm.s32 $execute0_lowered;
	[smem:$0x3FD2] =	sst s25  }
0xa6: {  	s4 =	sshll.u32 s26, $0x1;
	_ =	strace $0x80000049;
	[dreg:$0x1] =	wrdreg $0xFFFFFFFF  }
0xa7: {  	s28 =	simm.s32 $_size_execute0_lowered;
	s2 =	sadd.s32 s2, s4;
	[dreg:$0x0] =	wrdreg $0x0  }
0xa8: {  	s4 =	sshll.u32 s28, $0x1;
	[dreg:$0x2] =	wrdreg s2  }
0xa9: {  	[dreg:$0x3] =	wrdreg s4  }
0xaa: {  	[dreg:$0x4] =	wrdreg $0xC0  }
0xab: {  	_ =	task [dreg:s6], $0x5FFFF  }
0xac: {  	[dreg:$0x1] =	wrdreg $0xFFFFFFFF  }
0xad: {  	[dreg:$0x0] =	wrdreg $0x60  }
0xae: {  	[dreg:$0x2] =	wrdreg s24  }
0xaf: {  	[dreg:$0x3] =	wrdreg $0x120000  }
0xb0: {  	[dreg:$0x4] =	wrdreg $0x9  }
0xb1: {  	_ =	task.clear_ibuf [dreg:s6], $0x5FFFF;
	_ =	strace $0x90000049  }
0xb2: {  	s29 =	simm.s32 $0x9;
	_ =	strace $0x8000004B  }
0xb3: {  	_ =	swait.ge [sflag:s29], $0x1  }
0xb4: {  	[sflag:s29] =	ssyncadd.s32 $0xFFFFFFFF  }
0xb5: {  	_ =	strace $0x9000004B  }
0xb6: {  	_ =	sfence  }
0xb7: {  	s30 =	sld [smem:$0x0];
	_ =	sdelay $0x2  }
0xb8: {  	s31 =	sshll.u32 s1, $0xD;
	s1 =	sshrl.u32 s1, $0x2  }
0xb9: {  	s3 =	sand.u32 $0x4000, s31;
	s1 =	sadd.s32 s1, s30  }
0xba: {  	s0 =	sor.u32 s3, s0;
	s1 =	sshll.u32 s1, $0x11  }
0xbb: {  	s0 =	sor.u32 s1, s0  }
0xbc: {  	s0 =	sadd.s32 $0x8F2B, s0  }
0xbd: {  	[sflag:s0] =	ssyncadd.remote.s32 $0x1  }
0xbe: {  	_ =	sfence.sel $0xFFFF  }
0xbf: {  	[dreg:$0x0] =	wrdreg $0xFFFFFFFF;
	(pc) =	sbr.abs _section_cstart, $3  }
0xc0: {  	[dreg:$0x1] =	wrdreg $0xFFFFFFFF  }
0xc1: {  	_ =	task.clear_ibuf [dreg:s6], $0x2FFFF;
	_ =	strace $0x9FFFFFFF  }
0xc2: {  	(tm) =	ssettm $0x7FFFFFFF  }
0xc3: {  	_ =	shalt  }
tec
execute0_lowered:
.L_overlay_start_1:
0x0: {  	(tag) =	ssettag $0x1  }
0x1: {  	s0 =	rddreg [dreg:$0x0]  }
0x2: {  	s2 =	rddreg [dreg:$0x1];
	s3 =	simm.s32 $0x0  }
0x3: {  	s19 =	stileid.u32;
	s7 =	srdreg.scid;
	s18 =	simm.s32 $0x9  }
0x4: {  	s20 =	simm.s32 $0xA000;
	s21 =	simm.s32 $0xC000;
	s23 =	simm.s32 $0xE000  }
0x5: {  	s29 =	simm.s32 $0x2;
	s31 =	simm.s32 $0x3;
	s22 =	simm.s32 $0x6  }
0x6: {  	s24 =	simm.s32 $0x7;
	s28 =	simm.s32 $0x8;
	s1 =	smul.u32 $0x5000, s19  }
0x7: {  	[smem:$0x7FF] =	sst s3;
	s4 =	sadd.s32 $0x7B800, s0;
	s8 =	smul.u32 $0xA000, s19  }
0x8: {  	s5 =	sadd.s32 $0x67800, s0;
	s9 =	sand.u32 $0x1, s7;
	s7 =	sadd.s32 $0x17000, s0  }
0x9: {  	s12 =	sadd.s32 $0xB7800, s0;
	s25 =	sadd.s32 $0xA3800, s0;
	s13 =	sadd.s32 $0xC800, s0  }
0xa: {  	s14 =	sadd.s32 $0x16440, s0;
	s30 =	sshll.u32 s19, $0x6;
	p1 =	seq.s32 s19, $0xF  }
0xb: {  	s19 =	simm.s32 $0x80;
	_ =	strace $0x8000004A;
	[dreg:$0x3] =	wrdreg s12  }
0xc: {  	s11 =	ssub.s32 $0x2, s9;
	[dreg:$0x4] =	wrdreg s25;
	p0 =	seq.s32 s9, $0x1  }
0xd: {  	s16 =	sor.u32 $0x1C09, s30;
	s25 =	simm.s32 $0x10000;
	s9 =	simm.s32 $0x5  }
.Ltmp0:
0xe: {  	s1 =	sshrl.u32 s1, $0x3;
	s6 =	sshrl.u32 s8, $0x3;
	(pc) =	sbr.rel .LBB2_1-.Ltmp0, $4  }
0xf: {  	s26 =	sshrl.u32 s11, $0x1;
	s8 =	sadd.s32 s8, s2;
	s1 =	sadd.s32 s1, s0  }
0x10: {  	s10 =	sadd.s32 s6, s0;
	s15 =	ssub.s32 s11, s26;
	s17 =	sshrl.u32 s8, $0x3  }
0x11: {  	s26 =	simm.s32 $0x1;
	s10 =	sadd.s32 $0x8F800, s10;
	s11 =	sadd.s32 $0x3200, s1  }
0x12: {  	s12 =	sadd.s32 $0xCE40, s1;
	s15 =	smax.u32 s15, $0x1;
	s1 =	simm.s32 $0x4  }
.LBB2_7:
0x13: {  	[spmem:s2] =	stream.indirect.scatter.add.f32 [tilespmem:s25], [sflag:$0x8], $0x40, s0, s19, $0xb8;
	[tilespmem:$0x1C000] =	vst v63  }
0x14: {  	s0 =	rddreg [dreg:$0x4]  }
.LBB2_8:
0x15: {  	_ =	swait.ge [sflag:s9], $0x2000  }
0x16: {  	[sflag:s9] =	ssyncset.done $0x0  }
0x17: {  	[sflag:s9] =	ssyncadd.s32 $0xFFFFE000  }
0x18: {  	_ =	swait.ge [sflag:s22], $0x2000  }
0x19: {  	[sflag:s22] =	ssyncset.done $0x0  }
0x1a: {  	[sflag:s22] =	ssyncadd.s32 $0xFFFFE000  }
0x1b: {  	_ =	swait.ge [sflag:s24], $0x2000  }
0x1c: {  	[sflag:s24] =	ssyncset.done $0x0  }
0x1d: {  	[sflag:s24] =	ssyncadd.s32 $0xFFFFE000  }
0x1e: {  	_ =	swait.ge [sflag:s28], $0x2000  }
0x1f: {  	s3 =	sadd.s32 $0x1, s3;
	[sflag:s28] =	ssyncset.done $0x0  }
0x20: {  	p2 =	sne.s32 s3, s15;
	[sflag:s28] =	ssyncadd.s32 $0xFFFFE000  }
.Ltmp1:
0x21: {  	s0 =	sadd.s32 s0, s6;
	[bflag:$0x0] =	sbarrier.arrive $0xFFFF;
	(pc) =	sbr.rel @!p2 .LBB2_9-.Ltmp1, $4  }
0x22: {  	[hbm:s0], [sflag:s16] =	dma.local [spmem:s17], $0x1400  }
0x23: {  	_ =	swait.ge [sflag:s18], $0x1400  }
0x24: {  	[sflag:s18] =	ssyncset.done $0x0  }
0x25: {  	[sflag:s18] =	ssyncadd.s32 $0xFFFFEC00  }
.LBB2_1:
.Ltmp2:
0x26: {  	(pc) =	sbr.rel @!p0 .LBB2_2-.Ltmp2, $4  }
0x27: {  	[spmem:s17], [sflag:s16] =	dma.local [hbm:s10], $0x1400  }
0x28: {  	_ =	swait.ge [sflag:s18], $0x1400  }
0x29: {  	[sflag:s18] =	ssyncset.done $0x0  }
0x2a: {  	[sflag:s18] =	ssyncadd.s32 $0xFFFFEC00  }
0x2b: {  	s0 =	simm.s32 @p1 $0x0;
	s8 =	simm.s32 @p1 $0x9  }
0x2c: {  	[tilespmem:s0], [sflag:$0x9] =	stream.linear.gather @p1 [hbm4b:s13+s0], $0x3200, $0x38;
	[tilespmem:$0x1C000] =	vst v63  }
0x2d: {  	_ =	swait.ge @p1 [sflag:s8], $0x3200  }
0x2e: {  	[sflag:s8] =	ssyncset.done @p1 $0x0  }
0x2f: {  	s30 =	simm.s32 @p1 $0x3200;
	[sflag:s8] =	ssyncadd.s32 @p1 $0xFFFFCE00  }
0x30: {  	[tilespmem:s30], [sflag:$0x9] =	stream.linear.gather @p1 [hbm4b:s7+s0], $0x1E00, $0x38;
	[tilespmem:$0x1C000] =	vst v63  }
0x31: {  	_ =	swait.ge @p1 [sflag:s8], $0x1E00  }
0x32: {  	[sflag:s8] =	ssyncset.done @p1 $0x0  }
0x33: {  	s30 =	simm.s32 @p1 $0x5000;
	[sflag:s8] =	ssyncadd.s32 @p1 $0xFFFFE200  }
0x34: {  	[tilespmem:s30], [sflag:$0x9] =	stream.linear.gather @p1 [hbm4b:s14+s0], $0x3200, $0x38;
	[tilespmem:$0x1C000] =	vst v63  }
0x35: {  	_ =	swait.ge @p1 [sflag:s8], $0x3200  }
0x36: {  	[sflag:s8] =	ssyncset.done @p1 $0x0  }
0x37: {  	s30 =	simm.s32 @p1 $0x8200;
	[sflag:s8] =	ssyncadd.s32 @p1 $0xFFFFCE00  }
0x38: {  	[tilespmem:s30], [sflag:$0x9] =	stream.linear.gather @p1 [hbm4b:s7+s0], $0x1E00, $0x38;
	[tilespmem:$0x1C000] =	vst v63  }
0x39: {  	_ =	swait.ge @p1 [sflag:s8], $0x1E00  }
0x3a: {  	[sflag:s8] =	ssyncset.done @p1 $0x0  }
0x3b: {  	s0 =	simm.s32 @!p1 $0x0;
	[sflag:s8] =	ssyncadd.s32 @p1 $0xFFFFE200;
	s8 =	simm.s32 @!p1 $0x9  }
0x3c: {  	[tilespmem:s0], [sflag:$0x9] =	stream.linear.gather @!p1 [hbm4b:s11+s0], $0x5000, $0x38;
	[tilespmem:$0x1C000] =	vst v63  }
0x3d: {  	_ =	swait.ge @!p1 [sflag:s8], $0x5000  }
0x3e: {  	[sflag:s8] =	ssyncset.done @!p1 $0x0  }
0x3f: {  	s30 =	simm.s32 @!p1 $0x5000;
	[sflag:s8] =	ssyncadd.s32 @!p1 $0xFFFFB000  }
0x40: {  	[tilespmem:s30], [sflag:$0x9] =	stream.linear.gather @!p1 [hbm4b:s12+s0], $0x5000, $0x38;
	[tilespmem:$0x1C000] =	vst v63  }
0x41: {  	_ =	swait.ge @!p1 [sflag:s8], $0x5000  }
0x42: {  	[sflag:s8] =	ssyncset.done @!p1 $0x0  }
0x43: {  	[sflag:s8] =	ssyncadd.s32 @!p1 $0xFFFFB000  }
0x44: {  	s8 =	simm.s32 $0x0;
	[bflag:$0x0] =	sbarrier.arrive $0xFFFF  }
0x45: {  	[tilespmem:s20], [sflag:$0x1] =	stream.indirect.gather [hbm4b:s5+s19], $0x40, s8, s19, $0xb8;
	[tilespmem:$0x1C000] =	vst v63  }
0x46: {  	_ = 	snop  }
0x47: {  	[tilespmem:s21], [sflag:$0x2] =	stream.indirect.gather [hbm4b:s5+s19], $0x40, s19, s19, $0xb8;
	[tilespmem:$0x1C000] =	vst v63  }
0x48: {  	s8 =	simm.s32 $0x100  }
0x49: {  	[tilespmem:s23], [sflag:$0x3] =	stream.indirect.gather [hbm4b:s5+s19], $0x40, s8, s19, $0xb8;
	[tilespmem:$0x1C000] =	vst v63  }
0x4a: {  	s8 =	simm.s32 $0x180  }
0x4b: {  	[tilespmem:s25], [sflag:$0x4] =	stream.indirect.gather [hbm4b:s5+s19], $0x40, s8, s19, $0xb8;
	[tilespmem:$0x1C000] =	vst v63  }
0x4c: {  	_ =	swait.ge [sflag:s26], $0x2000  }
0x4d: {  	[sflag:s26] =	ssyncset.done $0x0  }
0x4e: {  	s8 =	simm.s32 $0x5000;
	[sflag:s26] =	ssyncadd.s32 $0xFFFFE000  }
0x4f: {  	[spmem:s2] =	stream.indirect.scatter.add.f32 [tilespmem:s20], [sflag:$0x5], $0x40, s8, s19, $0xb8;
	[tilespmem:$0x1C000] =	vst v63  }
0x50: {  	_ =	swait.ge [sflag:s29], $0x2000  }
0x51: {  	[sflag:s29] =	ssyncset.done $0x0  }
0x52: {  	s8 =	simm.s32 $0x5080;
	[sflag:s29] =	ssyncadd.s32 $0xFFFFE000  }
0x53: {  	[spmem:s2] =	stream.indirect.scatter.add.f32 [tilespmem:s21], [sflag:$0x6], $0x40, s8, s19, $0xb8;
	[tilespmem:$0x1C000] =	vst v63  }
0x54: {  	_ =	swait.ge [sflag:s31], $0x2000  }
0x55: {  	[sflag:s31] =	ssyncset.done $0x0  }
0x56: {  	s8 =	simm.s32 $0x5100;
	[sflag:s31] =	ssyncadd.s32 $0xFFFFE000  }
0x57: {  	[spmem:s2] =	stream.indirect.scatter.add.f32 [tilespmem:s23], [sflag:$0x7], $0x40, s8, s19, $0xb8;
	[tilespmem:$0x1C000] =	vst v63  }
0x58: {  	_ =	swait.ge [sflag:s1], $0x2000  }
0x59: {  	[sflag:s1] =	ssyncset.done $0x0  }
0x5a: {  	s8 =	simm.s32 $0x5180;
	[sflag:s1] =	ssyncadd.s32 $0xFFFFE000  }
0x5b: {  	[spmem:s2] =	stream.indirect.scatter.add.f32 [tilespmem:s25], [sflag:$0x8], $0x40, s8, s19, $0xb8;
	[tilespmem:$0x1C000] =	vst v63  }
0x5c: {  	_ =	swait.ge [sflag:s9], $0x2000  }
0x5d: {  	[sflag:s9] =	ssyncset.done $0x0  }
0x5e: {  	s8 =	simm.s32 $0x200;
	[sflag:s9] =	ssyncadd.s32 $0xFFFFE000  }
0x5f: {  	[tilespmem:s20], [sflag:$0x1] =	stream.indirect.gather [hbm4b:s5+s19], $0x40, s8, s19, $0xb8;
	[tilespmem:$0x1C000] =	vst v63  }
0x60: {  	_ =	swait.ge [sflag:s22], $0x2000  }
0x61: {  	[sflag:s22] =	ssyncset.done $0x0  }
0x62: {  	s8 =	simm.s32 $0x280;
	[sflag:s22] =	ssyncadd.s32 $0xFFFFE000  }
0x63: {  	[tilespmem:s21], [sflag:$0x2] =	stream.indirect.gather [hbm4b:s5+s19], $0x40, s8, s19, $0xb8;
	[tilespmem:$0x1C000] =	vst v63  }
0x64: {  	_ =	swait.ge [sflag:s24], $0x2000  }
0x65: {  	[sflag:s24] =	ssyncset.done $0x0  }
0x66: {  	s8 =	simm.s32 $0x300;
	[sflag:s24] =	ssyncadd.s32 $0xFFFFE000  }
0x67: {  	[tilespmem:s23], [sflag:$0x3] =	stream.indirect.gather [hbm4b:s5+s19], $0x40, s8, s19, $0xb8;
	[tilespmem:$0x1C000] =	vst v63  }
0x68: {  	_ =	swait.ge [sflag:s28], $0x2000  }
0x69: {  	[sflag:s28] =	ssyncset.done $0x0  }
0x6a: {  	s8 =	simm.s32 $0x380;
	[sflag:s28] =	ssyncadd.s32 $0xFFFFE000  }
0x6b: {  	[tilespmem:s25], [sflag:$0x4] =	stream.indirect.gather [hbm4b:s5+s19], $0x40, s8, s19, $0xb8;
	[tilespmem:$0x1C000] =	vst v63  }
0x6c: {  	_ =	swait.ge [sflag:s26], $0x2000  }
0x6d: {  	[sflag:s26] =	ssyncset.done $0x0  }
0x6e: {  	s8 =	simm.s32 $0x5200;
	[sflag:s26] =	ssyncadd.s32 $0xFFFFE000  }
0x6f: {  	[spmem:s2] =	stream.indirect.scatter.add.f32 [tilespmem:s20], [sflag:$0x5], $0x40, s8, s19, $0xb8;
	[tilespmem:$0x1C000] =	vst v63  }
0x70: {  	_ =	swait.ge [sflag:s29], $0x2000  }
0x71: {  	[sflag:s29] =	ssyncset.done $0x0  }
0x72: {  	s8 =	simm.s32 $0x5280;
	[sflag:s29] =	ssyncadd.s32 $0xFFFFE000  }
0x73: {  	[spmem:s2] =	stream.indirect.scatter.add.f32 [tilespmem:s21], [sflag:$0x6], $0x40, s8, s19, $0xb8;
	[tilespmem:$0x1C000] =	vst v63  }
0x74: {  	_ =	swait.ge [sflag:s31], $0x2000  }
0x75: {  	[sflag:s31] =	ssyncset.done $0x0  }
0x76: {  	s8 =	simm.s32 $0x5300;
	[sflag:s31] =	ssyncadd.s32 $0xFFFFE000  }
0x77: {  	[spmem:s2] =	stream.indirect.scatter.add.f32 [tilespmem:s23], [sflag:$0x7], $0x40, s8, s19, $0xb8;
	[tilespmem:$0x1C000] =	vst v63  }
0x78: {  	_ =	swait.ge [sflag:s1], $0x2000  }
0x79: {  	[sflag:s1] =	ssyncset.done $0x0  }
0x7a: {  	s30 =	simm.s32 $0x800;
	s0 =	simm.s32 $0x5380;
	[sflag:s1] =	ssyncadd.s32 $0xFFFFE000  }
.LBB2_6:
0x7b: {  	[spmem:s2] =	stream.indirect.scatter.add.f32 [tilespmem:s25], [sflag:$0x8], $0x40, s0, s19, $0xb8;
	[tilespmem:$0x1C000] =	vst v63  }
0x7c: {  	s0 =	smov.u32 s30  }
0x7d: {  	p2 =	sne.s32 s30, $0x13000;
	s30 =	sadd.s32 $0x800, s30;
	_ =	swait.ge [sflag:s9], $0x2000  }
0x7e: {  	s0 =	sshra.s32 s0, $0x2;
	[sflag:s9] =	ssyncset.done $0x0  }
0x7f: {  	s8 =	sadd.s32 $0x200, s0;
	[sflag:s9] =	ssyncadd.s32 $0xFFFFE000  }
0x80: {  	[tilespmem:s20], [sflag:$0x1] =	stream.indirect.gather [hbm4b:s5+s19], $0x40, s8, s19, $0xb8;
	[tilespmem:$0x1C000] =	vst v63  }
0x81: {  	_ =	swait.ge [sflag:s22], $0x2000  }
0x82: {  	[sflag:s22] =	ssyncset.done $0x0  }
0x83: {  	s8 =	sadd.s32 $0x280, s0;
	[sflag:s22] =	ssyncadd.s32 $0xFFFFE000  }
0x84: {  	[tilespmem:s21], [sflag:$0x2] =	stream.indirect.gather [hbm4b:s5+s19], $0x40, s8, s19, $0xb8;
	[tilespmem:$0x1C000] =	vst v63  }
0x85: {  	_ =	swait.ge [sflag:s24], $0x2000  }
0x86: {  	[sflag:s24] =	ssyncset.done $0x0  }
0x87: {  	s8 =	sadd.s32 $0x300, s0;
	[sflag:s24] =	ssyncadd.s32 $0xFFFFE000  }
0x88: {  	[tilespmem:s23], [sflag:$0x3] =	stream.indirect.gather [hbm4b:s5+s19], $0x40, s8, s19, $0xb8;
	[tilespmem:$0x1C000] =	vst v63  }
0x89: {  	_ =	swait.ge [sflag:s28], $0x2000  }
0x8a: {  	[sflag:s28] =	ssyncset.done $0x0  }
0x8b: {  	s8 =	sadd.s32 $0x380, s0;
	[sflag:s28] =	ssyncadd.s32 $0xFFFFE000  }
0x8c: {  	[tilespmem:s25], [sflag:$0x4] =	stream.indirect.gather [hbm4b:s5+s19], $0x40, s8, s19, $0xb8;
	[tilespmem:$0x1C000] =	vst v63  }
0x8d: {  	_ =	swait.ge [sflag:s26], $0x2000  }
0x8e: {  	[sflag:s26] =	ssyncset.done $0x0  }
0x8f: {  	s8 =	sadd.s32 $0x5200, s0;
	[sflag:s26] =	ssyncadd.s32 $0xFFFFE000  }
0x90: {  	[spmem:s2] =	stream.indirect.scatter.add.f32 [tilespmem:s20], [sflag:$0x5], $0x40, s8, s19, $0xb8;
	[tilespmem:$0x1C000] =	vst v63  }
0x91: {  	_ =	swait.ge [sflag:s29], $0x2000  }
0x92: {  	[sflag:s29] =	ssyncset.done $0x0  }
0x93: {  	s8 =	sadd.s32 $0x5280, s0;
	[sflag:s29] =	ssyncadd.s32 $0xFFFFE000  }
0x94: {  	[spmem:s2] =	stream.indirect.scatter.add.f32 [tilespmem:s21], [sflag:$0x6], $0x40, s8, s19, $0xb8;
	[tilespmem:$0x1C000] =	vst v63  }
0x95: {  	_ =	swait.ge [sflag:s31], $0x2000  }
0x96: {  	[sflag:s31] =	ssyncset.done $0x0  }
.Ltmp3:
0x97: {  	s8 =	sadd.s32 $0x5300, s0;
	[sflag:s31] =	ssyncadd.s32 $0xFFFFE000;
	(pc) =	sbr.rel @p2 .LBB2_6-.Ltmp3, $4  }
0x98: {  	[spmem:s2] =	stream.indirect.scatter.add.f32 [tilespmem:s23], [sflag:$0x7], $0x40, s8, s19, $0xb8;
	[tilespmem:$0x1C000] =	vst v63  }
0x99: {  	_ =	swait.ge [sflag:s1], $0x2000  }
0x9a: {  	[sflag:s1] =	ssyncset.done $0x0  }
0x9b: {  	s0 =	sadd.s32 $0x5380, s0;
	[sflag:s1] =	ssyncadd.s32 $0xFFFFE000  }
.Ltmp4:
0x9c: {  	_ = 	snop;
	(pc) =	sbr.rel .LBB2_7-.Ltmp4, $1  }
0x9d: {  	_ =	sdelay $0x3  }
.LBB2_2:
0x9e: {  	s0 =	simm.s32 @p1 $0x0;
	s30 =	simm.s32 @p1 $0x9  }
0x9f: {  	[tilespmem:s0], [sflag:$0x9] =	stream.linear.gather @p1 [hbm4b:s13+s0], $0x3200, $0x38;
	[tilespmem:$0x1C000] =	vst v63  }
0xa0: {  	_ =	swait.ge @p1 [sflag:s30], $0x3200  }
0xa1: {  	[sflag:s30] =	ssyncset.done @p1 $0x0  }
0xa2: {  	s8 =	simm.s32 @p1 $0x3200;
	[sflag:s30] =	ssyncadd.s32 @p1 $0xFFFFCE00  }
0xa3: {  	[tilespmem:s8], [sflag:$0x9] =	stream.linear.gather @p1 [hbm4b:s7+s0], $0x1E00, $0x38;
	[tilespmem:$0x1C000] =	vst v63  }
0xa4: {  	_ =	swait.ge @p1 [sflag:s30], $0x1E00  }
0xa5: {  	[sflag:s30] =	ssyncset.done @p1 $0x0  }
0xa6: {  	s8 =	simm.s32 @p1 $0x5000;
	[sflag:s30] =	ssyncadd.s32 @p1 $0xFFFFE200  }
0xa7: {  	[tilespmem:s8], [sflag:$0x9] =	stream.linear.gather @p1 [hbm4b:s14+s0], $0x3200, $0x38;
	[tilespmem:$0x1C000] =	vst v63  }
0xa8: {  	_ =	swait.ge @p1 [sflag:s30], $0x3200  }
0xa9: {  	[sflag:s30] =	ssyncset.done @p1 $0x0  }
0xaa: {  	s8 =	simm.s32 @p1 $0x8200;
	[sflag:s30] =	ssyncadd.s32 @p1 $0xFFFFCE00  }
0xab: {  	[tilespmem:s8], [sflag:$0x9] =	stream.linear.gather @p1 [hbm4b:s7+s0], $0x1E00, $0x38;
	[tilespmem:$0x1C000] =	vst v63  }
0xac: {  	_ =	swait.ge @p1 [sflag:s30], $0x1E00  }
0xad: {  	[sflag:s30] =	ssyncset.done @p1 $0x0  }
0xae: {  	s0 =	simm.s32 @!p1 $0x0;
	s8 =	simm.s32 @!p1 $0x9;
	[sflag:s30] =	ssyncadd.s32 @p1 $0xFFFFE200  }
0xaf: {  	[tilespmem:s0], [sflag:$0x9] =	stream.linear.gather @!p1 [hbm4b:s11+s0], $0x5000, $0x38;
	[tilespmem:$0x1C000] =	vst v63  }
0xb0: {  	_ =	swait.ge @!p1 [sflag:s8], $0x5000  }
0xb1: {  	[sflag:s8] =	ssyncset.done @!p1 $0x0  }
0xb2: {  	s30 =	simm.s32 @!p1 $0x5000;
	[sflag:s8] =	ssyncadd.s32 @!p1 $0xFFFFB000  }
0xb3: {  	[tilespmem:s30], [sflag:$0x9] =	stream.linear.gather @!p1 [hbm4b:s12+s0], $0x5000, $0x38;
	[tilespmem:$0x1C000] =	vst v63  }
0xb4: {  	_ =	swait.ge @!p1 [sflag:s8], $0x5000  }
0xb5: {  	[sflag:s8] =	ssyncset.done @!p1 $0x0  }
0xb6: {  	[sflag:s8] =	ssyncadd.s32 @!p1 $0xFFFFB000  }
0xb7: {  	s8 =	simm.s32 $0x0;
	[bflag:$0x0] =	sbarrier.arrive $0xFFFF  }
0xb8: {  	[tilespmem:s20], [sflag:$0x1] =	stream.indirect.gather [hbm4b:s4+s19], $0x40, s8, s19, $0xb8;
	[tilespmem:$0x1C000] =	vst v63  }
0xb9: {  	_ = 	snop  }
0xba: {  	[tilespmem:s21], [sflag:$0x2] =	stream.indirect.gather [hbm4b:s4+s19], $0x40, s19, s19, $0xb8;
	[tilespmem:$0x1C000] =	vst v63  }
0xbb: {  	s8 =	simm.s32 $0x100  }
0xbc: {  	[tilespmem:s23], [sflag:$0x3] =	stream.indirect.gather [hbm4b:s4+s19], $0x40, s8, s19, $0xb8;
	[tilespmem:$0x1C000] =	vst v63  }
0xbd: {  	s8 =	simm.s32 $0x180  }
0xbe: {  	[tilespmem:s25], [sflag:$0x4] =	stream.indirect.gather [hbm4b:s4+s19], $0x40, s8, s19, $0xb8;
	[tilespmem:$0x1C000] =	vst v63  }
0xbf: {  	_ =	swait.ge [sflag:s26], $0x2000  }
0xc0: {  	[sflag:s26] =	ssyncset.done $0x0  }
0xc1: {  	s8 =	simm.s32 $0x5000;
	[sflag:s26] =	ssyncadd.s32 $0xFFFFE000  }
0xc2: {  	[spmem:s2] =	stream.indirect.scatter.add.f32 [tilespmem:s20], [sflag:$0x5], $0x40, s8, s19, $0xb8;
	[tilespmem:$0x1C000] =	vst v63  }
0xc3: {  	_ =	swait.ge [sflag:s29], $0x2000  }
0xc4: {  	[sflag:s29] =	ssyncset.done $0x0  }
0xc5: {  	s8 =	simm.s32 $0x5080;
	[sflag:s29] =	ssyncadd.s32 $0xFFFFE000  }
0xc6: {  	[spmem:s2] =	stream.indirect.scatter.add.f32 [tilespmem:s21], [sflag:$0x6], $0x40, s8, s19, $0xb8;
	[tilespmem:$0x1C000] =	vst v63  }
0xc7: {  	_ =	swait.ge [sflag:s31], $0x2000  }
0xc8: {  	[sflag:s31] =	ssyncset.done $0x0  }
0xc9: {  	s8 =	simm.s32 $0x5100;
	[sflag:s31] =	ssyncadd.s32 $0xFFFFE000  }
0xca: {  	[spmem:s2] =	stream.indirect.scatter.add.f32 [tilespmem:s23], [sflag:$0x7], $0x40, s8, s19, $0xb8;
	[tilespmem:$0x1C000] =	vst v63  }
0xcb: {  	_ =	swait.ge [sflag:s1], $0x2000  }
0xcc: {  	[sflag:s1] =	ssyncset.done $0x0  }
0xcd: {  	s8 =	simm.s32 $0x5180;
	[sflag:s1] =	ssyncadd.s32 $0xFFFFE000  }
0xce: {  	[spmem:s2] =	stream.indirect.scatter.add.f32 [tilespmem:s25], [sflag:$0x8], $0x40, s8, s19, $0xb8;
	[tilespmem:$0x1C000] =	vst v63  }
0xcf: {  	_ =	swait.ge [sflag:s9], $0x2000  }
0xd0: {  	[sflag:s9] =	ssyncset.done $0x0  }
0xd1: {  	s8 =	simm.s32 $0x200;
	[sflag:s9] =	ssyncadd.s32 $0xFFFFE000  }
0xd2: {  	[tilespmem:s20], [sflag:$0x1] =	stream.indirect.gather [hbm4b:s4+s19], $0x40, s8, s19, $0xb8;
	[tilespmem:$0x1C000] =	vst v63  }
0xd3: {  	_ =	swait.ge [sflag:s22], $0x2000  }
0xd4: {  	[sflag:s22] =	ssyncset.done $0x0  }
0xd5: {  	s8 =	simm.s32 $0x280;
	[sflag:s22] =	ssyncadd.s32 $0xFFFFE000  }
0xd6: {  	[tilespmem:s21], [sflag:$0x2] =	stream.indirect.gather [hbm4b:s4+s19], $0x40, s8, s19, $0xb8;
	[tilespmem:$0x1C000] =	vst v63  }
0xd7: {  	_ =	swait.ge [sflag:s24], $0x2000  }
0xd8: {  	[sflag:s24] =	ssyncset.done $0x0  }
0xd9: {  	s8 =	simm.s32 $0x300;
	[sflag:s24] =	ssyncadd.s32 $0xFFFFE000  }
0xda: {  	[tilespmem:s23], [sflag:$0x3] =	stream.indirect.gather [hbm4b:s4+s19], $0x40, s8, s19, $0xb8;
	[tilespmem:$0x1C000] =	vst v63  }
0xdb: {  	_ =	swait.ge [sflag:s28], $0x2000  }
0xdc: {  	[sflag:s28] =	ssyncset.done $0x0  }
0xdd: {  	s8 =	simm.s32 $0x380;
	[sflag:s28] =	ssyncadd.s32 $0xFFFFE000  }
0xde: {  	[tilespmem:s25], [sflag:$0x4] =	stream.indirect.gather [hbm4b:s4+s19], $0x40, s8, s19, $0xb8;
	[tilespmem:$0x1C000] =	vst v63  }
0xdf: {  	_ =	swait.ge [sflag:s26], $0x2000  }
0xe0: {  	[sflag:s26] =	ssyncset.done $0x0  }
0xe1: {  	s8 =	simm.s32 $0x5200;
	[sflag:s26] =	ssyncadd.s32 $0xFFFFE000  }
0xe2: {  	[spmem:s2] =	stream.indirect.scatter.add.f32 [tilespmem:s20], [sflag:$0x5], $0x40, s8, s19, $0xb8;
	[tilespmem:$0x1C000] =	vst v63  }
0xe3: {  	_ =	swait.ge [sflag:s29], $0x2000  }
0xe4: {  	[sflag:s29] =	ssyncset.done $0x0  }
0xe5: {  	s8 =	simm.s32 $0x5280;
	[sflag:s29] =	ssyncadd.s32 $0xFFFFE000  }
0xe6: {  	[spmem:s2] =	stream.indirect.scatter.add.f32 [tilespmem:s21], [sflag:$0x6], $0x40, s8, s19, $0xb8;
	[tilespmem:$0x1C000] =	vst v63  }
0xe7: {  	_ =	swait.ge [sflag:s31], $0x2000  }
0xe8: {  	[sflag:s31] =	ssyncset.done $0x0  }
0xe9: {  	s8 =	simm.s32 $0x5300;
	[sflag:s31] =	ssyncadd.s32 $0xFFFFE000  }
0xea: {  	[spmem:s2] =	stream.indirect.scatter.add.f32 [tilespmem:s23], [sflag:$0x7], $0x40, s8, s19, $0xb8;
	[tilespmem:$0x1C000] =	vst v63  }
0xeb: {  	_ =	swait.ge [sflag:s1], $0x2000  }
0xec: {  	[sflag:s1] =	ssyncset.done $0x0  }
0xed: {  	s30 =	simm.s32 $0x800;
	s0 =	simm.s32 $0x5380;
	[sflag:s1] =	ssyncadd.s32 $0xFFFFE000  }
.LBB2_3:
0xee: {  	[spmem:s2] =	stream.indirect.scatter.add.f32 [tilespmem:s25], [sflag:$0x8], $0x40, s0, s19, $0xb8;
	[tilespmem:$0x1C000] =	vst v63  }
0xef: {  	s0 =	smov.u32 s30  }
0xf0: {  	p2 =	seq.s32 s30, $0x13000;
	s30 =	sadd.s32 $0x800, s30;
	_ =	swait.ge [sflag:s9], $0x2000  }
0xf1: {  	s0 =	sshra.s32 s0, $0x2;
	[sflag:s9] =	ssyncset.done $0x0  }
0xf2: {  	s8 =	sadd.s32 $0x200, s0;
	[sflag:s9] =	ssyncadd.s32 $0xFFFFE000  }
0xf3: {  	[tilespmem:s20], [sflag:$0x1] =	stream.indirect.gather [hbm4b:s4+s19], $0x40, s8, s19, $0xb8;
	[tilespmem:$0x1C000] =	vst v63  }
0xf4: {  	_ =	swait.ge [sflag:s22], $0x2000  }
0xf5: {  	[sflag:s22] =	ssyncset.done $0x0  }
0xf6: {  	s8 =	sadd.s32 $0x280, s0;
	[sflag:s22] =	ssyncadd.s32 $0xFFFFE000  }
0xf7: {  	[tilespmem:s21], [sflag:$0x2] =	stream.indirect.gather [hbm4b:s4+s19], $0x40, s8, s19, $0xb8;
	[tilespmem:$0x1C000] =	vst v63  }
0xf8: {  	_ =	swait.ge [sflag:s24], $0x2000  }
0xf9: {  	[sflag:s24] =	ssyncset.done $0x0  }
0xfa: {  	s8 =	sadd.s32 $0x300, s0;
	[sflag:s24] =	ssyncadd.s32 $0xFFFFE000  }
0xfb: {  	[tilespmem:s23], [sflag:$0x3] =	stream.indirect.gather [hbm4b:s4+s19], $0x40, s8, s19, $0xb8;
	[tilespmem:$0x1C000] =	vst v63  }
0xfc: {  	_ =	swait.ge [sflag:s28], $0x2000  }
0xfd: {  	[sflag:s28] =	ssyncset.done $0x0  }
0xfe: {  	s8 =	sadd.s32 $0x380, s0;
	[sflag:s28] =	ssyncadd.s32 $0xFFFFE000  }
0xff: {  	[tilespmem:s25], [sflag:$0x4] =	stream.indirect.gather [hbm4b:s4+s19], $0x40, s8, s19, $0xb8;
	[tilespmem:$0x1C000] =	vst v63  }
0x100: {  	_ =	swait.ge [sflag:s26], $0x2000  }
0x101: {  	[sflag:s26] =	ssyncset.done $0x0  }
0x102: {  	s8 =	sadd.s32 $0x5200, s0;
	[sflag:s26] =	ssyncadd.s32 $0xFFFFE000  }
0x103: {  	[spmem:s2] =	stream.indirect.scatter.add.f32 [tilespmem:s20], [sflag:$0x5], $0x40, s8, s19, $0xb8;
	[tilespmem:$0x1C000] =	vst v63  }
0x104: {  	_ =	swait.ge [sflag:s29], $0x2000  }
0x105: {  	[sflag:s29] =	ssyncset.done $0x0  }
0x106: {  	s8 =	sadd.s32 $0x5280, s0;
	[sflag:s29] =	ssyncadd.s32 $0xFFFFE000  }
0x107: {  	[spmem:s2] =	stream.indirect.scatter.add.f32 [tilespmem:s21], [sflag:$0x6], $0x40, s8, s19, $0xb8;
	[tilespmem:$0x1C000] =	vst v63  }
0x108: {  	_ =	swait.ge [sflag:s31], $0x2000  }
0x109: {  	[sflag:s31] =	ssyncset.done $0x0  }
.Ltmp5:
0x10a: {  	s8 =	sadd.s32 $0x5300, s0;
	[sflag:s31] =	ssyncadd.s32 $0xFFFFE000;
	(pc) =	sbr.rel @!p2 .LBB2_3-.Ltmp5, $4  }
0x10b: {  	[spmem:s2] =	stream.indirect.scatter.add.f32 [tilespmem:s23], [sflag:$0x7], $0x40, s8, s19, $0xb8;
	[tilespmem:$0x1C000] =	vst v63  }
0x10c: {  	_ =	swait.ge [sflag:s1], $0x2000  }
0x10d: {  	[sflag:s1] =	ssyncset.done $0x0  }
0x10e: {  	s0 =	sadd.s32 $0x5380, s0;
	[sflag:s1] =	ssyncadd.s32 $0xFFFFE000  }
.Ltmp6:
0x10f: {  	(pc) =	sbr.rel .LBB2_8-.Ltmp6, $3  }
0x110: {  	_ =	sdelay $0x1  }
0x111: {  	[spmem:s2] =	stream.indirect.scatter.add.f32 [tilespmem:s25], [sflag:$0x8], $0x40, s0, s19, $0xb8;
	[tilespmem:$0x1C000] =	vst v63  }
0x112: {  	s0 =	rddreg [dreg:$0x3]  }
.LBB2_9:
0x113: {  	_ =	sfence.sel $0x180000  }
0x114: {  	[bflag:$0x0] =	sbarrier.arrive $0xFFFF  }
0x115: {  	_ =	strace $0x9000004A  }
0x116: {  	s0 =	stileid.u32;
	[bflag:$0x2] =	sbarrier.arrive $0xFFFF  }
0x117: {  	p0 =	sne.s32 s0, $0x0;
	s0 =	rddreg [dreg:$0x2]  }
0x118: {  	s0 =	sadd.s32 @!p0 $0x100000, s0  }
0x119: {  	[sflag:s0] =	ssyncadd.tile.s32 @!p0 $0x1;
	_ =	shalt  }
.Lfunc_end2:
_tile_overlayer_lowered:
.L_overlay_start_2:
0x11a: {  	(tag) =	ssettag $0x2  }
0x11b: {  	s0 =	rddreg [dreg:$0x0];
	s2 =	stileid.u32  }
0x11c: {  	s1 =	rddreg [dreg:$0x1];
	p0 =	sne.s32 s2, $0x0  }
0x11d: {  	s3 =	rddreg [dreg:$0x2];
	[bflag:$0x3] =	sbarrier.arrive $0xFFFF;
	s2 =	simm.s32 @!p0 $0x1C09  }
0x11e: {  	[timem:s3], [sflag:s2] =	dma.local @!p0 [hbm:s0], s1  }
0x11f: {  	s0 =	simm.s32 @!p0 $0x9  }
0x120: {  	_ =	swait.ge @!p0 [sflag:s0], s1  }
0x121: {  	s1 =	ssub.s32 @!p0 $0x0, s1;
	[sflag:s0] =	ssyncset.done @!p0 $0x0  }
0x122: {  	[sflag:s0] =	ssyncadd.s32 @!p0 s1  }
0x123: {  	[bflag:$0x3] =	sbarrier.arrive $0xFFFF  }
0x124: {  	_ =	shalt  }

// kernel: kernel.14.cloned.1.call-start
scs
__scs_entry_jumppad:
0x0: {  	(pc) =	sbr.rel $0x88, $3  }
0x1: {  	(tag) =	ssettag $0x0;
	lr =	simm.s32 $0x1  }
0x2: {  	[smem:$0x3F9B] =	sst lr;
	_ =	strace $0xD0000000  }
0x3: {  	_ = 	snop  }
0x4: {  	_ = 	snop  }
0x5: {  	_ = 	snop  }
0x6: {  	_ = 	snop  }
0x7: {  	_ = 	snop  }
__scs_overlays_trampoline_lowered:
0x8: {  	[smem:$0x3FAA] =	sst s0  }
0x9: {  	[smem:$0x3FAB] =	sst s1  }
0xa: {  	[smem:$0x3FAC] =	sst s2  }
0xb: {  	[smem:$0x3FAD] =	sst s3  }
0xc: {  	[smem:$0x3FAE] =	sst s4  }
0xd: {  	[smem:$0x3FAF] =	sst s5  }
0xe: {  	[smem:$0x3FB0] =	sst s6  }
0xf: {  	[smem:$0x3FB1] =	sst s7  }
0x10: {  	[smem:$0x3FB2] =	sst s8  }
0x11: {  	[smem:$0x3FB3] =	sst s9;
	s0 =	simm.s32 @!p0 $0x0  }
0x12: {  	s1 =	sld [smem:$0x3F99];
	s0 =	simm.s32 @p0 $0x1  }
0x13: {  	[smem:$0x3FB4] =	sst s0;
	s0 =	simm.s32 @!p1 $0x0  }
0x14: {  	s2 =	sld [smem:$0x3F98];
	s0 =	simm.s32 @p1 $0x1  }
0x15: {  	[smem:$0x3FB5] =	sst s0;
	s0 =	simm.s32 @!p2 $0x0  }
0x16: {  	s3 =	sld [smem:$0x3FDB];
	s0 =	simm.s32 @p2 $0x1  }
0x17: {  	s4 =	simm.s32 $0x1BF5;
	[smem:$0x3FB7] =	sst s0  }
0x18: {  	s0 =	sld [smem:$0x3F9A];
	_ =	swait.ge [sflag:s4], $0x0  }
0x19: {  	s7 =	sld [smem:$0x3F9B]  }
0x1a: {  	s8 =	sadd.s32 $0xFFFFE003, lr  }
0x1b: {  	s9 =	sadd.s32 $0xFFFFFEF7, lr;
	s5 =	simm.s32 $0xFFFFFFFF;
	p2 =	slt.u32 s8, $0xFFFFF086  }
0x1c: {  	p1 =	slt.u32 s9, $0xF7A;
	s5 =	simm.s32 @!p2 $0x0  }
0x1d: {  	s5 =	simm.s32 @p1 $0x1;
	p0 =	seq.s32 s7, s2  }
0x1e: {  	s7 =	smul.u32 @!p0 $0xF7A, s2;
	p2 =	seq.s32 @!p0 s5, $0x0  }
0x1f: {  	s9 =	smul.u32 $0xF7A, s1;
	s8 =	simm.s32 @!p0 $0x1BF5;
	p2 =	por !p2, p0  }
0x20: {  	[sflag:s8] =	ssyncset.s32 @!p0 $0xFFFFF086;
	s6 =	sadd.s32 @!p0 s3, s7;
	s7 =	simm.s32 @!p0 $0x108  }
0x21: {  	s3 =	sadd.s32 s3, s9;
	s6 =	sadd.s32 @!p0 $0x88, s6;
	s7 =	simm.s32 @p2 $0x1082  }
0x22: {  	[simem:s7], [sflag:s8] =	dma.local @!p0 [hbm:s6], $0xF7A  }
0x23: {  	s9 =	sor.u32 $0xD0000000, s2;
	s6 =	simm.s32 $0x108;
	_ =	swait.ge @!p0 [sflag:s8], $0x0  }
0x24: {  	s3 =	sadd.s32 $0x88, s3;
	s6 =	simm.s32 @!p1 $0x1082;
	[sflag:s4] =	ssyncset.s32 $0xFFFFF086  }
0x25: {  	[simem:s6], [sflag:s4] =	dma.local [hbm:s3], $0xF7A  }
0x26: {  	[smem:$0x3F9B] =	sst s1;
	(tag) =	ssettag s2;
	_ =	strace s9  }
0x27: {  	s1 =	sld [smem:$0x3FAB]  }
0x28: {  	s2 =	sld [smem:$0x3FAC]  }
0x29: {  	s4 =	sld [smem:$0x3FAE]  }
0x2a: {  	p0 =	seq.s32 s5, $0x0;
	s5 =	sld [smem:$0x3FAF]  }
0x2b: {  	s6 =	sld [smem:$0x3FB0]  }
0x2c: {  	s7 =	sld [smem:$0x3FB1]  }
0x2d: {  	s3 =	simm.s32 $0x108;
	s8 =	sld [smem:$0x3FB2]  }
0x2e: {  	s3 =	simm.s32 @!p0 $0x1082;
	s9 =	sld [smem:$0x3FB3]  }
0x2f: {  	lr =	sadd.s32 s0, s3;
	s0 =	sld [smem:$0x3FAA]  }
0x30: {  	s3 =	sld [smem:$0x3FAD]  }
0x31: {  	[smem:$0x3FB6] =	sst s10  }
0x32: {  	s10 =	sld [smem:$0x3FB4];
	_ =	sdelay $0x3  }
0x33: {  	p0 =	seq.s32 s10, $0x1;
	s10 =	sld [smem:$0x3FB6];
	_ =	sdelay $0x3  }
0x34: {  	[smem:$0x3FB6] =	sst s10  }
0x35: {  	s10 =	sld [smem:$0x3FB5];
	_ =	sdelay $0x3  }
0x36: {  	p1 =	seq.s32 s10, $0x1;
	s10 =	sld [smem:$0x3FB6];
	_ =	sdelay $0x3  }
0x37: {  	[smem:$0x3FB6] =	sst s10  }
0x38: {  	s10 =	sld [smem:$0x3FB7]  }
0x39: {  	_ = 	snop;
	(pc) =	sbr.ind lr, $3  }
0x3a: {  	_ = 	snop  }
0x3b: {  	_ = 	snop  }
0x3c: {  	p2 =	seq.s32 s10, $0x1;
	s10 =	sld [smem:$0x3FB6]  }
0x3d: {  	_ =	shalt  }
0x3e: {  	_ =	shalt  }
0x3f: {  	_ =	shalt  }
0x40: {  	_ =	shalt  }
0x41: {  	_ =	shalt  }
0x42: {  	_ =	shalt  }
0x43: {  	_ =	shalt  }
0x44: {  	_ =	shalt  }
0x45: {  	_ =	shalt  }
0x46: {  	_ =	shalt  }
0x47: {  	_ =	shalt  }
0x48: {  	_ =	shalt  }
0x49: {  	_ =	shalt  }
0x4a: {  	_ =	shalt  }
0x4b: {  	_ =	shalt  }
0x4c: {  	_ =	shalt  }
0x4d: {  	_ =	shalt  }
0x4e: {  	_ =	shalt  }
0x4f: {  	_ =	shalt  }
0x50: {  	_ =	shalt  }
0x51: {  	_ =	shalt  }
0x52: {  	_ =	shalt  }
0x53: {  	_ =	shalt  }
0x54: {  	_ =	shalt  }
0x55: {  	_ =	shalt  }
0x56: {  	_ =	shalt  }
0x57: {  	_ =	shalt  }
0x58: {  	_ =	shalt  }
0x59: {  	_ =	shalt  }
0x5a: {  	_ =	shalt  }
0x5b: {  	_ =	shalt  }
0x5c: {  	_ =	shalt  }
0x5d: {  	_ =	shalt  }
0x5e: {  	_ =	shalt  }
0x5f: {  	_ =	shalt  }
0x60: {  	_ =	shalt  }
0x61: {  	_ =	shalt  }
0x62: {  	_ =	shalt  }
0x63: {  	_ =	shalt  }
0x64: {  	_ =	shalt  }
0x65: {  	_ =	shalt  }
0x66: {  	_ =	shalt  }
0x67: {  	_ =	shalt  }
0x68: {  	_ =	shalt  }
0x69: {  	_ =	shalt  }
0x6a: {  	_ =	shalt  }
0x6b: {  	_ =	shalt  }
0x6c: {  	_ =	shalt  }
0x6d: {  	_ =	shalt  }
0x6e: {  	_ =	shalt  }
0x6f: {  	_ =	shalt  }
0x70: {  	_ =	shalt  }
0x71: {  	_ =	shalt  }
0x72: {  	_ =	shalt  }
0x73: {  	_ =	shalt  }
0x74: {  	_ =	shalt  }
0x75: {  	_ =	shalt  }
0x76: {  	_ =	shalt  }
0x77: {  	_ =	shalt  }
0x78: {  	_ =	shalt  }
0x79: {  	_ =	shalt  }
0x7a: {  	_ =	shalt  }
0x7b: {  	_ =	shalt  }
0x7c: {  	_ =	shalt  }
0x7d: {  	_ =	shalt  }
0x7e: {  	_ =	shalt  }
0x7f: {  	_ =	shalt  }
0x80: {  	_ =	shalt  }
0x81: {  	_ =	shalt  }
0x82: {  	_ =	shalt  }
0x83: {  	_ =	shalt  }
0x84: {  	_ =	shalt  }
0x85: {  	_ =	shalt  }
0x86: {  	_ =	shalt  }
0x87: {  	_ =	shalt  }
.Lfunc_end0:
.L_simem_size_0:
called_computation.2_lowered:
.L_overlay_start_0:
0x88: {  	s2 =	sld [smem:$0x3FD9]  }
0x89: {  	s3 =	sld [smem:$0x3FFE];
	_ =	sdelay $0x1  }
0x8a: {  	s1 =	srdreg.scid  }
0x8b: {  	s0 =	sand.u32 $0x1, s1  }
0x8c: {  	s16 =	sshll.u32 s0, $0xA;
	s2 =	sadd.s32 s3, s2  }
0x8d: {  	s2 =	sadd.s32 s2, s16  }
0x8e: {  	[smem:$0x3FC2] =	sst s2  }
0x8f: {  	_ = 	snop  }
0x90: {  	(tm) =	ssettm $0x1  }
0x91: {  	s17 =	sld [smem:$0x3FFB];
	_ =	sdelay $0x3  }
0x92: {  	_ =	strace s17  }
0x93: {  	s2 =	sld [smem:$0x3FFC];
	_ =	sdelay $0x3  }
0x94: {  	_ =	strace s2  }
0x95: {  	s2 =	sld [smem:$0x3FFD];
	_ =	sdelay $0x3  }
0x96: {  	_ =	strace s2  }
0x97: {  	_ =	strace $0x8FFFFFFF  }
0x98: {  	s18 =	sld [smem:$0x3FDB];
	_ =	sdelay $0x1  }
0x99: {  	s19 =	simm.s32 $_scs_section_size  }
0x9a: {  	s4 =	simm.s32 $_size__tile_overlayer_lowered;
	s5 =	simm.s32 $_tile_overlayer_lowered  }
0x9b: {  	s22 =	simm.s32 $0x1BFF;
	s21 =	sshll.u32 s5, $0x1;
	s2 =	sadd.s32 s19, s18  }
0x9c: {  	s6 =	simm.s32 $0x0;
	s20 =	sshll.u32 s4, $0x1;
	s4 =	sadd.s32 s21, s2  }
0x9d: {  	[timem:s6], [sflag:s22] =	dma.local [hbm:s4], s20  }
0x9e: {  	_ =	swait.ge [sflag:s22], s20  }
0x9f: {  	s3 =	ssub.s32 $0x0, s20;
	[sflag:s22] =	ssyncset.done $0x0  }
0xa0: {  	[sflag:s22] =	ssyncadd.s32 s3;
	_ =	sdelay $0x1  }
0xa1: {  	s23 =	simm.s32 $0x1B8B  }
0xa2: {  	_ =	swait.ge [sflag:s23], $0x1  }
0xa3: {  	[sflag:s23] =	ssyncset.done $0x0  }
0xa4: {  	s25 =	simm.s32 $0x1B8E;
	s24 =	sld [smem:$0x3FFE];
	[sflag:s23] =	ssyncadd.s32 $0xFFFFFFFF  }
0xa5: {  	s26 =	simm.s32 $execute0_lowered;
	[smem:$0x3FD2] =	sst s25  }
0xa6: {  	s4 =	sshll.u32 s26, $0x1;
	_ =	strace $0x8000004C;
	[dreg:$0x1] =	wrdreg $0xFFFFFFFF  }
0xa7: {  	s28 =	simm.s32 $_size_execute0_lowered;
	s2 =	sadd.s32 s2, s4;
	[dreg:$0x0] =	wrdreg $0x0  }
0xa8: {  	s4 =	sshll.u32 s28, $0x1;
	[dreg:$0x2] =	wrdreg s2  }
0xa9: {  	[dreg:$0x3] =	wrdreg s4  }
0xaa: {  	[dreg:$0x4] =	wrdreg $0xC0  }
0xab: {  	_ =	task [dreg:s6], $0x5FFFF  }
0xac: {  	[dreg:$0x1] =	wrdreg $0xFFFFFFFF  }
0xad: {  	[dreg:$0x0] =	wrdreg $0x60  }
0xae: {  	[dreg:$0x2] =	wrdreg s24  }
0xaf: {  	[dreg:$0x3] =	wrdreg $0xD0000  }
0xb0: {  	[dreg:$0x4] =	wrdreg $0x9  }
0xb1: {  	_ =	task.clear_ibuf [dreg:s6], $0x5FFFF;
	_ =	strace $0x9000004C  }
0xb2: {  	s29 =	simm.s32 $0x9;
	_ =	strace $0x8000004E  }
0xb3: {  	_ =	swait.ge [sflag:s29], $0x1  }
0xb4: {  	[sflag:s29] =	ssyncadd.s32 $0xFFFFFFFF  }
0xb5: {  	_ =	strace $0x9000004E  }
0xb6: {  	_ =	sfence  }
0xb7: {  	s30 =	sld [smem:$0x0];
	_ =	sdelay $0x2  }
0xb8: {  	s31 =	sshll.u32 s1, $0xD;
	s1 =	sshrl.u32 s1, $0x2  }
0xb9: {  	s3 =	sand.u32 $0x4000, s31;
	s1 =	sadd.s32 s1, s30  }
0xba: {  	s0 =	sor.u32 s3, s0;
	s1 =	sshll.u32 s1, $0x11  }
0xbb: {  	s0 =	sor.u32 s1, s0  }
0xbc: {  	s0 =	sadd.s32 $0x8F2B, s0  }
0xbd: {  	[sflag:s0] =	ssyncadd.remote.s32 $0x1  }
0xbe: {  	_ =	sfence.sel $0xFFFF  }
0xbf: {  	[dreg:$0x0] =	wrdreg $0xFFFFFFFF;
	(pc) =	sbr.abs _section_cstart, $3  }
0xc0: {  	[dreg:$0x1] =	wrdreg $0xFFFFFFFF  }
0xc1: {  	_ =	task.clear_ibuf [dreg:s6], $0x2FFFF;
	_ =	strace $0x9FFFFFFF  }
0xc2: {  	(tm) =	ssettm $0x7FFFFFFF  }
0xc3: {  	_ =	shalt  }
tec
execute0_lowered:
.L_overlay_start_1:
0x0: {  	(tag) =	ssettag $0x1  }
0x1: {  	s0 =	srdreg.scid;
	s1 =	rddreg [dreg:$0x0]  }
0x2: {  	s2 =	rddreg [dreg:$0x1];
	s11 =	stileid.u32  }
0x3: {  	s4 =	simm.s32 $0x0;
	s15 =	simm.s32 $0x9;
	s16 =	simm.s32 $0x80  }
0x4: {  	s17 =	simm.s32 $0x5000;
	s18 =	simm.s32 $0x7000;
	s20 =	simm.s32 $0x9000  }
0x5: {  	s22 =	simm.s32 $0xB000;
	s23 =	simm.s32 $0x1;
	s25 =	simm.s32 $0x2  }
0x6: {  	s28 =	simm.s32 $0x3;
	s30 =	simm.s32 $0x4;
	s31 =	simm.s32 $0x2980  }
0x7: {  	s19 =	simm.s32 $0x8;
	s21 =	simm.s32 $0x0;
	s0 =	sand.u32 $0x1, s0  }
0x8: {  	[smem:$0x7FF] =	sst s4;
	s6 =	smul.u32 $0xA000, s11;
	s4 =	sadd.s32 $0x3F800, s1  }
0x9: {  	s29 =	sshll.u32 s11, $0x6;
	s3 =	sshll.u32 s0, $0x4;
	_ =	strace $0x8000004D  }
0xa: {  	s7 =	ssub.s32 $0x2, s0;
	p0 =	seq.s32 s0, $0x1;
	s0 =	simm.s32 $0x53800  }
0xb: {  	s3 =	sor.u32 s11, s3;
	s8 =	sshrl.u32 s6, $0x3;
	s10 =	sshrl.u32 s7, $0x1  }
0xc: {  	s14 =	sadd.s32 s6, s2;
	s11 =	sadd.s32 $0x16940, s1;
	s0 =	simm.s32 @!p0 $0x67800  }
0xd: {  	s5 =	smul.u32 $0x2800, s3;
	s13 =	sadd.s32 s8, s1;
	s12 =	ssub.s32 s7, s10  }
0xe: {  	s7 =	sor.u32 $0x1C09, s29;
	s10 =	sadd.s32 $0xCD00, s1;
	p0 =	seq.s32 s3, $0x1F  }
0xf: {  	s14 =	sshrl.u32 s14, $0x3;
	s3 =	simm.s32 $0x7;
	s6 =	sadd.s32 $0x8F800, s13  }
0x10: {  	s12 =	smax.u32 s12, $0x1;
	s13 =	sadd.s32 s0, s13;
	s5 =	sshrl.u32 s5, $0x3  }
0x11: {  	s0 =	simm.s32 $0x5;
	s9 =	sadd.s32 s5, s1;
	s5 =	sadd.s32 $0x17400, s1  }
0x12: {  	s1 =	simm.s32 $0x6;
	s8 =	sadd.s32 $0x3200, s9;
	s9 =	sadd.s32 $0xCE40, s9  }
.LBB2_1:
0x13: {  	[spmem:s14], [sflag:s7] =	dma.local [hbm:s6], $0x1400  }
0x14: {  	_ =	swait.ge [sflag:s15], $0x1400  }
0x15: {  	[sflag:s15] =	ssyncset.done $0x0  }
0x16: {  	s24 =	simm.s32 @p0 $0x0;
	s26 =	simm.s32 @p0 $0x9;
	[sflag:s15] =	ssyncadd.s32 $0xFFFFEC00  }
0x17: {  	[tilespmem:s24], [sflag:$0x9] =	stream.linear.gather @p0 [hbm4b:s10+s24], $0xA00, $0x38;
	[tilespmem:$0x17000] =	vst v63  }
0x18: {  	_ =	swait.ge @p0 [sflag:s26], $0xA00  }
0x19: {  	[sflag:s26] =	ssyncset.done @p0 $0x0  }
0x1a: {  	s29 =	simm.s32 @p0 $0xA00;
	[sflag:s26] =	ssyncadd.s32 @p0 $0xFFFFF600  }
0x1b: {  	[tilespmem:s29], [sflag:$0x9] =	stream.linear.gather @p0 [hbm4b:s5+s24], $0x1E00, $0x38;
	[tilespmem:$0x17000] =	vst v63  }
0x1c: {  	_ =	swait.ge @p0 [sflag:s26], $0x1E00  }
0x1d: {  	[sflag:s26] =	ssyncset.done @p0 $0x0  }
0x1e: {  	s29 =	simm.s32 @p0 $0x2800;
	[sflag:s26] =	ssyncadd.s32 @p0 $0xFFFFE200  }
0x1f: {  	[tilespmem:s29], [sflag:$0x9] =	stream.linear.gather @p0 [hbm4b:s11+s24], $0xA00, $0x38;
	[tilespmem:$0x17000] =	vst v63  }
0x20: {  	_ =	swait.ge @p0 [sflag:s26], $0xA00  }
0x21: {  	[sflag:s26] =	ssyncset.done @p0 $0x0  }
0x22: {  	s29 =	simm.s32 @p0 $0x3200;
	[sflag:s26] =	ssyncadd.s32 @p0 $0xFFFFF600  }
0x23: {  	[tilespmem:s29], [sflag:$0x9] =	stream.linear.gather @p0 [hbm4b:s5+s24], $0x1E00, $0x38;
	[tilespmem:$0x17000] =	vst v63  }
0x24: {  	_ =	swait.ge @p0 [sflag:s26], $0x1E00  }
0x25: {  	[sflag:s26] =	ssyncset.done @p0 $0x0  }
0x26: {  	s24 =	simm.s32 @!p0 $0x0;
	[sflag:s26] =	ssyncadd.s32 @p0 $0xFFFFE200;
	s26 =	simm.s32 @!p0 $0x9  }
0x27: {  	[tilespmem:s24], [sflag:$0x9] =	stream.linear.gather @!p0 [hbm4b:s8+s24], $0x2800, $0x38;
	[tilespmem:$0x17000] =	vst v63  }
0x28: {  	_ =	swait.ge @!p0 [sflag:s26], $0x2800  }
0x29: {  	[sflag:s26] =	ssyncset.done @!p0 $0x0  }
0x2a: {  	s29 =	simm.s32 @!p0 $0x2800;
	[sflag:s26] =	ssyncadd.s32 @!p0 $0xFFFFD800  }
0x2b: {  	[tilespmem:s29], [sflag:$0x9] =	stream.linear.gather @!p0 [hbm4b:s9+s24], $0x2800, $0x38;
	[tilespmem:$0x17000] =	vst v63  }
0x2c: {  	_ =	swait.ge @!p0 [sflag:s26], $0x2800  }
0x2d: {  	[sflag:s26] =	ssyncset.done @!p0 $0x0  }
0x2e: {  	[sflag:s26] =	ssyncadd.s32 @!p0 $0xFFFFD800  }
0x2f: {  	s29 =	simm.s32 $0x0;
	[bflag:$0x0] =	sbarrier.arrive $0xFFFF  }
0x30: {  	[tilespmem:s17], [sflag:$0x1] =	stream.indirect.gather [hbm4b:s4+s16], $0x40, s29, s16, $0xb8;
	[tilespmem:$0x17000] =	vst v63  }
0x31: {  	_ = 	snop  }
0x32: {  	[tilespmem:s18], [sflag:$0x2] =	stream.indirect.gather [hbm4b:s4+s16], $0x40, s16, s16, $0xb8;
	[tilespmem:$0x17000] =	vst v63  }
0x33: {  	s26 =	simm.s32 $0x100  }
0x34: {  	[tilespmem:s20], [sflag:$0x3] =	stream.indirect.gather [hbm4b:s4+s16], $0x40, s26, s16, $0xb8;
	[tilespmem:$0x17000] =	vst v63  }
0x35: {  	s29 =	simm.s32 $0x180  }
0x36: {  	[tilespmem:s22], [sflag:$0x4] =	stream.indirect.gather [hbm4b:s4+s16], $0x40, s29, s16, $0xb8;
	[tilespmem:$0x17000] =	vst v63  }
0x37: {  	_ =	swait.ge [sflag:s23], $0x2000  }
0x38: {  	[sflag:s23] =	ssyncset.done $0x0  }
0x39: {  	s26 =	simm.s32 $0x2800;
	[sflag:s23] =	ssyncadd.s32 $0xFFFFE000  }
0x3a: {  	[spmem:s2] =	stream.indirect.scatter.add.f32 [tilespmem:s17], [sflag:$0x5], $0x40, s26, s16, $0xb8;
	[tilespmem:$0x17000] =	vst v63  }
0x3b: {  	_ =	swait.ge [sflag:s25], $0x2000  }
0x3c: {  	[sflag:s25] =	ssyncset.done $0x0  }
0x3d: {  	s29 =	simm.s32 $0x2880;
	[sflag:s25] =	ssyncadd.s32 $0xFFFFE000  }
0x3e: {  	[spmem:s2] =	stream.indirect.scatter.add.f32 [tilespmem:s18], [sflag:$0x6], $0x40, s29, s16, $0xb8;
	[tilespmem:$0x17000] =	vst v63  }
0x3f: {  	_ =	swait.ge [sflag:s28], $0x2000  }
0x40: {  	[sflag:s28] =	ssyncset.done $0x0  }
0x41: {  	s26 =	simm.s32 $0x2900;
	[sflag:s28] =	ssyncadd.s32 $0xFFFFE000  }
0x42: {  	[spmem:s2] =	stream.indirect.scatter.add.f32 [tilespmem:s20], [sflag:$0x7], $0x40, s26, s16, $0xb8;
	[tilespmem:$0x17000] =	vst v63  }
0x43: {  	_ =	swait.ge [sflag:s30], $0x2000  }
0x44: {  	[sflag:s30] =	ssyncset.done $0x0  }
0x45: {  	[sflag:s30] =	ssyncadd.s32 $0xFFFFE000  }
0x46: {  	[spmem:s2] =	stream.indirect.scatter.add.f32 [tilespmem:s22], [sflag:$0x8], $0x40, s31, s16, $0xb8;
	[tilespmem:$0x17000] =	vst v63  }
0x47: {  	_ =	swait.ge [sflag:s0], $0x2000  }
0x48: {  	[sflag:s0] =	ssyncset.done $0x0  }
0x49: {  	s29 =	simm.s32 $0x200;
	[sflag:s0] =	ssyncadd.s32 $0xFFFFE000  }
0x4a: {  	[tilespmem:s17], [sflag:$0x1] =	stream.indirect.gather [hbm4b:s4+s16], $0x40, s29, s16, $0xb8;
	[tilespmem:$0x17000] =	vst v63  }
0x4b: {  	_ =	swait.ge [sflag:s1], $0x2000  }
0x4c: {  	[sflag:s1] =	ssyncset.done $0x0  }
0x4d: {  	s26 =	simm.s32 $0x280;
	[sflag:s1] =	ssyncadd.s32 $0xFFFFE000  }
0x4e: {  	[tilespmem:s18], [sflag:$0x2] =	stream.indirect.gather [hbm4b:s4+s16], $0x40, s26, s16, $0xb8;
	[tilespmem:$0x17000] =	vst v63  }
0x4f: {  	_ =	swait.ge [sflag:s3], $0x2000  }
0x50: {  	[sflag:s3] =	ssyncset.done $0x0  }
0x51: {  	s29 =	simm.s32 $0x300;
	[sflag:s3] =	ssyncadd.s32 $0xFFFFE000  }
0x52: {  	[tilespmem:s20], [sflag:$0x3] =	stream.indirect.gather [hbm4b:s4+s16], $0x40, s29, s16, $0xb8;
	[tilespmem:$0x17000] =	vst v63  }
0x53: {  	_ =	swait.ge [sflag:s19], $0x2000  }
0x54: {  	[sflag:s19] =	ssyncset.done $0x0  }
0x55: {  	s26 =	simm.s32 $0x380;
	[sflag:s19] =	ssyncadd.s32 $0xFFFFE000  }
0x56: {  	[tilespmem:s22], [sflag:$0x4] =	stream.indirect.gather [hbm4b:s4+s16], $0x40, s26, s16, $0xb8;
	[tilespmem:$0x17000] =	vst v63  }
0x57: {  	_ =	swait.ge [sflag:s23], $0x2000  }
0x58: {  	[sflag:s23] =	ssyncset.done $0x0  }
0x59: {  	s29 =	simm.s32 $0x2A00;
	[sflag:s23] =	ssyncadd.s32 $0xFFFFE000  }
0x5a: {  	[spmem:s2] =	stream.indirect.scatter.add.f32 [tilespmem:s17], [sflag:$0x5], $0x40, s29, s16, $0xb8;
	[tilespmem:$0x17000] =	vst v63  }
0x5b: {  	_ =	swait.ge [sflag:s25], $0x2000  }
0x5c: {  	[sflag:s25] =	ssyncset.done $0x0  }
0x5d: {  	s26 =	simm.s32 $0x2A80;
	[sflag:s25] =	ssyncadd.s32 $0xFFFFE000  }
0x5e: {  	[spmem:s2] =	stream.indirect.scatter.add.f32 [tilespmem:s18], [sflag:$0x6], $0x40, s26, s16, $0xb8;
	[tilespmem:$0x17000] =	vst v63  }
0x5f: {  	_ =	swait.ge [sflag:s28], $0x2000  }
0x60: {  	[sflag:s28] =	ssyncset.done $0x0  }
0x61: {  	s29 =	simm.s32 $0x2B00;
	[sflag:s28] =	ssyncadd.s32 $0xFFFFE000  }
0x62: {  	[spmem:s2] =	stream.indirect.scatter.add.f32 [tilespmem:s20], [sflag:$0x7], $0x40, s29, s16, $0xb8;
	[tilespmem:$0x17000] =	vst v63  }
0x63: {  	_ =	swait.ge [sflag:s30], $0x2000  }
0x64: {  	[sflag:s30] =	ssyncset.done $0x0  }
0x65: {  	s24 =	simm.s32 $0x800;
	s26 =	simm.s32 $0x2B80;
	[sflag:s30] =	ssyncadd.s32 $0xFFFFE000  }
.LBB2_2:
0x66: {  	[spmem:s2] =	stream.indirect.scatter.add.f32 [tilespmem:s22], [sflag:$0x8], $0x40, s26, s16, $0xb8;
	[tilespmem:$0x17000] =	vst v63  }
0x67: {  	s26 =	smov.u32 s24  }
0x68: {  	p1 =	sne.s32 s24, $0x9000;
	s24 =	sadd.s32 $0x800, s24;
	_ =	swait.ge [sflag:s0], $0x2000  }
0x69: {  	s26 =	sshra.s32 s26, $0x2;
	[sflag:s0] =	ssyncset.done $0x0  }
0x6a: {  	s29 =	sadd.s32 $0x200, s26;
	[sflag:s0] =	ssyncadd.s32 $0xFFFFE000  }
0x6b: {  	[tilespmem:s17], [sflag:$0x1] =	stream.indirect.gather [hbm4b:s4+s16], $0x40, s29, s16, $0xb8;
	[tilespmem:$0x17000] =	vst v63  }
0x6c: {  	_ =	swait.ge [sflag:s1], $0x2000  }
0x6d: {  	[sflag:s1] =	ssyncset.done $0x0  }
0x6e: {  	s29 =	sadd.s32 $0x280, s26;
	[sflag:s1] =	ssyncadd.s32 $0xFFFFE000  }
0x6f: {  	[tilespmem:s18], [sflag:$0x2] =	stream.indirect.gather [hbm4b:s4+s16], $0x40, s29, s16, $0xb8;
	[tilespmem:$0x17000] =	vst v63  }
0x70: {  	_ =	swait.ge [sflag:s3], $0x2000  }
0x71: {  	[sflag:s3] =	ssyncset.done $0x0  }
0x72: {  	s29 =	sadd.s32 $0x300, s26;
	[sflag:s3] =	ssyncadd.s32 $0xFFFFE000  }
0x73: {  	[tilespmem:s20], [sflag:$0x3] =	stream.indirect.gather [hbm4b:s4+s16], $0x40, s29, s16, $0xb8;
	[tilespmem:$0x17000] =	vst v63  }
0x74: {  	_ =	swait.ge [sflag:s19], $0x2000  }
0x75: {  	[sflag:s19] =	ssyncset.done $0x0  }
0x76: {  	s29 =	sadd.s32 $0x380, s26;
	[sflag:s19] =	ssyncadd.s32 $0xFFFFE000  }
0x77: {  	[tilespmem:s22], [sflag:$0x4] =	stream.indirect.gather [hbm4b:s4+s16], $0x40, s29, s16, $0xb8;
	[tilespmem:$0x17000] =	vst v63  }
0x78: {  	_ =	swait.ge [sflag:s23], $0x2000  }
0x79: {  	[sflag:s23] =	ssyncset.done $0x0  }
0x7a: {  	s29 =	sadd.s32 $0x2A00, s26;
	[sflag:s23] =	ssyncadd.s32 $0xFFFFE000  }
0x7b: {  	[spmem:s2] =	stream.indirect.scatter.add.f32 [tilespmem:s17], [sflag:$0x5], $0x40, s29, s16, $0xb8;
	[tilespmem:$0x17000] =	vst v63  }
0x7c: {  	_ =	swait.ge [sflag:s25], $0x2000  }
0x7d: {  	[sflag:s25] =	ssyncset.done $0x0  }
0x7e: {  	s29 =	sadd.s32 $0x2A80, s26;
	[sflag:s25] =	ssyncadd.s32 $0xFFFFE000  }
0x7f: {  	[spmem:s2] =	stream.indirect.scatter.add.f32 [tilespmem:s18], [sflag:$0x6], $0x40, s29, s16, $0xb8;
	[tilespmem:$0x17000] =	vst v63  }
0x80: {  	_ =	swait.ge [sflag:s28], $0x2000  }
0x81: {  	[sflag:s28] =	ssyncset.done $0x0  }
.Ltmp0:
0x82: {  	s29 =	sadd.s32 $0x2B00, s26;
	[sflag:s28] =	ssyncadd.s32 $0xFFFFE000;
	(pc) =	sbr.rel @p1 .LBB2_2-.Ltmp0, $4  }
0x83: {  	[spmem:s2] =	stream.indirect.scatter.add.f32 [tilespmem:s20], [sflag:$0x7], $0x40, s29, s16, $0xb8;
	[tilespmem:$0x17000] =	vst v63  }
0x84: {  	_ =	swait.ge [sflag:s30], $0x2000  }
0x85: {  	[sflag:s30] =	ssyncset.done $0x0  }
0x86: {  	s26 =	sadd.s32 $0x2B80, s26;
	[sflag:s30] =	ssyncadd.s32 $0xFFFFE000  }
0x87: {  	[spmem:s2] =	stream.indirect.scatter.add.f32 [tilespmem:s22], [sflag:$0x8], $0x40, s26, s16, $0xb8;
	[tilespmem:$0x17000] =	vst v63  }
0x88: {  	_ =	swait.ge [sflag:s0], $0x2000  }
0x89: {  	[sflag:s0] =	ssyncset.done $0x0  }
0x8a: {  	[sflag:s0] =	ssyncadd.s32 $0xFFFFE000  }
0x8b: {  	_ =	swait.ge [sflag:s1], $0x2000  }
0x8c: {  	[sflag:s1] =	ssyncset.done $0x0  }
0x8d: {  	[sflag:s1] =	ssyncadd.s32 $0xFFFFE000  }
0x8e: {  	_ =	swait.ge [sflag:s3], $0x2000  }
0x8f: {  	[sflag:s3] =	ssyncset.done $0x0  }
0x90: {  	[sflag:s3] =	ssyncadd.s32 $0xFFFFE000  }
0x91: {  	_ =	swait.ge [sflag:s19], $0x2000  }
0x92: {  	s21 =	sadd.s32 $0x1, s21;
	[sflag:s19] =	ssyncset.done $0x0  }
0x93: {  	p1 =	sne.s32 s21, s12;
	[sflag:s19] =	ssyncadd.s32 $0xFFFFE000  }
.Ltmp1:
0x94: {  	[bflag:$0x0] =	sbarrier.arrive $0xFFFF;
	(pc) =	sbr.rel @p1 .LBB2_1-.Ltmp1, $4  }
0x95: {  	[hbm:s13], [sflag:s7] =	dma.local [spmem:s14], $0x1400  }
0x96: {  	_ =	swait.ge [sflag:s15], $0x1400  }
0x97: {  	[sflag:s15] =	ssyncset.done $0x0  }
0x98: {  	[sflag:s15] =	ssyncadd.s32 $0xFFFFEC00  }
0x99: {  	_ =	sfence.sel $0x180000  }
0x9a: {  	[bflag:$0x0] =	sbarrier.arrive $0xFFFF  }
0x9b: {  	_ =	strace $0x9000004D  }
0x9c: {  	s0 =	stileid.u32;
	[bflag:$0x2] =	sbarrier.arrive $0xFFFF  }
0x9d: {  	p0 =	sne.s32 s0, $0x0;
	s0 =	rddreg [dreg:$0x2]  }
0x9e: {  	s0 =	sadd.s32 @!p0 $0x100000, s0  }
0x9f: {  	[sflag:s0] =	ssyncadd.tile.s32 @!p0 $0x1;
	_ =	shalt  }
.Lfunc_end2:
_tile_overlayer_lowered:
.L_overlay_start_2:
0xa0: {  	(tag) =	ssettag $0x2  }
0xa1: {  	s0 =	rddreg [dreg:$0x0];
	s2 =	stileid.u32  }
0xa2: {  	s1 =	rddreg [dreg:$0x1];
	p0 =	sne.s32 s2, $0x0  }
0xa3: {  	s3 =	rddreg [dreg:$0x2];
	[bflag:$0x3] =	sbarrier.arrive $0xFFFF;
	s2 =	simm.s32 @!p0 $0x1C09  }
0xa4: {  	[timem:s3], [sflag:s2] =	dma.local @!p0 [hbm:s0], s1  }
0xa5: {  	s0 =	simm.s32 @!p0 $0x9  }
0xa6: {  	_ =	swait.ge @!p0 [sflag:s0], s1  }
0xa7: {  	s1 =	ssub.s32 @!p0 $0x0, s1;
	[sflag:s0] =	ssyncset.done @!p0 $0x0  }
0xa8: {  	[sflag:s0] =	ssyncadd.s32 @!p0 s1  }
0xa9: {  	[bflag:$0x3] =	sbarrier.arrive $0xFFFF  }
0xaa: {  	_ =	shalt  }

// kernel: kernel.8.cloned.1.call-start
scs
__scs_entry_jumppad:
0x0: {  	(pc) =	sbr.rel $0x88, $3  }
0x1: {  	(tag) =	ssettag $0x0;
	lr =	simm.s32 $0x1  }
0x2: {  	[smem:$0x3F9B] =	sst lr;
	_ =	strace $0xD0000000  }
0x3: {  	_ = 	snop  }
0x4: {  	_ = 	snop  }
0x5: {  	_ = 	snop  }
0x6: {  	_ = 	snop  }
0x7: {  	_ = 	snop  }
__scs_overlays_trampoline_lowered:
0x8: {  	[smem:$0x3FAA] =	sst s0  }
0x9: {  	[smem:$0x3FAB] =	sst s1  }
0xa: {  	[smem:$0x3FAC] =	sst s2  }
0xb: {  	[smem:$0x3FAD] =	sst s3  }
0xc: {  	[smem:$0x3FAE] =	sst s4  }
0xd: {  	[smem:$0x3FAF] =	sst s5  }
0xe: {  	[smem:$0x3FB0] =	sst s6  }
0xf: {  	[smem:$0x3FB1] =	sst s7  }
0x10: {  	[smem:$0x3FB2] =	sst s8  }
0x11: {  	[smem:$0x3FB3] =	sst s9;
	s0 =	simm.s32 @!p0 $0x0  }
0x12: {  	s1 =	sld [smem:$0x3F99];
	s0 =	simm.s32 @p0 $0x1  }
0x13: {  	[smem:$0x3FB4] =	sst s0;
	s0 =	simm.s32 @!p1 $0x0  }
0x14: {  	s2 =	sld [smem:$0x3F98];
	s0 =	simm.s32 @p1 $0x1  }
0x15: {  	[smem:$0x3FB5] =	sst s0;
	s0 =	simm.s32 @!p2 $0x0  }
0x16: {  	s3 =	sld [smem:$0x3FDB];
	s0 =	simm.s32 @p2 $0x1  }
0x17: {  	s4 =	simm.s32 $0x1BF5;
	[smem:$0x3FB7] =	sst s0  }
0x18: {  	s0 =	sld [smem:$0x3F9A];
	_ =	swait.ge [sflag:s4], $0x0  }
0x19: {  	s7 =	sld [smem:$0x3F9B]  }
0x1a: {  	s8 =	sadd.s32 $0xFFFFE003, lr  }
0x1b: {  	s9 =	sadd.s32 $0xFFFFFEF7, lr;
	s5 =	simm.s32 $0xFFFFFFFF;
	p2 =	slt.u32 s8, $0xFFFFF086  }
0x1c: {  	p1 =	slt.u32 s9, $0xF7A;
	s5 =	simm.s32 @!p2 $0x0  }
0x1d: {  	s5 =	simm.s32 @p1 $0x1;
	p0 =	seq.s32 s7, s2  }
0x1e: {  	s7 =	smul.u32 @!p0 $0xF7A, s2;
	p2 =	seq.s32 @!p0 s5, $0x0  }
0x1f: {  	s9 =	smul.u32 $0xF7A, s1;
	s8 =	simm.s32 @!p0 $0x1BF5;
	p2 =	por !p2, p0  }
0x20: {  	[sflag:s8] =	ssyncset.s32 @!p0 $0xFFFFF086;
	s6 =	sadd.s32 @!p0 s3, s7;
	s7 =	simm.s32 @!p0 $0x108  }
0x21: {  	s3 =	sadd.s32 s3, s9;
	s6 =	sadd.s32 @!p0 $0x88, s6;
	s7 =	simm.s32 @p2 $0x1082  }
0x22: {  	[simem:s7], [sflag:s8] =	dma.local @!p0 [hbm:s6], $0xF7A  }
0x23: {  	s9 =	sor.u32 $0xD0000000, s2;
	s6 =	simm.s32 $0x108;
	_ =	swait.ge @!p0 [sflag:s8], $0x0  }
0x24: {  	s3 =	sadd.s32 $0x88, s3;
	s6 =	simm.s32 @!p1 $0x1082;
	[sflag:s4] =	ssyncset.s32 $0xFFFFF086  }
0x25: {  	[simem:s6], [sflag:s4] =	dma.local [hbm:s3], $0xF7A  }
0x26: {  	[smem:$0x3F9B] =	sst s1;
	(tag) =	ssettag s2;
	_ =	strace s9  }
0x27: {  	s1 =	sld [smem:$0x3FAB]  }
0x28: {  	s2 =	sld [smem:$0x3FAC]  }
0x29: {  	s4 =	sld [smem:$0x3FAE]  }
0x2a: {  	p0 =	seq.s32 s5, $0x0;
	s5 =	sld [smem:$0x3FAF]  }
0x2b: {  	s6 =	sld [smem:$0x3FB0]  }
0x2c: {  	s7 =	sld [smem:$0x3FB1]  }
0x2d: {  	s3 =	simm.s32 $0x108;
	s8 =	sld [smem:$0x3FB2]  }
0x2e: {  	s3 =	simm.s32 @!p0 $0x1082;
	s9 =	sld [smem:$0x3FB3]  }
0x2f: {  	lr =	sadd.s32 s0, s3;
	s0 =	sld [smem:$0x3FAA]  }
0x30: {  	s3 =	sld [smem:$0x3FAD]  }
0x31: {  	[smem:$0x3FB6] =	sst s10  }
0x32: {  	s10 =	sld [smem:$0x3FB4];
	_ =	sdelay $0x3  }
0x33: {  	p0 =	seq.s32 s10, $0x1;
	s10 =	sld [smem:$0x3FB6];
	_ =	sdelay $0x3  }
0x34: {  	[smem:$0x3FB6] =	sst s10  }
0x35: {  	s10 =	sld [smem:$0x3FB5];
	_ =	sdelay $0x3  }
0x36: {  	p1 =	seq.s32 s10, $0x1;
	s10 =	sld [smem:$0x3FB6];
	_ =	sdelay $0x3  }
0x37: {  	[smem:$0x3FB6] =	sst s10  }
0x38: {  	s10 =	sld [smem:$0x3FB7]  }
0x39: {  	_ = 	snop;
	(pc) =	sbr.ind lr, $3  }
0x3a: {  	_ = 	snop  }
0x3b: {  	_ = 	snop  }
0x3c: {  	p2 =	seq.s32 s10, $0x1;
	s10 =	sld [smem:$0x3FB6]  }
0x3d: {  	_ =	shalt  }
0x3e: {  	_ =	shalt  }
0x3f: {  	_ =	shalt  }
0x40: {  	_ =	shalt  }
0x41: {  	_ =	shalt  }
0x42: {  	_ =	shalt  }
0x43: {  	_ =	shalt  }
0x44: {  	_ =	shalt  }
0x45: {  	_ =	shalt  }
0x46: {  	_ =	shalt  }
0x47: {  	_ =	shalt  }
0x48: {  	_ =	shalt  }
0x49: {  	_ =	shalt  }
0x4a: {  	_ =	shalt  }
0x4b: {  	_ =	shalt  }
0x4c: {  	_ =	shalt  }
0x4d: {  	_ =	shalt  }
0x4e: {  	_ =	shalt  }
0x4f: {  	_ =	shalt  }
0x50: {  	_ =	shalt  }
0x51: {  	_ =	shalt  }
0x52: {  	_ =	shalt  }
0x53: {  	_ =	shalt  }
0x54: {  	_ =	shalt  }
0x55: {  	_ =	shalt  }
0x56: {  	_ =	shalt  }
0x57: {  	_ =	shalt  }
0x58: {  	_ =	shalt  }
0x59: {  	_ =	shalt  }
0x5a: {  	_ =	shalt  }
0x5b: {  	_ =	shalt  }
0x5c: {  	_ =	shalt  }
0x5d: {  	_ =	shalt  }
0x5e: {  	_ =	shalt  }
0x5f: {  	_ =	shalt  }
0x60: {  	_ =	shalt  }
0x61: {  	_ =	shalt  }
0x62: {  	_ =	shalt  }
0x63: {  	_ =	shalt  }
0x64: {  	_ =	shalt  }
0x65: {  	_ =	shalt  }
0x66: {  	_ =	shalt  }
0x67: {  	_ =	shalt  }
0x68: {  	_ =	shalt  }
0x69: {  	_ =	shalt  }
0x6a: {  	_ =	shalt  }
0x6b: {  	_ =	shalt  }
0x6c: {  	_ =	shalt  }
0x6d: {  	_ =	shalt  }
0x6e: {  	_ =	shalt  }
0x6f: {  	_ =	shalt  }
0x70: {  	_ =	shalt  }
0x71: {  	_ =	shalt  }
0x72: {  	_ =	shalt  }
0x73: {  	_ =	shalt  }
0x74: {  	_ =	shalt  }
0x75: {  	_ =	shalt  }
0x76: {  	_ =	shalt  }
0x77: {  	_ =	shalt  }
0x78: {  	_ =	shalt  }
0x79: {  	_ =	shalt  }
0x7a: {  	_ =	shalt  }
0x7b: {  	_ =	shalt  }
0x7c: {  	_ =	shalt  }
0x7d: {  	_ =	shalt  }
0x7e: {  	_ =	shalt  }
0x7f: {  	_ =	shalt  }
0x80: {  	_ =	shalt  }
0x81: {  	_ =	shalt  }
0x82: {  	_ =	shalt  }
0x83: {  	_ =	shalt  }
0x84: {  	_ =	shalt  }
0x85: {  	_ =	shalt  }
0x86: {  	_ =	shalt  }
0x87: {  	_ =	shalt  }
.Lfunc_end0:
.L_simem_size_0:
called_computation_lowered:
.L_overlay_start_0:
0x88: {  	s2 =	sld [smem:$0x3FD9]  }
0x89: {  	s3 =	sld [smem:$0x3FFE];
	_ =	sdelay $0x1  }
0x8a: {  	s1 =	srdreg.scid  }
0x8b: {  	s0 =	sand.u32 $0x1, s1  }
0x8c: {  	s17 =	sshll.u32 s0, $0xA;
	s2 =	sadd.s32 s3, s2  }
0x8d: {  	s2 =	sadd.s32 s2, s17  }
0x8e: {  	[smem:$0x3FC2] =	sst s2  }
0x8f: {  	_ = 	snop  }
0x90: {  	s2 =	sld [smem:$0x3FD0];
	(tm) =	ssettm $0x1  }
0x91: {  	s18 =	sld [smem:$0x3FFB];
	_ =	sdelay $0x3  }
0x92: {  	_ =	strace s18  }
0x93: {  	s3 =	sld [smem:$0x3FFC];
	_ =	sdelay $0x3  }
0x94: {  	_ =	strace s3  }
0x95: {  	s3 =	sld [smem:$0x3FFD];
	_ =	sdelay $0x3  }
0x96: {  	_ =	strace s3  }
0x97: {  	_ =	strace $0x8FFFFFFF  }
0x98: {  	s19 =	sld [smem:$0x3FDB];
	_ =	sdelay $0x1  }
0x99: {  	s4 =	simm.s32 $_scs_section_size  }
0x9a: {  	s5 =	simm.s32 $_size__tile_overlayer_lowered;
	s6 =	simm.s32 $_tile_overlayer_lowered  }
0x9b: {  	s22 =	simm.s32 $0x1BFF;
	s21 =	sshll.u32 s6, $0x1;
	s3 =	sadd.s32 s4, s19  }
0x9c: {  	s7 =	simm.s32 $0x0;
	s20 =	sshll.u32 s5, $0x1;
	s5 =	sadd.s32 s21, s3  }
0x9d: {  	[timem:s7], [sflag:s22] =	dma.local [hbm:s5], s20  }
0x9e: {  	_ =	swait.ge [sflag:s22], s20  }
0x9f: {  	s4 =	ssub.s32 $0x0, s20;
	[sflag:s22] =	ssyncset.done $0x0  }
0xa0: {  	[sflag:s22] =	ssyncadd.s32 s4;
	_ =	sdelay $0x1  }
0xa1: {  	s23 =	simm.s32 $0x1B8B  }
0xa2: {  	_ =	swait.ge [sflag:s23], $0x1  }
0xa3: {  	[sflag:s23] =	ssyncset.done $0x0  }
0xa4: {  	s25 =	simm.s32 $0x1B8E;
	s24 =	sld [smem:$0x3FFE];
	[sflag:s23] =	ssyncadd.s32 $0xFFFFFFFF  }
0xa5: {  	s26 =	simm.s32 $execute0_lowered;
	[smem:$0x3FD2] =	sst s25  }
0xa6: {  	s5 =	sshll.u32 s26, $0x1;
	_ =	strace $0x80000046;
	[dreg:$0x1] =	wrdreg $0xFFFFFFFF  }
0xa7: {  	s28 =	simm.s32 $_size_execute0_lowered;
	s3 =	sadd.s32 s3, s5;
	[dreg:$0x0] =	wrdreg $0x0  }
0xa8: {  	s5 =	sshll.u32 s28, $0x1;
	[dreg:$0x2] =	wrdreg s3  }
0xa9: {  	[dreg:$0x3] =	wrdreg s5  }
0xaa: {  	[dreg:$0x4] =	wrdreg $0xC0  }
0xab: {  	_ =	task [dreg:s7], $0x5FFFF  }
0xac: {  	[dreg:$0x1] =	wrdreg $0xFFFFFFFF  }
0xad: {  	[dreg:$0x0] =	wrdreg $0x60  }
0xae: {  	[dreg:$0x2] =	wrdreg s24  }
0xaf: {  	[dreg:$0x3] =	wrdreg s2  }
0xb0: {  	[dreg:$0x4] =	wrdreg $0x2C000  }
0xb1: {  	[dreg:$0x5] =	wrdreg $0x9  }
0xb2: {  	_ =	task.clear_ibuf [dreg:s7], $0x6FFFF;
	_ =	strace $0x90000046  }
0xb3: {  	s29 =	simm.s32 $0x9;
	_ =	strace $0x80000048  }
0xb4: {  	_ =	swait.ge [sflag:s29], $0x1  }
0xb5: {  	[sflag:s29] =	ssyncadd.s32 $0xFFFFFFFF  }
0xb6: {  	_ =	strace $0x90000048  }
0xb7: {  	_ =	sfence  }
0xb8: {  	s30 =	sld [smem:$0x0];
	_ =	sdelay $0x2  }
0xb9: {  	s31 =	sshll.u32 s1, $0xD;
	s1 =	sshrl.u32 s1, $0x2  }
0xba: {  	s3 =	sand.u32 $0x4000, s31;
	s1 =	sadd.s32 s1, s30  }
0xbb: {  	s0 =	sor.u32 s3, s0;
	s1 =	sshll.u32 s1, $0x11  }
0xbc: {  	s0 =	sor.u32 s1, s0  }
0xbd: {  	s0 =	sadd.s32 $0x8F2B, s0  }
0xbe: {  	[sflag:s0] =	ssyncadd.remote.s32 $0x1  }
0xbf: {  	_ =	sfence.sel $0xFFFF  }
0xc0: {  	[dreg:$0x0] =	wrdreg $0xFFFFFFFF;
	(pc) =	sbr.abs _section_cstart, $3  }
0xc1: {  	[dreg:$0x1] =	wrdreg $0xFFFFFFFF  }
0xc2: {  	_ =	task.clear_ibuf [dreg:s7], $0x2FFFF;
	_ =	strace $0x9FFFFFFF  }
0xc3: {  	(tm) =	ssettm $0x7FFFFFFF  }
tec
execute0_lowered:
.L_overlay_start_1:
0x0: {  	(tag) =	ssettag $0x1  }
0x1: {  	s10 =	rddreg [dreg:$0x0]  }
0x2: {  	s6 =	rddreg [dreg:$0x1]  }
0x3: {  	s1 =	rddreg [dreg:$0x2]  }
0x4: {  	s0 =	rddreg [dreg:$0x3];
	s2 =	simm.s32 $0x0  }
0x5: {  	s5 =	srdreg.scid;
	s3 =	stileid.u32;
	s15 =	simm.s32 $0x17A00  }
0x6: {  	s16 =	simm.s32 $0x1;
	s17 =	simm.s32 $0x0;
	[smem:$0x7FF] =	sst s2  }
0x7: {  	s4 =	sadd.s32 $0x17800, s10;
	s7 =	sand.u32 $0x1, s5;
	s9 =	smul.u32 $0x1400, s3  }
0x8: {  	s5 =	sadd.s32 $0x16C00, s10;
	s31 =	sshll.u32 s3, $0x6;
	_ =	strace $0x80000047  }
0x9: {  	s8 =	ssub.s32 $0x2, s7;
	s11 =	sshll.u32 s7, $0x4;
	p0 =	seq.s32 s7, $0x1  }
0xa: {  	s7 =	sor.u32 $0x1C02, s31;
	s12 =	sshrl.u32 s8, $0x1;
	s13 =	sor.u32 s3, s11  }
0xb: {  	s29 =	sshrl.u32 s9, $0x3;
	s14 =	sadd.s32 s9, s1;
	s15 =	simm.s32 @!p0 $0x1A200  }
0xc: {  	s9 =	sadd.s32 $0x16940, s10;
	s28 =	ssub.s32 s8, s12;
	s30 =	smul.u32 $0x2800, s13  }
0xd: {  	s6 =	sadd.s32 s6, s29;
	s15 =	sadd.s32 s15, s10;
	p0 =	seq.s32 s13, $0x1F  }
0xe: {  	s12 =	sshrl.u32 s14, $0x3;
	s13 =	simm.s32 $0x2;
	s8 =	sshrl.u32 s30, $0x3  }
0xf: {  	s14 =	simm.s32 $0x2800;
	s11 =	sadd.s32 s15, s29;
	s8 =	sadd.s32 s10, s8  }
0x10: {  	s15 =	simm.s32 $0x80;
	s10 =	smax.u32 s28, $0x1;
	s8 =	sadd.s32 $0xCE40, s8  }
.LBB2_1:
0x11: {  	[spmem:s12], [sflag:s7] =	dma.local [hbm:s6], $0x280  }
0x12: {  	_ =	swait.ge [sflag:s13], $0x280  }
0x13: {  	[sflag:s13] =	ssyncset.done $0x0  }
0x14: {  	[sflag:s13] =	ssyncadd.s32 $0xFFFFFD80  }
0x15: {  	[tilespmem:s14], [sflag:$0x2] =	stream.linear.gather [hbm4b:s4+s2], $0x400, $0x38;
	[tilespmem:$0x4000] =	vst v63  }
0x16: {  	_ =	swait.ge [sflag:s13], $0x400  }
0x17: {  	[sflag:s13] =	ssyncset.done $0x0  }
0x18: {  	s18 =	simm.s32 @p0 $0x0;
	s19 =	simm.s32 @p0 $0x2;
	[sflag:s13] =	ssyncadd.s32 $0xFFFFFC00  }
0x19: {  	[tilespmem:s18], [sflag:$0x2] =	stream.linear.gather @p0 [hbm4b:s9+s18], $0xA00, $0x38;
	[tilespmem:$0x4000] =	vst v63  }
0x1a: {  	_ =	swait.ge @p0 [sflag:s19], $0xA00  }
0x1b: {  	[sflag:s19] =	ssyncset.done @p0 $0x0  }
0x1c: {  	s20 =	simm.s32 @p0 $0xA00;
	[sflag:s19] =	ssyncadd.s32 @p0 $0xFFFFF600  }
0x1d: {  	[tilespmem:s20], [sflag:$0x2] =	stream.linear.gather @p0 [hbm4b:s5+s18], $0x1E00, $0x38;
	[tilespmem:$0x4000] =	vst v63  }
0x1e: {  	_ =	swait.ge @p0 [sflag:s19], $0x1E00  }
0x1f: {  	[sflag:s19] =	ssyncset.done @p0 $0x0  }
0x20: {  	s18 =	simm.s32 @!p0 $0x0;
	[sflag:s19] =	ssyncadd.s32 @p0 $0xFFFFE200  }
0x21: {  	[tilespmem:s18], [sflag:$0x2] =	stream.linear.gather @!p0 [hbm4b:s8+s18], $0x2800, $0x38;
	[tilespmem:$0x4000] =	vst v63  }
0x22: {  	s18 =	simm.s32 @!p0 $0x2  }
0x23: {  	_ =	swait.ge @!p0 [sflag:s18], $0x2800  }
0x24: {  	[sflag:s18] =	ssyncset.done @!p0 $0x0  }
0x25: {  	p1 =	por $0x1, $0x1;
	[sflag:s18] =	ssyncadd.s32 @!p0 $0xFFFFD800  }
0x26: {  	s20 =	simm.s32 @!p1 $0x1;
	[bflag:$0x0] =	sbarrier.arrive $0xFFFF  }
0x27: {  	[spmem:s1] =	stream.indirect.scatter.add.f32 [tilespmem:s14], [sflag:$0x1], $0x8, s2, s15, $0xb8;
	[tilespmem:$0x4000] =	vst v63  }
0x28: {  	_ =	swait.ge @!p1 [sflag:s20], $0x400  }
0x29: {  	s19 =	simm.s32 $0x0;
	s18 =	simm.s32 $0x1;
	[sflag:s20] =	ssyncset.done @!p1 $0x0  }
.LBB2_2:
0x2a: {  	[sflag:s20] =	ssyncadd.s32 @!p1 $0xFFFFFC00  }
0x2b: {  	s19 =	sadd.s32 $0x80, s19;
	s20 =	smov.u32 s18;
	s18 =	sadd.s32 $0x1, s18  }
0x2c: {  	p2 =	sne.s32 s18, $0x50  }
0x2d: {  	[spmem:s1] =	stream.indirect.scatter.add.f32 [tilespmem:s14], [sflag:$0x1], $0x8, s19, s15, $0xb8;
	[tilespmem:$0x4000] =	vst v63  }
.Ltmp0:
0x2e: {  	_ = 	snop;
	(pc) =	sbr.rel @p2 .LBB2_2-.Ltmp0, $4  }
0x2f: {  	p1 =	slt.u32 s20, $0x8  }
0x30: {  	s20 =	simm.s32 @!p1 $0x1  }
0x31: {  	_ =	swait.ge @!p1 [sflag:s20], $0x400  }
0x32: {  	[sflag:s20] =	ssyncset.done @!p1 $0x0  }
0x33: {  	[sflag:s20] =	ssyncadd.s32 @!p1 $0xFFFFFC00  }
0x34: {  	_ =	swait.ge [sflag:s16], $0x400  }
0x35: {  	[sflag:s16] =	ssyncset.done $0x0  }
0x36: {  	[sflag:s16] =	ssyncadd.s32 $0xFFFFFC00  }
0x37: {  	_ =	swait.ge [sflag:s16], $0x400  }
0x38: {  	[sflag:s16] =	ssyncset.done $0x0  }
0x39: {  	[sflag:s16] =	ssyncadd.s32 $0xFFFFFC00  }
0x3a: {  	_ =	swait.ge [sflag:s16], $0x400  }
0x3b: {  	[sflag:s16] =	ssyncset.done $0x0  }
0x3c: {  	[sflag:s16] =	ssyncadd.s32 $0xFFFFFC00  }
0x3d: {  	_ =	swait.ge [sflag:s16], $0x400  }
0x3e: {  	[sflag:s16] =	ssyncset.done $0x0  }
0x3f: {  	[sflag:s16] =	ssyncadd.s32 $0xFFFFFC00  }
0x40: {  	_ =	swait.ge [sflag:s16], $0x400  }
0x41: {  	[sflag:s16] =	ssyncset.done $0x0  }
0x42: {  	[sflag:s16] =	ssyncadd.s32 $0xFFFFFC00  }
0x43: {  	_ =	swait.ge [sflag:s16], $0x400  }
0x44: {  	[sflag:s16] =	ssyncset.done $0x0  }
0x45: {  	[sflag:s16] =	ssyncadd.s32 $0xFFFFFC00  }
0x46: {  	_ =	swait.ge [sflag:s16], $0x400  }
0x47: {  	[sflag:s16] =	ssyncset.done $0x0  }
0x48: {  	[sflag:s16] =	ssyncadd.s32 $0xFFFFFC00  }
0x49: {  	_ =	swait.ge [sflag:s16], $0x400  }
0x4a: {  	s17 =	sadd.s32 $0x1, s17;
	[sflag:s16] =	ssyncset.done $0x0  }
0x4b: {  	p1 =	sne.s32 s17, s10;
	[sflag:s16] =	ssyncadd.s32 $0xFFFFFC00  }
.Ltmp1:
0x4c: {  	[bflag:$0x0] =	sbarrier.arrive $0xFFFF;
	(pc) =	sbr.rel @p1 .LBB2_1-.Ltmp1, $4  }
0x4d: {  	[hbm:s11], [sflag:s7] =	dma.local [spmem:s12], $0x280  }
0x4e: {  	_ =	swait.ge [sflag:s13], $0x280  }
0x4f: {  	[sflag:s13] =	ssyncset.done $0x0  }
0x50: {  	[sflag:s13] =	ssyncadd.s32 $0xFFFFFD80  }
0x51: {  	_ =	sfence.sel $0x180000  }
0x52: {  	[bflag:$0x0] =	sbarrier.arrive $0xFFFF  }
0x53: {  	p0 =	sne.s32 s3, $0x0;
	_ =	strace $0x90000047  }
0x54: {  	s0 =	sadd.s32 @!p0 $0x100000, s0;
	[bflag:$0x2] =	sbarrier.arrive $0xFFFF  }
0x55: {  	[sflag:s0] =	ssyncadd.tile.s32 @!p0 $0x1;
	_ =	shalt  }
.Lfunc_end2:
_tile_overlayer_lowered:
.L_overlay_start_2:
0x56: {  	(tag) =	ssettag $0x2  }
0x57: {  	s0 =	rddreg [dreg:$0x0];
	s2 =	stileid.u32  }
0x58: {  	s1 =	rddreg [dreg:$0x1];
	p0 =	sne.s32 s2, $0x0  }
0x59: {  	s3 =	rddreg [dreg:$0x2];
	[bflag:$0x3] =	sbarrier.arrive $0xFFFF;
	s2 =	simm.s32 @!p0 $0x1C02  }
0x5a: {  	[timem:s3], [sflag:s2] =	dma.local @!p0 [hbm:s0], s1  }
0x5b: {  	s0 =	simm.s32 @!p0 $0x2  }
0x5c: {  	_ =	swait.ge @!p0 [sflag:s0], s1  }
0x5d: {  	s1 =	ssub.s32 @!p0 $0x0, s1;
	[sflag:s0] =	ssyncset.done @!p0 $0x0  }
0x5e: {  	[sflag:s0] =	ssyncadd.s32 @!p0 s1  }
0x5f: {  	[bflag:$0x3] =	sbarrier.arrive $0xFFFF  }
0x60: {  	_ =	shalt  }

</sc_bundles>
